<compile_context>
chip_gen: v7x
topology: tpu7x:2x2x1
jax: 0.10.2.dev20260603
libtpu: 0.0.44.dev20260713+nightly
codegen_flags: <defaults>
</compile_context>

<pallas_src>
import functools
import math

import jax
import jax.numpy as jnp
from jax import lax
from jax.experimental import pallas as pl
from jax.experimental.pallas import tpu as pltpu
from jax.experimental.pallas import tpu_sc as plsc

_H = 128
_NUM_GRAPHS = 16
_DEPTH = 3


def _rup(n, m=256):
    return ((n + m - 1) // m) * m



def _mm_kernel(a_ref, b_ref, o_ref, *, trans_a, trans_b, diag_one_n, bm, bn):
    @pl.when(pl.program_id(2) == 0)
    def _init():
        o_ref[...] = jnp.zeros_like(o_ref)
    a = a_ref[...]
    b = b_ref[...]
    if trans_a:
        dims = (((0,), (0,)), ((), ()))
    elif trans_b:
        dims = (((1,), (1,)), ((), ()))
    else:
        dims = (((1,), (0,)), ((), ()))
    acc = jax.lax.dot_general(a, b, dims, preferred_element_type=jnp.float32)
    o_ref[...] += acc.astype(o_ref.dtype)
    if diag_one_n is not None:
        @pl.when(pl.program_id(2) == pl.num_programs(2) - 1)
        def _diag():
            rows = pl.program_id(0) * bm + jax.lax.broadcasted_iota(
                jnp.int32, (bm, bn), 0)
            cols = pl.program_id(1) * bn + jax.lax.broadcasted_iota(
                jnp.int32, (bm, bn), 1)
            o_ref[...] = jnp.where((rows == cols) & (rows < diag_one_n),
                                   1.0, o_ref[...])


def _mm(a, b, trans_a=False, trans_b=False, bm=256, bn=256, bk=256,
        diag_one_n=None, out_dtype=jnp.float32):
    if trans_a:
        k, m = a.shape
    else:
        m, k = a.shape
    n = b.shape[0] if trans_b else b.shape[1]
    bm = min(bm, m)
    bn = min(bn, n)
    bk = min(bk, k)
    if trans_a:
        a_spec = pl.BlockSpec((bk, bm), lambda i, j, q: (q, i))
    else:
        a_spec = pl.BlockSpec((bm, bk), lambda i, j, q: (i, q))
    if trans_b:
        b_spec = pl.BlockSpec((bn, bk), lambda i, j, q: (j, q))
    else:
        b_spec = pl.BlockSpec((bk, bn), lambda i, j, q: (q, j))
    return pl.pallas_call(
        functools.partial(_mm_kernel, trans_a=trans_a, trans_b=trans_b,
                          diag_one_n=diag_one_n, bm=bm, bn=bn),
        grid=(m // bm, n // bn, k // bk),
        in_specs=[a_spec, b_spec],
        out_specs=pl.BlockSpec((bm, bn), lambda i, j, q: (i, j)),
        out_shape=jax.ShapeDtypeStruct((m, n), out_dtype),
        compiler_params=pltpu.CompilerParams(
            dimension_semantics=("parallel", "parallel", "arbitrary")),
    )(a, b)


def _cast_kernel(a_ref, o_ref):
    o_ref[...] = a_ref[...].astype(o_ref.dtype)


def _to_bf16(a, blk=512):
    m, n = a.shape
    bm, bn = min(blk, m), min(blk, n)
    return pl.pallas_call(
        _cast_kernel,
        grid=(m // bm, n // bn),
        in_specs=[pl.BlockSpec((bm, bn), lambda i, j: (i, j))],
        out_specs=pl.BlockSpec((bm, bn), lambda i, j: (i, j)),
        out_shape=jax.ShapeDtypeStruct((m, n), jnp.bfloat16),
    )(a)



_NW = 32
_EC = 128


def _sc_agg_body(y_hbm, src_hbm, dst_hbm, zrows_hbm, out_hbm,
                 idx_s, idx_d, rows_v, acc, sem):
    c = lax.axis_index("c")
    s = lax.axis_index("s")
    wid = s * 2 + c
    nchunks = src_hbm.shape[1]
    p0 = acc.shape[0]
    stripe = p0 // 16
    pltpu.sync_copy(zrows_hbm, acc.at[pl.ds(s * stripe, stripe)])
    plsc.subcore_barrier()

    def chunk(i, carry):
        pltpu.sync_copy(src_hbm.at[wid, i], idx_s)
        pltpu.async_copy(y_hbm.at[idx_s], rows_v, sem).wait()
        pltpu.sync_copy(dst_hbm.at[wid, i], idx_d)
        pltpu.sync_copy(rows_v, acc.at[idx_d], add=True)
        return carry

    lax.fori_loop(0, nchunks, chunk, 0)
    plsc.subcore_barrier()
    pltpu.sync_copy(acc.at[pl.ds(s * stripe, stripe)],
                    out_hbm.at[c].at[pl.ds(s * stripe, stripe)])


def _sc_edge_agg(y, srcp, dstp, zrows):
    p0 = y.shape[0]
    kern = pl.kernel(
        _sc_agg_body,
        out_type=jax.ShapeDtypeStruct((2, p0, _H), jnp.float32),
        mesh=plsc.VectorSubcoreMesh(core_axis_name="c", subcore_axis_name="s"),
        scratch_types=[
            pltpu.VMEM((_EC,), jnp.int32),
            pltpu.VMEM((_EC,), jnp.int32),
            pltpu.VMEM((_EC, _H), jnp.float32),
            pltpu.VMEM_SHARED((p0, _H), jnp.float32),
            pltpu.SemaphoreType.DMA,
        ],
    )
    return kern(y, srcp, dstp, zrows)



def _head_kernel(g_ref, lw_ref, lb_ref, bg_ref, bb_ref, ow_ref, ob_ref,
                 o_ref):
    inv = 1.0 / jnp.sqrt(1.0 + 1e-5)
    g = g_ref[...]
    for i in range(3):
        g = g * inv * bg_ref[i][None, :] + bb_ref[i][None, :]
        g = jnp.tanh(jnp.dot(g, lw_ref[i], preferred_element_type=jnp.float32)
                     + lb_ref[i][None, :])
    g = g * inv * bg_ref[3][None, :] + bb_ref[3][None, :]
    o_ref[...] = (jnp.dot(g, ow_ref[...], preferred_element_type=jnp.float32)
                  + ob_ref[0][None, :])


def _head(g0, lin_W, lin_b, bn_g, bn_b, out_W_pad, out_b_pad):
    return pl.pallas_call(
        _head_kernel,
        out_shape=jax.ShapeDtypeStruct((_NUM_GRAPHS, _H), jnp.float32),
    )(g0, lin_W, lin_b, bn_g, bn_b, out_W_pad, out_b_pad)



def _pad_rows(x, p):
    return jnp.pad(x, ((0, p - x.shape[0]), (0, 0)))


def _dense_dis(B, mask):
    deg = jnp.sum(B, axis=1) + mask
    return jnp.where(deg > 0.0, deg ** -0.5, 0.0)


def _gcn_dense(B, dis, mask, h_in, W, b, relu):
    y = dis[:, None] * _mm(h_in, W, bm=256, bn=128, bk=128)
    agg = _mm(B, y, bm=256, bn=128, bk=256) + y
    h = dis[:, None] * agg + b[None, :] * mask[:, None]
    return jnp.maximum(h, 0.0) if relu else h


def _score(h, w):
    return jnp.tanh((h @ w) / jnp.linalg.norm(w))


def kernel(x, edge_index, batch, down_W, down_b, pool_w, up_W, up_b,
           lin_W, lin_b, bn_g, bn_b, out_W, out_b):
    f32 = jnp.float32
    n0 = x.shape[0]
    L = [n0]
    for _ in range(_DEPTH):
        L.append(int(math.ceil(0.5 * L[-1])))
    P = [_rup(l) for l in L]

    src = edge_index[0]
    dst = edge_index[1]
    selfloop = src == dst

    selfi = selfloop.astype(jnp.int32)
    cnt = jnp.zeros((2 * n0,), f32).at[dst + n0 * selfi].add(1.0)
    indeg = cnt[:n0] + cnt[n0:]
    selfc = cnt[n0:]
    dfix = jnp.where(selfc == 0.0, 2.0, 0.0)
    dis0 = (indeg + dfix) ** -0.5
    dis0p = jnp.pad(dis0, (0, P[0] - n0))

    ne = edge_index.shape[1]
    npad = _NW * _EC * int(math.ceil(ne / (_NW * _EC)))
    srcp = jnp.pad(src, (0, npad - ne)).reshape(_NW, -1, _EC).astype(jnp.int32)
    dstp = jnp.pad(dst, (0, npad - ne), constant_values=n0)
    dstp = dstp.reshape(_NW, -1, _EC).astype(jnp.int32)
    zrows = jnp.zeros((P[0] // 16, _H), f32)

    def gcn0(h_pad, W, b, relu):
        y = dis0p[:, None] * _mm(h_pad, W, bm=256, bn=128, bk=128)
        parts = _sc_edge_agg(y, srcp, dstp, zrows)
        agg = parts[0, :n0] + parts[1, :n0]
        yl = y[:n0]
        h = dis0[:, None] * (agg + dfix[:, None] * yl) + b[None, :]
        if relu:
            h = jnp.maximum(h, 0.0)
        return _pad_rows(h, P[0])

    x_pad = _pad_rows(x, P[0])
    h0 = gcn0(x_pad, down_W[0], down_b[0], relu=True)

    masks = [(jnp.arange(p) < l).astype(f32) for p, l in zip(P, L)]

    vals1, perm1 = jax.lax.top_k(_score(h0[:n0], pool_w[0]), L[1])
    inv1 = jnp.full((n0,), P[1], jnp.int32).at[perm1].set(
        jnp.arange(L[1], dtype=jnp.int32))
    keep = ~selfloop
    rd = jnp.where(keep, inv1[dst], P[1])
    rs = jnp.where(keep, inv1[src], P[1])
    ar1 = jnp.arange(L[1])
    sz = P[1] * P[0]
    oob = 2 * sz
    fidx = jnp.concatenate([
        jnp.where(rd < P[1], rd * P[0] + src, oob),
        jnp.where(rs < P[1], sz + dst * P[1] + rs, oob),
        ar1 * P[0] + perm1,
        sz + perm1 * P[1] + ar1,
    ])
    flat = jnp.zeros((2 * sz,), f32).at[fidx].add(1.0)
    Ar = flat[:sz].reshape(P[1], P[0])
    Ac = flat[sz:].reshape(P[0], P[1])
    B1 = _mm(_to_bf16(Ar), _to_bf16(Ac), bm=512, bn=512, bk=1024,
             diag_one_n=L[1])
    dis1 = _dense_dis(B1, masks[1])
    h1_in = _pad_rows(h0[:n0][perm1] * vals1[:, None], P[1])
    h1 = _gcn_dense(B1, dis1, masks[1], h1_in, down_W[1], down_b[1], True)

    def next_level(B, h, lvl, pw):
        lp, lc = L[lvl - 1], L[lvl]
        pc = P[lvl]
        vals, perm = jax.lax.top_k(_score(h[:lp], pw), lc)
        permp = jnp.concatenate(
            [perm.astype(jnp.int32), jnp.full((pc - lc,), -1, jnp.int32)])
        hot = permp[:, None] == jnp.arange(B.shape[0], dtype=jnp.int32)[None, :]
        S = hot.astype(f32)
        S16 = hot.astype(jnp.bfloat16)
        B16 = _to_bf16(B)
        Rr = _mm(S16, B16, bm=256, bn=512, bk=256,
                 out_dtype=jnp.bfloat16)
        Rc = _mm(B16, S16, trans_b=True, bm=256, bn=256, bk=512,
                 out_dtype=jnp.bfloat16)
        Bn = _mm(Rr, Rc, bm=256, bn=256, bk=512, diag_one_n=lc)
        h_in = _pad_rows(h[:lp][perm] * vals[:, None], pc)
        return Bn, h_in, S

    B2, h2_in, S2 = next_level(B1, h1, 2, pool_w[1])
    dis2 = _dense_dis(B2, masks[2])
    h2 = _gcn_dense(B2, dis2, masks[2], h2_in, down_W[2], down_b[2], True)

    B3, h3_in, S3 = next_level(B2, h2, 3, pool_w[2])
    dis3 = _dense_dis(B3, masks[3])
    h3 = _gcn_dense(B3, dis3, masks[3], h3_in, down_W[3], down_b[3], True)

    u = _mm(S3, h3, trans_a=True, bm=256, bn=128, bk=256)
    h = _gcn_dense(B2, dis2, masks[2], h2 + u, up_W[0], up_b[0], True)

    u = _mm(S2, h, trans_a=True, bm=256, bn=128, bk=256)
    h = _gcn_dense(B1, dis1, masks[1], h1 + u, up_W[1], up_b[1], True)

    u = jnp.zeros((n0, _H), f32).at[perm1].set(h[:L[1]])
    h = gcn0(_pad_rows(h0[:n0] + u, P[0]), up_W[2], up_b[2], relu=False)

    onehot = (batch[None, :] == jnp.arange(_NUM_GRAPHS)[:, None]).astype(f32)
    onehot = jnp.pad(onehot, ((0, 0), (0, P[0] - n0)))
    g0 = _mm(onehot, h, bm=16, bn=128, bk=256)
    ow = jnp.pad(out_W, ((0, 0), (0, _H - out_W.shape[1])))
    ob = jnp.pad(out_b, (0, _H - out_b.shape[0]))[None, :]
    out = _head(g0, lin_W, lin_b, bn_g, bn_b, ow, ob)
    return out[:, :out_W.shape[1]]

# --- scband reference (transcript-rebuilt; emitter-appended) ---
"""Pipeline reference for scband-loop-closure-unet-87565793231058 (READ-ONLY COPY).

The authoritative reference and input builder live on the scoring server;
editing this copy changes nothing except your own understanding.
"""

import jax, jax.numpy as jnp
import numpy as np
import math

N = 10000
E = 160000
F_IN = 128
H = 128
F_OUT = 32
DEPTH = 3
NUM_GRAPHS = 16

def _gcn(x, A, W, b):
    # GCNConv(improved=True): add self loops (fill 2.0 where missing), sym-normalize, aggregate
    d = jnp.diagonal(A)
    At = A + jnp.diag(jnp.where(d == 0.0, 2.0, d) - d)
    deg = jnp.sum(At, axis=1)
    dis = jnp.where(deg > 0.0, deg ** -0.5, 0.0)
    return dis[:, None] * (At @ (dis[:, None] * (x @ W))) + b

def _augment(A):
    # GraphUNet.augment_adj: remove self loops, add self loops (w=1), A @ A (spspmm), remove self loops
    d = jnp.diagonal(A)
    A1 = A + jnp.diag(1.0 - d)
    A2 = A1 @ A1
    return A2 - jnp.diag(jnp.diagonal(A2))

def _pool(x, A, w, ratio=0.5):
    # TopKPooling with tanh nonlinearity
    score = jnp.tanh((x @ w) / jnp.linalg.norm(w))
    k = int(math.ceil(ratio * x.shape[0]))
    vals, perm = jax.lax.top_k(score, k)
    xn = x[perm] * vals[:, None]
    An = A[perm][:, perm]
    return xn, An, perm

def _bn(h, g, b):
    # BatchNorm1d in eval mode: running_mean=0, running_var=1, eps=1e-5
    return h / jnp.sqrt(1.0 + 1e-5) * g + b

def _forward(x, edge_index, batch, down_W, down_b, pool_w, up_W, up_b, lin_W, lin_b, bn_g, bn_b, out_W, out_b):
    n = x.shape[0]
    A = jnp.zeros((n, n), dtype=jnp.float32).at[edge_index[1], edge_index[0]].add(1.0)
    # dropout p=0.92 is identity in eval mode
    h = jax.nn.relu(_gcn(x, A, down_W[0], down_b[0]))
    xs = [h]
    As = [A]
    perms = []
    Acur = A
    for i in range(1, DEPTH + 1):
        Acur = _augment(Acur)
        h, Acur, perm = _pool(h, Acur, pool_w[i - 1])
        h = jax.nn.relu(_gcn(h, Acur, down_W[i], down_b[i]))
        if i < DEPTH:
            xs.append(h)
            As.append(Acur)
        perms.append(perm)
    for i in range(DEPTH):
        j = DEPTH - 1 - i
        res = xs[j]
        up = jnp.zeros_like(res).at[perms[j]].set(h)
        h = res + up
        h = _gcn(h, As[j], up_W[i], up_b[i])
        if i < DEPTH - 1:
            h = jax.nn.relu(h)
    g = jax.ops.segment_sum(h, batch, num_segments=NUM_GRAPHS)
    for i in range(3):
        g = _bn(g, bn_g[i], bn_b[i])
        g = jnp.tanh(g @ lin_W[i] + lin_b[i])
    g = _bn(g, bn_g[3], bn_b[3])
    return g @ out_W + out_b

def setup_inputs(seed: int = 0):
    key = jax.random.key(seed)
    ks = jax.random.split(key, 12)
    s = 1.0 / math.sqrt(H)
    return {
        "x": jax.random.normal(ks[0], (N, F_IN), dtype=jnp.float32),
        "edge_index": jax.random.randint(ks[1], (2, E), 0, N),
        "batch": jnp.sort(jax.random.randint(ks[2], (N,), 0, NUM_GRAPHS)),
        "down_W": jax.random.normal(ks[3], (DEPTH + 1, H, H), dtype=jnp.float32) * s,
        "down_b": jnp.zeros((DEPTH + 1, H), dtype=jnp.float32),
        "pool_w": jax.random.normal(ks[4], (DEPTH, H), dtype=jnp.float32) * s,
        "up_W": jax.random.normal(ks[5], (DEPTH, H, H), dtype=jnp.float32) * s,
        "up_b": jnp.zeros((DEPTH, H), dtype=jnp.float32),
        "lin_W": jax.random.normal(ks[6], (3, H, H), dtype=jnp.float32) * s,
        "lin_b": 0.01 * jax.random.normal(ks[7], (3, H), dtype=jnp.float32),
        "bn_g": 1.0 + 0.05 * jax.random.normal(ks[8], (4, H), dtype=jnp.float32),
        "bn_b": 0.05 * jax.random.normal(ks[9], (4, H), dtype=jnp.float32),
        "out_W": jax.random.normal(ks[10], (H, F_OUT), dtype=jnp.float32) * s,
        "out_b": jnp.zeros((F_OUT,), dtype=jnp.float32),
    }

def reference(x, edge_index, batch, down_W, down_b, pool_w, up_W, up_b, lin_W, lin_b, bn_g, bn_b, out_W, out_b):
    return _forward(x, edge_index, batch, down_W, down_b, pool_w, up_W, up_b, lin_W, lin_b, bn_g, bn_b, out_W, out_b)

if __name__ == "__main__":
    import jax
    _d = setup_inputs()
    print(jax.jit(kernel)(*tuple(_d.values())))

</pallas_src>

<mosaic_0001>
#map = affine_map<(d0, d1) -> (0, 0)>
#map1 = affine_map<(d0, d1) -> (0, 0, 0)>
module attributes {stable_mosaic.version = 14 : i64} {
  func.func @_sc_agg_body(%arg0: i32, %arg1: i32, %arg2: memref<10240x128xf32, #tpu.memory_space<hbm>>, %arg3: memref<32x40x128xi32, #tpu.memory_space<hbm>>, %arg4: memref<32x40x128xi32, #tpu.memory_space<hbm>>, %arg5: memref<640x128xf32, #tpu.memory_space<hbm>>, %arg6: memref<2x10240x128xf32, #tpu.memory_space<hbm>>, %arg7: memref<128xi32, #tpu.memory_space<vmem>>, %arg8: memref<128xi32, #tpu.memory_space<vmem>>, %arg9: memref<128x128xf32, #tpu.memory_space<vmem>>, %arg10: memref<10240x128xf32, #tpu.memory_space<vmem_shared>>, %arg11: memref<!tpu.dma_semaphore, #tpu.memory_space<semaphore_mem>>) attributes {dimension_semantics = [#tpu.dimension_semantics<core_parallel>, #tpu.dimension_semantics<subcore_parallel>], iteration_bounds = array<i64: 2, 16>, scalar_prefetch = 0 : i64, scratch_operands = 5 : i64, tpu.core_type = #tpu.core_type<sc_vector_subcore>, window_params = [{transform_indices = #map}, {transform_indices = #map1}, {transform_indices = #map1}, {transform_indices = #map}, {transform_indices = #map1}]} {
    %mul3A = arith.constant 2 : i32
    %mul3A_0 = arith.muli %arg1, %mul3A : i32
    %add3A = arith.addi %mul3A_0, %arg0 : i32
    %mul3A_1 = arith.constant 640 : i32
    %mul3A_2 = arith.muli %arg1, %mul3A_1 : i32
    "tpu.region"() ({
      %run_scoped3A = tpu.sem_alloc : memref<!tpu.dma_semaphore, #tpu.memory_space<semaphore_mem>>
      %dma_start3A = arith.constant 0 : i32
      %dma_start3A_13 = tpu.memref_slice %arg10[%mul3A_2, %dma_start3A] : memref<10240x128xf32, #tpu.memory_space<vmem_shared>> -> memref<640x128xf32, #tpu.memory_space<vmem_shared>>
      tpu.enqueue_dma source(%arg5 : memref<640x128xf32, #tpu.memory_space<hbm>>) target(%dma_start3A_13 : memref<640x128xf32, #tpu.memory_space<vmem_shared>>) target_semaphore(%run_scoped3A : memref<!tpu.dma_semaphore, #tpu.memory_space<semaphore_mem>>)
      %dma_wait3A = arith.constant 0 : i32
      %dma_wait3A_14 = tpu.memref_slice %arg10[%mul3A_2, %dma_wait3A] : memref<10240x128xf32, #tpu.memory_space<vmem_shared>> -> memref<640x128xf32, #tpu.memory_space<vmem_shared>>
      tpu.wait_dma2 semaphore(%run_scoped3A : memref<!tpu.dma_semaphore, #tpu.memory_space<semaphore_mem>>) src(%arg5 : memref<640x128xf32, #tpu.memory_space<hbm>>) dst(%dma_wait3A_14 : memref<640x128xf32, #tpu.memory_space<vmem_shared>>)
      tpu.yield
    }) : () -> ()
    %barrier3A = arith.constant 0 : index
    tpu.barrier barrier_id(%barrier3A)
    %scan3A = arith.constant 0 : i32
    %scan3A_3 = arith.constant 0 : i32
    %scan3A_4 = arith.constant 40 : i32
    %scan3A_5 = arith.addi %scan3A_3, %scan3A_4 : i32
    %scan3A_6 = arith.constant 1 : i32
    scf.for %scan3A_13 = %scan3A_3 to %scan3A_5 step %scan3A_6  : i32 {
      "tpu.region"() ({
        %run_scoped3A = tpu.sem_alloc : memref<!tpu.dma_semaphore, #tpu.memory_space<semaphore_mem>>
        %dma_start3A_18 = arith.constant 0 : i32
        %dma_start3A_19 = tpu.memref_slice %arg3[%add3A, %scan3A_13, %dma_start3A_18] : memref<32x40x128xi32, #tpu.memory_space<hbm>> -> memref<1x1x128xi32, #tpu.memory_space<hbm>>
        %dma_start3A_20 = tpu.memref_squeeze %dma_start3A_19 : memref<1x1x128xi32, #tpu.memory_space<hbm>> -> memref<128xi32, #tpu.memory_space<hbm>>
        %dma_start3A_21 = arith.constant 0 : i32
        %dma_start3A_22 = tpu.memref_slice %arg3[%add3A, %scan3A_13, %dma_start3A_21] : memref<32x40x128xi32, #tpu.memory_space<hbm>> -> memref<1x1x128xi32, #tpu.memory_space<hbm>>
        %dma_start3A_23 = tpu.memref_squeeze %dma_start3A_22 : memref<1x1x128xi32, #tpu.memory_space<hbm>> -> memref<128xi32, #tpu.memory_space<hbm>>
        tpu.enqueue_dma source(%dma_start3A_23 : memref<128xi32, #tpu.memory_space<hbm>>) target(%arg7 : memref<128xi32, #tpu.memory_space<vmem>>) target_semaphore(%run_scoped3A : memref<!tpu.dma_semaphore, #tpu.memory_space<semaphore_mem>>)
        %dma_wait3A_24 = arith.constant 0 : i32
        %dma_wait3A_25 = tpu.memref_slice %arg3[%add3A, %scan3A_13, %dma_wait3A_24] : memref<32x40x128xi32, #tpu.memory_space<hbm>> -> memref<1x1x128xi32, #tpu.memory_space<hbm>>
        %dma_wait3A_26 = tpu.memref_squeeze %dma_wait3A_25 : memref<1x1x128xi32, #tpu.memory_space<hbm>> -> memref<128xi32, #tpu.memory_space<hbm>>
        %dma_wait3A_27 = arith.constant 0 : i32
        %dma_wait3A_28 = tpu.memref_slice %arg3[%add3A, %scan3A_13, %dma_wait3A_27] : memref<32x40x128xi32, #tpu.memory_space<hbm>> -> memref<1x1x128xi32, #tpu.memory_space<hbm>>
        %dma_wait3A_29 = tpu.memref_squeeze %dma_wait3A_28 : memref<1x1x128xi32, #tpu.memory_space<hbm>> -> memref<128xi32, #tpu.memory_space<hbm>>
        tpu.wait_dma2 semaphore(%run_scoped3A : memref<!tpu.dma_semaphore, #tpu.memory_space<semaphore_mem>>) src(%dma_wait3A_29 : memref<128xi32, #tpu.memory_space<hbm>>) dst(%arg7 : memref<128xi32, #tpu.memory_space<vmem>>)
        tpu.yield
      }) : () -> ()
      %dma_start3A = arith.constant 0 : i32
      %dma_start3A_14 = arith.constant 0 : i32
      %dma_start3A_15 = tpu.memref_slice %arg2[%dma_start3A, %dma_start3A_14] : memref<10240x128xf32, #tpu.memory_space<hbm>> -> memref<10240x128xf32, #tpu.memory_space<hbm>>
      tpu.enqueue_indirect_dma source(%dma_start3A_15 : memref<10240x128xf32, #tpu.memory_space<hbm>>) target(%arg9 : memref<128x128xf32, #tpu.memory_space<vmem>>) offsets(%arg7 : memref<128xi32, #tpu.memory_space<vmem>>) semaphore(%arg11 : memref<!tpu.dma_semaphore, #tpu.memory_space<semaphore_mem>>)
      %dma_wait3A = arith.constant 0 : i32
      %dma_wait3A_16 = arith.constant 0 : i32
      %dma_wait3A_17 = tpu.memref_slice %arg2[%dma_wait3A, %dma_wait3A_16] : memref<10240x128xf32, #tpu.memory_space<hbm>> -> memref<10240x128xf32, #tpu.memory_space<hbm>>
      tpu.wait_indirect_dma semaphore(%arg11 : memref<!tpu.dma_semaphore, #tpu.memory_space<semaphore_mem>>) src(%dma_wait3A_17 : memref<10240x128xf32, #tpu.memory_space<hbm>>) dst(%arg9 : memref<128x128xf32, #tpu.memory_space<vmem>>)
      "tpu.region"() ({
        %run_scoped3A = tpu.sem_alloc : memref<!tpu.dma_semaphore, #tpu.memory_space<semaphore_mem>>
        %dma_start3A_18 = arith.constant 0 : i32
        %dma_start3A_19 = tpu.memref_slice %arg4[%add3A, %scan3A_13, %dma_start3A_18] : memref<32x40x128xi32, #tpu.memory_space<hbm>> -> memref<1x1x128xi32, #tpu.memory_space<hbm>>
        %dma_start3A_20 = tpu.memref_squeeze %dma_start3A_19 : memref<1x1x128xi32, #tpu.memory_space<hbm>> -> memref<128xi32, #tpu.memory_space<hbm>>
        %dma_start3A_21 = arith.constant 0 : i32
        %dma_start3A_22 = tpu.memref_slice %arg4[%add3A, %scan3A_13, %dma_start3A_21] : memref<32x40x128xi32, #tpu.memory_space<hbm>> -> memref<1x1x128xi32, #tpu.memory_space<hbm>>
        %dma_start3A_23 = tpu.memref_squeeze %dma_start3A_22 : memref<1x1x128xi32, #tpu.memory_space<hbm>> -> memref<128xi32, #tpu.memory_space<hbm>>
        tpu.enqueue_dma source(%dma_start3A_23 : memref<128xi32, #tpu.memory_space<hbm>>) target(%arg8 : memref<128xi32, #tpu.memory_space<vmem>>) target_semaphore(%run_scoped3A : memref<!tpu.dma_semaphore, #tpu.memory_space<semaphore_mem>>)
        %dma_wait3A_24 = arith.constant 0 : i32
        %dma_wait3A_25 = tpu.memref_slice %arg4[%add3A, %scan3A_13, %dma_wait3A_24] : memref<32x40x128xi32, #tpu.memory_space<hbm>> -> memref<1x1x128xi32, #tpu.memory_space<hbm>>
        %dma_wait3A_26 = tpu.memref_squeeze %dma_wait3A_25 : memref<1x1x128xi32, #tpu.memory_space<hbm>> -> memref<128xi32, #tpu.memory_space<hbm>>
        %dma_wait3A_27 = arith.constant 0 : i32
        %dma_wait3A_28 = tpu.memref_slice %arg4[%add3A, %scan3A_13, %dma_wait3A_27] : memref<32x40x128xi32, #tpu.memory_space<hbm>> -> memref<1x1x128xi32, #tpu.memory_space<hbm>>
        %dma_wait3A_29 = tpu.memref_squeeze %dma_wait3A_28 : memref<1x1x128xi32, #tpu.memory_space<hbm>> -> memref<128xi32, #tpu.memory_space<hbm>>
        tpu.wait_dma2 semaphore(%run_scoped3A : memref<!tpu.dma_semaphore, #tpu.memory_space<semaphore_mem>>) src(%dma_wait3A_29 : memref<128xi32, #tpu.memory_space<hbm>>) dst(%arg8 : memref<128xi32, #tpu.memory_space<vmem>>)
        tpu.yield
      }) : () -> ()
      "tpu.region"() ({
        %run_scoped3A = tpu.sem_alloc : memref<!tpu.dma_semaphore, #tpu.memory_space<semaphore_mem>>
        %dma_start3A_18 = arith.constant 0 : i32
        %dma_start3A_19 = arith.constant 0 : i32
        %dma_start3A_20 = tpu.memref_slice %arg10[%dma_start3A_18, %dma_start3A_19] : memref<10240x128xf32, #tpu.memory_space<vmem_shared>> -> memref<10240x128xf32, #tpu.memory_space<vmem_shared>>
        tpu.enqueue_indirect_dma source(%arg9 : memref<128x128xf32, #tpu.memory_space<vmem>>) target(%dma_start3A_20 : memref<10240x128xf32, #tpu.memory_space<vmem_shared>>) offsets(%arg8 : memref<128xi32, #tpu.memory_space<vmem>>) semaphore(%run_scoped3A : memref<!tpu.dma_semaphore, #tpu.memory_space<semaphore_mem>>) {add = true}
        %dma_wait3A_21 = arith.constant 0 : i32
        %dma_wait3A_22 = arith.constant 0 : i32
        %dma_wait3A_23 = tpu.memref_slice %arg10[%dma_wait3A_21, %dma_wait3A_22] : memref<10240x128xf32, #tpu.memory_space<vmem_shared>> -> memref<10240x128xf32, #tpu.memory_space<vmem_shared>>
        tpu.wait_indirect_dma semaphore(%run_scoped3A : memref<!tpu.dma_semaphore, #tpu.memory_space<semaphore_mem>>) src(%arg9 : memref<128x128xf32, #tpu.memory_space<vmem>>) dst(%dma_wait3A_23 : memref<10240x128xf32, #tpu.memory_space<vmem_shared>>)
        tpu.yield
      }) : () -> ()
    }
    %scan3A_7 = arith.constant 40 : i32
    %barrier3A_8 = arith.constant 0 : index
    tpu.barrier barrier_id(%barrier3A_8)
    %mul3A_9 = arith.constant 640 : i32
    %mul3A_10 = arith.muli %arg1, %mul3A_9 : i32
    %mul3A_11 = arith.constant 640 : i32
    %mul3A_12 = arith.muli %arg1, %mul3A_11 : i32
    "tpu.region"() ({
      %run_scoped3A = tpu.sem_alloc : memref<!tpu.dma_semaphore, #tpu.memory_space<semaphore_mem>>
      %dma_start3A = arith.constant 0 : i32
      %dma_start3A_13 = arith.constant 0 : i32
      %dma_start3A_14 = tpu.memref_slice %arg6[%arg0, %dma_start3A, %dma_start3A_13] : memref<2x10240x128xf32, #tpu.memory_space<hbm>> -> memref<1x10240x128xf32, #tpu.memory_space<hbm>>
      %dma_start3A_15 = tpu.memref_squeeze %dma_start3A_14 : memref<1x10240x128xf32, #tpu.memory_space<hbm>> -> memref<10240x128xf32, #tpu.memory_space<hbm>>
      %dma_start3A_16 = arith.constant 0 : i32
      %dma_start3A_17 = tpu.memref_slice %dma_start3A_15[%mul3A_12, %dma_start3A_16] : memref<10240x128xf32, #tpu.memory_space<hbm>> -> memref<640x128xf32, #tpu.memory_space<hbm>>
      %dma_start3A_18 = arith.constant 0 : i32
      %dma_start3A_19 = tpu.memref_slice %arg10[%mul3A_10, %dma_start3A_18] : memref<10240x128xf32, #tpu.memory_space<vmem_shared>> -> memref<640x128xf32, #tpu.memory_space<vmem_shared>>
      tpu.enqueue_dma source(%dma_start3A_19 : memref<640x128xf32, #tpu.memory_space<vmem_shared>>) target(%dma_start3A_17 : memref<640x128xf32, #tpu.memory_space<hbm>>) target_semaphore(%run_scoped3A : memref<!tpu.dma_semaphore, #tpu.memory_space<semaphore_mem>>)
      %dma_wait3A = arith.constant 0 : i32
      %dma_wait3A_20 = arith.constant 0 : i32
      %dma_wait3A_21 = tpu.memref_slice %arg6[%arg0, %dma_wait3A, %dma_wait3A_20] : memref<2x10240x128xf32, #tpu.memory_space<hbm>> -> memref<1x10240x128xf32, #tpu.memory_space<hbm>>
      %dma_wait3A_22 = tpu.memref_squeeze %dma_wait3A_21 : memref<1x10240x128xf32, #tpu.memory_space<hbm>> -> memref<10240x128xf32, #tpu.memory_space<hbm>>
      %dma_wait3A_23 = arith.constant 0 : i32
      %dma_wait3A_24 = tpu.memref_slice %dma_wait3A_22[%mul3A_12, %dma_wait3A_23] : memref<10240x128xf32, #tpu.memory_space<hbm>> -> memref<640x128xf32, #tpu.memory_space<hbm>>
      %dma_wait3A_25 = arith.constant 0 : i32
      %dma_wait3A_26 = tpu.memref_slice %arg10[%mul3A_10, %dma_wait3A_25] : memref<10240x128xf32, #tpu.memory_space<vmem_shared>> -> memref<640x128xf32, #tpu.memory_space<vmem_shared>>
      tpu.wait_dma2 semaphore(%run_scoped3A : memref<!tpu.dma_semaphore, #tpu.memory_space<semaphore_mem>>) src(%dma_wait3A_26 : memref<640x128xf32, #tpu.memory_space<vmem_shared>>) dst(%dma_wait3A_24 : memref<640x128xf32, #tpu.memory_space<hbm>>)
      tpu.yield
    }) : () -> ()
    return
  }
}

#map = affine_map<(d0, d1) -> (0, 0)>
#map1 = affine_map<(d0, d1) -> (0, 0, 0)>
module attributes {stable_mosaic.version = 14 : i64} {
  func.func @_sc_agg_body(%arg0: i32, %arg1: i32, %arg2: memref<10240x128xf32, #tpu.memory_space<hbm>>, %arg3: memref<32x40x128xi32, #tpu.memory_space<hbm>>, %arg4: memref<32x40x128xi32, #tpu.memory_space<hbm>>, %arg5: memref<640x128xf32, #tpu.memory_space<hbm>>, %arg6: memref<2x10240x128xf32, #tpu.memory_space<hbm>>, %arg7: memref<128xi32, #tpu.memory_space<vmem>>, %arg8: memref<128xi32, #tpu.memory_space<vmem>>, %arg9: memref<128x128xf32, #tpu.memory_space<vmem>>, %arg10: memref<10240x128xf32, #tpu.memory_space<vmem_shared>>, %arg11: memref<!tpu.dma_semaphore, #tpu.memory_space<semaphore_mem>>) attributes {dimension_semantics = [#tpu.dimension_semantics<core_parallel>, #tpu.dimension_semantics<subcore_parallel>], iteration_bounds = array<i64: 2, 16>, scalar_prefetch = 0 : i64, scratch_operands = 5 : i64, tpu.core_type = #tpu.core_type<sc_vector_subcore>, window_params = [{transform_indices = #map}, {transform_indices = #map1}, {transform_indices = #map1}, {transform_indices = #map}, {transform_indices = #map1}]} {
    %mul3A = arith.constant 2 : i32
    %mul3A_0 = arith.muli %arg1, %mul3A : i32
    %add3A = arith.addi %mul3A_0, %arg0 : i32
    %mul3A_1 = arith.constant 640 : i32
    %mul3A_2 = arith.muli %arg1, %mul3A_1 : i32
    "tpu.region"() ({
      %run_scoped3A = tpu.sem_alloc : memref<!tpu.dma_semaphore, #tpu.memory_space<semaphore_mem>>
      %dma_start3A = arith.constant 0 : i32
      %dma_start3A_13 = tpu.memref_slice %arg10[%mul3A_2, %dma_start3A] : memref<10240x128xf32, #tpu.memory_space<vmem_shared>> -> memref<640x128xf32, #tpu.memory_space<vmem_shared>>
      tpu.enqueue_dma source(%arg5 : memref<640x128xf32, #tpu.memory_space<hbm>>) target(%dma_start3A_13 : memref<640x128xf32, #tpu.memory_space<vmem_shared>>) target_semaphore(%run_scoped3A : memref<!tpu.dma_semaphore, #tpu.memory_space<semaphore_mem>>)
      %dma_wait3A = arith.constant 0 : i32
      %dma_wait3A_14 = tpu.memref_slice %arg10[%mul3A_2, %dma_wait3A] : memref<10240x128xf32, #tpu.memory_space<vmem_shared>> -> memref<640x128xf32, #tpu.memory_space<vmem_shared>>
      tpu.wait_dma2 semaphore(%run_scoped3A : memref<!tpu.dma_semaphore, #tpu.memory_space<semaphore_mem>>) src(%arg5 : memref<640x128xf32, #tpu.memory_space<hbm>>) dst(%dma_wait3A_14 : memref<640x128xf32, #tpu.memory_space<vmem_shared>>)
      tpu.yield
    }) : () -> ()
    %barrier3A = arith.constant 0 : index
    tpu.barrier barrier_id(%barrier3A)
    %scan3A = arith.constant 0 : i32
    %scan3A_3 = arith.constant 0 : i32
    %scan3A_4 = arith.constant 40 : i32
    %scan3A_5 = arith.addi %scan3A_3, %scan3A_4 : i32
    %scan3A_6 = arith.constant 1 : i32
    scf.for %scan3A_13 = %scan3A_3 to %scan3A_5 step %scan3A_6  : i32 {
      "tpu.region"() ({
        %run_scoped3A = tpu.sem_alloc : memref<!tpu.dma_semaphore, #tpu.memory_space<semaphore_mem>>
        %dma_start3A_18 = arith.constant 0 : i32
        %dma_start3A_19 = tpu.memref_slice %arg3[%add3A, %scan3A_13, %dma_start3A_18] : memref<32x40x128xi32, #tpu.memory_space<hbm>> -> memref<1x1x128xi32, #tpu.memory_space<hbm>>
        %dma_start3A_20 = tpu.memref_squeeze %dma_start3A_19 : memref<1x1x128xi32, #tpu.memory_space<hbm>> -> memref<128xi32, #tpu.memory_space<hbm>>
        %dma_start3A_21 = arith.constant 0 : i32
        %dma_start3A_22 = tpu.memref_slice %arg3[%add3A, %scan3A_13, %dma_start3A_21] : memref<32x40x128xi32, #tpu.memory_space<hbm>> -> memref<1x1x128xi32, #tpu.memory_space<hbm>>
        %dma_start3A_23 = tpu.memref_squeeze %dma_start3A_22 : memref<1x1x128xi32, #tpu.memory_space<hbm>> -> memref<128xi32, #tpu.memory_space<hbm>>
        tpu.enqueue_dma source(%dma_start3A_23 : memref<128xi32, #tpu.memory_space<hbm>>) target(%arg7 : memref<128xi32, #tpu.memory_space<vmem>>) target_semaphore(%run_scoped3A : memref<!tpu.dma_semaphore, #tpu.memory_space<semaphore_mem>>)
        %dma_wait3A_24 = arith.constant 0 : i32
        %dma_wait3A_25 = tpu.memref_slice %arg3[%add3A, %scan3A_13, %dma_wait3A_24] : memref<32x40x128xi32, #tpu.memory_space<hbm>> -> memref<1x1x128xi32, #tpu.memory_space<hbm>>
        %dma_wait3A_26 = tpu.memref_squeeze %dma_wait3A_25 : memref<1x1x128xi32, #tpu.memory_space<hbm>> -> memref<128xi32, #tpu.memory_space<hbm>>
        %dma_wait3A_27 = arith.constant 0 : i32
        %dma_wait3A_28 = tpu.memref_slice %arg3[%add3A, %scan3A_13, %dma_wait3A_27] : memref<32x40x128xi32, #tpu.memory_space<hbm>> -> memref<1x1x128xi32, #tpu.memory_space<hbm>>
        %dma_wait3A_29 = tpu.memref_squeeze %dma_wait3A_28 : memref<1x1x128xi32, #tpu.memory_space<hbm>> -> memref<128xi32, #tpu.memory_space<hbm>>
        tpu.wait_dma2 semaphore(%run_scoped3A : memref<!tpu.dma_semaphore, #tpu.memory_space<semaphore_mem>>) src(%dma_wait3A_29 : memref<128xi32, #tpu.memory_space<hbm>>) dst(%arg7 : memref<128xi32, #tpu.memory_space<vmem>>)
        tpu.yield
      }) : () -> ()
      %dma_start3A = arith.constant 0 : i32
      %dma_start3A_14 = arith.constant 0 : i32
      %dma_start3A_15 = tpu.memref_slice %arg2[%dma_start3A, %dma_start3A_14] : memref<10240x128xf32, #tpu.memory_space<hbm>> -> memref<10240x128xf32, #tpu.memory_space<hbm>>
      tpu.enqueue_indirect_dma source(%dma_start3A_15 : memref<10240x128xf32, #tpu.memory_space<hbm>>) target(%arg9 : memref<128x128xf32, #tpu.memory_space<vmem>>) offsets(%arg7 : memref<128xi32, #tpu.memory_space<vmem>>) semaphore(%arg11 : memref<!tpu.dma_semaphore, #tpu.memory_space<semaphore_mem>>)
      %dma_wait3A = arith.constant 0 : i32
      %dma_wait3A_16 = arith.constant 0 : i32
      %dma_wait3A_17 = tpu.memref_slice %arg2[%dma_wait3A, %dma_wait3A_16] : memref<10240x128xf32, #tpu.memory_space<hbm>> -> memref<10240x128xf32, #tpu.memory_space<hbm>>
      tpu.wait_indirect_dma semaphore(%arg11 : memref<!tpu.dma_semaphore, #tpu.memory_space<semaphore_mem>>) src(%dma_wait3A_17 : memref<10240x128xf32, #tpu.memory_space<hbm>>) dst(%arg9 : memref<128x128xf32, #tpu.memory_space<vmem>>)
      "tpu.region"() ({
        %run_scoped3A = tpu.sem_alloc : memref<!tpu.dma_semaphore, #tpu.memory_space<semaphore_mem>>
        %dma_start3A_18 = arith.constant 0 : i32
        %dma_start3A_19 = tpu.memref_slice %arg4[%add3A, %scan3A_13, %dma_start3A_18] : memref<32x40x128xi32, #tpu.memory_space<hbm>> -> memref<1x1x128xi32, #tpu.memory_space<hbm>>
        %dma_start3A_20 = tpu.memref_squeeze %dma_start3A_19 : memref<1x1x128xi32, #tpu.memory_space<hbm>> -> memref<128xi32, #tpu.memory_space<hbm>>
        %dma_start3A_21 = arith.constant 0 : i32
        %dma_start3A_22 = tpu.memref_slice %arg4[%add3A, %scan3A_13, %dma_start3A_21] : memref<32x40x128xi32, #tpu.memory_space<hbm>> -> memref<1x1x128xi32, #tpu.memory_space<hbm>>
        %dma_start3A_23 = tpu.memref_squeeze %dma_start3A_22 : memref<1x1x128xi32, #tpu.memory_space<hbm>> -> memref<128xi32, #tpu.memory_space<hbm>>
        tpu.enqueue_dma source(%dma_start3A_23 : memref<128xi32, #tpu.memory_space<hbm>>) target(%arg8 : memref<128xi32, #tpu.memory_space<vmem>>) target_semaphore(%run_scoped3A : memref<!tpu.dma_semaphore, #tpu.memory_space<semaphore_mem>>)
        %dma_wait3A_24 = arith.constant 0 : i32
        %dma_wait3A_25 = tpu.memref_slice %arg4[%add3A, %scan3A_13, %dma_wait3A_24] : memref<32x40x128xi32, #tpu.memory_space<hbm>> -> memref<1x1x128xi32, #tpu.memory_space<hbm>>
        %dma_wait3A_26 = tpu.memref_squeeze %dma_wait3A_25 : memref<1x1x128xi32, #tpu.memory_space<hbm>> -> memref<128xi32, #tpu.memory_space<hbm>>
        %dma_wait3A_27 = arith.constant 0 : i32
        %dma_wait3A_28 = tpu.memref_slice %arg4[%add3A, %scan3A_13, %dma_wait3A_27] : memref<32x40x128xi32, #tpu.memory_space<hbm>> -> memref<1x1x128xi32, #tpu.memory_space<hbm>>
        %dma_wait3A_29 = tpu.memref_squeeze %dma_wait3A_28 : memref<1x1x128xi32, #tpu.memory_space<hbm>> -> memref<128xi32, #tpu.memory_space<hbm>>
        tpu.wait_dma2 semaphore(%run_scoped3A : memref<!tpu.dma_semaphore, #tpu.memory_space<semaphore_mem>>) src(%dma_wait3A_29 : memref<128xi32, #tpu.memory_space<hbm>>) dst(%arg8 : memref<128xi32, #tpu.memory_space<vmem>>)
        tpu.yield
      }) : () -> ()
      "tpu.region"() ({
        %run_scoped3A = tpu.sem_alloc : memref<!tpu.dma_semaphore, #tpu.memory_space<semaphore_mem>>
        %dma_start3A_18 = arith.constant 0 : i32
        %dma_start3A_19 = arith.constant 0 : i32
        %dma_start3A_20 = tpu.memref_slice %arg10[%dma_start3A_18, %dma_start3A_19] : memref<10240x128xf32, #tpu.memory_space<vmem_shared>> -> memref<10240x128xf32, #tpu.memory_space<vmem_shared>>
        tpu.enqueue_indirect_dma source(%arg9 : memref<128x128xf32, #tpu.memory_space<vmem>>) target(%dma_start3A_20 : memref<10240x128xf32, #tpu.memory_space<vmem_shared>>) offsets(%arg8 : memref<128xi32, #tpu.memory_space<vmem>>) semaphore(%run_scoped3A : memref<!tpu.dma_semaphore, #tpu.memory_space<semaphore_mem>>) {add = true}
        %dma_wait3A_21 = arith.constant 0 : i32
        %dma_wait3A_22 = arith.constant 0 : i32
        %dma_wait3A_23 = tpu.memref_slice %arg10[%dma_wait3A_21, %dma_wait3A_22] : memref<10240x128xf32, #tpu.memory_space<vmem_shared>> -> memref<10240x128xf32, #tpu.memory_space<vmem_shared>>
        tpu.wait_indirect_dma semaphore(%run_scoped3A : memref<!tpu.dma_semaphore, #tpu.memory_space<semaphore_mem>>) src(%arg9 : memref<128x128xf32, #tpu.memory_space<vmem>>) dst(%dma_wait3A_23 : memref<10240x128xf32, #tpu.memory_space<vmem_shared>>)
        tpu.yield
      }) : () -> ()
    }
    %scan3A_7 = arith.constant 40 : i32
    %barrier3A_8 = arith.constant 0 : index
    tpu.barrier barrier_id(%barrier3A_8)
    %mul3A_9 = arith.constant 640 : i32
    %mul3A_10 = arith.muli %arg1, %mul3A_9 : i32
    %mul3A_11 = arith.constant 640 : i32
    %mul3A_12 = arith.muli %arg1, %mul3A_11 : i32
    "tpu.region"() ({
      %run_scoped3A = tpu.sem_alloc : memref<!tpu.dma_semaphore, #tpu.memory_space<semaphore_mem>>
      %dma_start3A = arith.constant 0 : i32
      %dma_start3A_13 = arith.constant 0 : i32
      %dma_start3A_14 = tpu.memref_slice %arg6[%arg0, %dma_start3A, %dma_start3A_13] : memref<2x10240x128xf32, #tpu.memory_space<hbm>> -> memref<1x10240x128xf32, #tpu.memory_space<hbm>>
      %dma_start3A_15 = tpu.memref_squeeze %dma_start3A_14 : memref<1x10240x128xf32, #tpu.memory_space<hbm>> -> memref<10240x128xf32, #tpu.memory_space<hbm>>
      %dma_start3A_16 = arith.constant 0 : i32
      %dma_start3A_17 = tpu.memref_slice %dma_start3A_15[%mul3A_12, %dma_start3A_16] : memref<10240x128xf32, #tpu.memory_space<hbm>> -> memref<640x128xf32, #tpu.memory_space<hbm>>
      %dma_start3A_18 = arith.constant 0 : i32
      %dma_start3A_19 = tpu.memref_slice %arg10[%mul3A_10, %dma_start3A_18] : memref<10240x128xf32, #tpu.memory_space<vmem_shared>> -> memref<640x128xf32, #tpu.memory_space<vmem_shared>>
      tpu.enqueue_dma source(%dma_start3A_19 : memref<640x128xf32, #tpu.memory_space<vmem_shared>>) target(%dma_start3A_17 : memref<640x128xf32, #tpu.memory_space<hbm>>) target_semaphore(%run_scoped3A : memref<!tpu.dma_semaphore, #tpu.memory_space<semaphore_mem>>)
      %dma_wait3A = arith.constant 0 : i32
      %dma_wait3A_20 = arith.constant 0 : i32
      %dma_wait3A_21 = tpu.memref_slice %arg6[%arg0, %dma_wait3A, %dma_wait3A_20] : memref<2x10240x128xf32, #tpu.memory_space<hbm>> -> memref<1x10240x128xf32, #tpu.memory_space<hbm>>
      %dma_wait3A_22 = tpu.memref_squeeze %dma_wait3A_21 : memref<1x10240x128xf32, #tpu.memory_space<hbm>> -> memref<10240x128xf32, #tpu.memory_space<hbm>>
      %dma_wait3A_23 = arith.constant 0 : i32
      %dma_wait3A_24 = tpu.memref_slice %dma_wait3A_22[%mul3A_12, %dma_wait3A_23] : memref<10240x128xf32, #tpu.memory_space<hbm>> -> memref<640x128xf32, #tpu.memory_space<hbm>>
      %dma_wait3A_25 = arith.constant 0 : i32
      %dma_wait3A_26 = tpu.memref_slice %arg10[%mul3A_10, %dma_wait3A_25] : memref<10240x128xf32, #tpu.memory_space<vmem_shared>> -> memref<640x128xf32, #tpu.memory_space<vmem_shared>>
      tpu.wait_dma2 semaphore(%run_scoped3A : memref<!tpu.dma_semaphore, #tpu.memory_space<semaphore_mem>>) src(%dma_wait3A_26 : memref<640x128xf32, #tpu.memory_space<vmem_shared>>) dst(%dma_wait3A_24 : memref<640x128xf32, #tpu.memory_space<hbm>>)
      tpu.yield
    }) : () -> ()
    return
  }
}

module attributes {stable_mosaic.version = 14 : i64} {
  func.func @_mm_kernel(%arg0: i32, %arg1: i32, %arg2: i32, %arg3: memref<256x128xf32, #tpu.memory_space<vmem>>, %arg4: memref<128x128xf32, #tpu.memory_space<vmem>>, %arg5: memref<256x128xf32, #tpu.memory_space<vmem>>) attributes {dimension_semantics = [#tpu.dimension_semantics<parallel>, #tpu.dimension_semantics<parallel>, #tpu.dimension_semantics<arbitrary>], iteration_bounds = array<i64: 40, 1, 1>, scalar_prefetch = 0 : i64, scratch_operands = 0 : i64, tpu.core_type = #tpu.core_type<tc>, window_params = [{transform_indices = @transform_0, window_bounds = array<i64: 256, 128>}, {transform_indices = @transform_1, window_bounds = array<i64: 128, 128>}, {transform_indices = @transform_2, window_bounds = array<i64: 256, 128>}]} {
    %eq3A = arith.constant 0 : i32
    %eq3A_0 = arith.cmpi eq, %arg2, %eq3A : i32
    %convert_element_type3A = arith.extui %eq3A_0 : i1 to i32
    %cond3A = arith.constant 0 : i32
    %cond3A_1 = arith.cmpi ne, %convert_element_type3A, %cond3A : i32
    scf.if %cond3A_1 {
      %broadcast_in_dim3A = arith.constant 0.000000e+00 : f32
      %broadcast_in_dim3A_13 = vector.broadcast %broadcast_in_dim3A : f32 to vector<256x128xf32>
      %swap3A_14 = arith.constant 0 : index
      %swap3A_15 = arith.constant 0 : index
      %swap3A_16 = vector.load %arg5[%swap3A_14, %swap3A_15] : memref<256x128xf32, #tpu.memory_space<vmem>>, vector<256x128xf32>
      tpu.vector_store %arg5[%swap3A_14, %swap3A_15], %broadcast_in_dim3A_13 {strides = array<i32>} : memref<256x128xf32, #tpu.memory_space<vmem>>, vector<256x128xf32>,
    } else {
    }
    %get3A = arith.constant 0 : index
    %get3A_2 = arith.constant 0 : index
    %get3A_3 = vector.load %arg3[%get3A, %get3A_2] : memref<256x128xf32, #tpu.memory_space<vmem>>, vector<256x128xf32>
    %get3A_4 = arith.constant 0 : index
    %get3A_5 = arith.constant 0 : index
    %get3A_6 = vector.load %arg4[%get3A_4, %get3A_5] : memref<128x128xf32, #tpu.memory_space<vmem>>, vector<128x128xf32>
    %dot_general3A = arith.constant dense<0.000000e+00> : vector<256x128xf32>
    %dot_general3A_7 = tpu.matmul %get3A_3, %get3A_6, %dot_general3A {dimension_numbers = #tpu.dot_dimension_numbers<[1], [0], [0], [1], [0, 0, 1, 1], [], []>, transpose_lhs_hint = false} : vector<256x128xf32>, vector<128x128xf32>, vector<256x128xf32> -> vector<256x128xf32>
    %get3A_8 = arith.constant 0 : index
    %get3A_9 = arith.constant 0 : index
    %get3A_10 = vector.load %arg5[%get3A_8, %get3A_9] : memref<256x128xf32, #tpu.memory_space<vmem>>, vector<256x128xf32>
    %add3A = arith.addf %get3A_10, %dot_general3A_7 : vector<256x128xf32>
    %swap3A = arith.constant 0 : index
    %swap3A_11 = arith.constant 0 : index
    %swap3A_12 = vector.load %arg5[%swap3A, %swap3A_11] : memref<256x128xf32, #tpu.memory_space<vmem>>, vector<256x128xf32>
    tpu.vector_store %arg5[%swap3A, %swap3A_11], %add3A {strides = array<i32>} : memref<256x128xf32, #tpu.memory_space<vmem>>, vector<256x128xf32>,
    return
  }
  func.func @transform_0(%arg0: i32, %arg1: i32, %arg2: i32) -> (i32, i32) {
    %c0_i32 = arith.constant 0 : i32
    return %arg0, %arg2 : i32, i32
  }
  func.func @transform_1(%arg0: i32, %arg1: i32, %arg2: i32) -> (i32, i32) {
    %c0_i32 = arith.constant 0 : i32
    return %arg2, %arg1 : i32, i32
  }
  func.func @transform_2(%arg0: i32, %arg1: i32, %arg2: i32) -> (i32, i32) {
    %c0_i32 = arith.constant 0 : i32
    return %arg0, %arg1 : i32, i32
  }
}

module attributes {stable_mosaic.version = 14 : i64} {
  func.func @_cast_kernel(%arg0: i32, %arg1: i32, %arg2: memref<512x512xf32, #tpu.memory_space<vmem>>, %arg3: memref<512x512xbf16, #tpu.memory_space<vmem>>) attributes {dimension_semantics = [#tpu.dimension_semantics<arbitrary>, #tpu.dimension_semantics<arbitrary>], iteration_bounds = array<i64: 10, 20>, scalar_prefetch = 0 : i64, scratch_operands = 0 : i64, tpu.core_type = #tpu.core_type<tc>, window_params = [{transform_indices = @transform_0, window_bounds = array<i64: 512, 512>}, {transform_indices = @transform_1, window_bounds = array<i64: 512, 512>}]} {
    %get3A = arith.constant 0 : index
    %get3A_0 = arith.constant 0 : index
    %get3A_1 = vector.load %arg2[%get3A, %get3A_0] : memref<512x512xf32, #tpu.memory_space<vmem>>, vector<512x512xf32>
    %convert_element_type3A = arith.truncf %get3A_1 : vector<512x512xf32> to vector<512x512xbf16>
    %swap3A = arith.constant 0 : index
    %swap3A_2 = arith.constant 0 : index
    %swap3A_3 = vector.load %arg3[%swap3A, %swap3A_2] : memref<512x512xbf16, #tpu.memory_space<vmem>>, vector<512x512xbf16>
    tpu.vector_store %arg3[%swap3A, %swap3A_2], %convert_element_type3A {strides = array<i32>} : memref<512x512xbf16, #tpu.memory_space<vmem>>, vector<512x512xbf16>,
    return
  }
  func.func @transform_0(%arg0: i32, %arg1: i32) -> (i32, i32) {
    %c0_i32 = arith.constant 0 : i32
    return %arg0, %arg1 : i32, i32
  }
  func.func @transform_1(%arg0: i32, %arg1: i32) -> (i32, i32) {
    %c0_i32 = arith.constant 0 : i32
    return %arg0, %arg1 : i32, i32
  }
}

module attributes {stable_mosaic.version = 14 : i64} {
  func.func @_cast_kernel(%arg0: i32, %arg1: i32, %arg2: memref<512x512xf32, #tpu.memory_space<vmem>>, %arg3: memref<512x512xbf16, #tpu.memory_space<vmem>>) attributes {dimension_semantics = [#tpu.dimension_semantics<arbitrary>, #tpu.dimension_semantics<arbitrary>], iteration_bounds = array<i64: 20, 10>, scalar_prefetch = 0 : i64, scratch_operands = 0 : i64, tpu.core_type = #tpu.core_type<tc>, window_params = [{transform_indices = @transform_0, window_bounds = array<i64: 512, 512>}, {transform_indices = @transform_1, window_bounds = array<i64: 512, 512>}]} {
    %get3A = arith.constant 0 : index
    %get3A_0 = arith.constant 0 : index
    %get3A_1 = vector.load %arg2[%get3A, %get3A_0] : memref<512x512xf32, #tpu.memory_space<vmem>>, vector<512x512xf32>
    %convert_element_type3A = arith.truncf %get3A_1 : vector<512x512xf32> to vector<512x512xbf16>
    %swap3A = arith.constant 0 : index
    %swap3A_2 = arith.constant 0 : index
    %swap3A_3 = vector.load %arg3[%swap3A, %swap3A_2] : memref<512x512xbf16, #tpu.memory_space<vmem>>, vector<512x512xbf16>
    tpu.vector_store %arg3[%swap3A, %swap3A_2], %convert_element_type3A {strides = array<i32>} : memref<512x512xbf16, #tpu.memory_space<vmem>>, vector<512x512xbf16>,
    return
  }
  func.func @transform_0(%arg0: i32, %arg1: i32) -> (i32, i32) {
    %c0_i32 = arith.constant 0 : i32
    return %arg0, %arg1 : i32, i32
  }
  func.func @transform_1(%arg0: i32, %arg1: i32) -> (i32, i32) {
    %c0_i32 = arith.constant 0 : i32
    return %arg0, %arg1 : i32, i32
  }
}

module attributes {stable_mosaic.version = 14 : i64} {
  func.func @_mm_kernel(%arg0: i32, %arg1: i32, %arg2: i32, %arg3: memref<512x1024xbf16, #tpu.memory_space<vmem>>, %arg4: memref<1024x512xbf16, #tpu.memory_space<vmem>>, %arg5: memref<512x512xf32, #tpu.memory_space<vmem>>) attributes {dimension_semantics = [#tpu.dimension_semantics<parallel>, #tpu.dimension_semantics<parallel>, #tpu.dimension_semantics<arbitrary>], iteration_bounds = array<i64: 10, 10, 10>, scalar_prefetch = 0 : i64, scratch_operands = 0 : i64, tpu.core_type = #tpu.core_type<tc>, window_params = [{transform_indices = @transform_0, window_bounds = array<i64: 512, 1024>}, {transform_indices = @transform_1, window_bounds = array<i64: 1024, 512>}, {transform_indices = @transform_2, window_bounds = array<i64: 512, 512>}]} {
    %eq3A = arith.constant 0 : i32
    %eq3A_0 = arith.cmpi eq, %arg2, %eq3A : i32
    %convert_element_type3A = arith.extui %eq3A_0 : i1 to i32
    %cond3A = arith.constant 0 : i32
    %cond3A_1 = arith.cmpi ne, %convert_element_type3A, %cond3A : i32
    scf.if %cond3A_1 {
      %broadcast_in_dim3A = arith.constant 0.000000e+00 : f32
      %broadcast_in_dim3A_18 = vector.broadcast %broadcast_in_dim3A : f32 to vector<512x512xf32>
      %swap3A_19 = arith.constant 0 : index
      %swap3A_20 = arith.constant 0 : index
      %swap3A_21 = vector.load %arg5[%swap3A_19, %swap3A_20] : memref<512x512xf32, #tpu.memory_space<vmem>>, vector<512x512xf32>
      tpu.vector_store %arg5[%swap3A_19, %swap3A_20], %broadcast_in_dim3A_18 {strides = array<i32>} : memref<512x512xf32, #tpu.memory_space<vmem>>, vector<512x512xf32>,
    } else {
    }
    %get3A = arith.constant 0 : index
    %get3A_2 = arith.constant 0 : index
    %get3A_3 = vector.load %arg3[%get3A, %get3A_2] : memref<512x1024xbf16, #tpu.memory_space<vmem>>, vector<512x1024xbf16>
    %get3A_4 = arith.constant 0 : index
    %get3A_5 = arith.constant 0 : index
    %get3A_6 = vector.load %arg4[%get3A_4, %get3A_5] : memref<1024x512xbf16, #tpu.memory_space<vmem>>, vector<1024x512xbf16>
    %dot_general3A = arith.constant dense<0.000000e+00> : vector<512x512xf32>
    %dot_general3A_7 = tpu.matmul %get3A_3, %get3A_6, %dot_general3A {dimension_numbers = #tpu.dot_dimension_numbers<[1], [0], [0], [1], [0, 0, 1, 1], [], []>, transpose_lhs_hint = false} : vector<512x1024xbf16>, vector<1024x512xbf16>, vector<512x512xf32> -> vector<512x512xf32>
    %get3A_8 = arith.constant 0 : index
    %get3A_9 = arith.constant 0 : index
    %get3A_10 = vector.load %arg5[%get3A_8, %get3A_9] : memref<512x512xf32, #tpu.memory_space<vmem>>, vector<512x512xf32>
    %add3A = arith.addf %get3A_10, %dot_general3A_7 : vector<512x512xf32>
    %swap3A = arith.constant 0 : index
    %swap3A_11 = arith.constant 0 : index
    %swap3A_12 = vector.load %arg5[%swap3A, %swap3A_11] : memref<512x512xf32, #tpu.memory_space<vmem>>, vector<512x512xf32>
    tpu.vector_store %arg5[%swap3A, %swap3A_11], %add3A {strides = array<i32>} : memref<512x512xf32, #tpu.memory_space<vmem>>, vector<512x512xf32>,
    %eq3A_13 = arith.constant 9 : i32
    %eq3A_14 = arith.cmpi eq, %arg2, %eq3A_13 : i32
    %convert_element_type3A_15 = arith.extui %eq3A_14 : i1 to i32
    %cond3A_16 = arith.constant 0 : i32
    %cond3A_17 = arith.cmpi ne, %convert_element_type3A_15, %cond3A_16 : i32
    scf.if %cond3A_17 {
      %mul3A = arith.constant 512 : i32
      %mul3A_18 = arith.muli %arg0, %mul3A : i32
      %iota3A = tpu.iota {dimensions = array<i32: 0>} : vector<512x512xi32>
      %add3A_19 = vector.broadcast %mul3A_18 : i32 to vector<512x512xi32>
      %add3A_20 = arith.addi %add3A_19, %iota3A : vector<512x512xi32>
      %mul3A_21 = arith.constant 512 : i32
      %mul3A_22 = arith.muli %arg1, %mul3A_21 : i32
      %iota3A_23 = tpu.iota {dimensions = array<i32: 1>} : vector<512x512xi32>
      %add3A_24 = vector.broadcast %mul3A_22 : i32 to vector<512x512xi32>
      %add3A_25 = arith.addi %add3A_24, %iota3A_23 : vector<512x512xi32>
      %eq3A_26 = arith.cmpi eq, %add3A_20, %add3A_25 : vector<512x512xi32>
      %lt3A = arith.constant 5000 : i32
      %lt3A_27 = vector.broadcast %lt3A : i32 to vector<512x512xi32>
      %lt3A_28 = arith.cmpi slt, %add3A_20, %lt3A_27 : vector<512x512xi32>
      %and3A = arith.andi %eq3A_26, %lt3A_28 : vector<512x512xi1>
      %get3A_29 = arith.constant 0 : index
      %get3A_30 = arith.constant 0 : index
      %get3A_31 = vector.load %arg5[%get3A_29, %get3A_30] : memref<512x512xf32, #tpu.memory_space<vmem>>, vector<512x512xf32>
      %jit3A = arith.constant 1.000000e+00 : f32
      %broadcast_in_dim3A = vector.broadcast %jit3A : f32 to vector<512x512xf32>
      %select_n3A = arith.select %and3A, %broadcast_in_dim3A, %get3A_31 : vector<512x512xi1>, vector<512x512xf32>
      %swap3A_32 = arith.constant 0 : index
      %swap3A_33 = arith.constant 0 : index
      %swap3A_34 = vector.load %arg5[%swap3A_32, %swap3A_33] : memref<512x512xf32, #tpu.memory_space<vmem>>, vector<512x512xf32>
      tpu.vector_store %arg5[%swap3A_32, %swap3A_33], %select_n3A {strides = array<i32>} : memref<512x512xf32, #tpu.memory_space<vmem>>, vector<512x512xf32>,
    } else {
    }
    return
  }
  func.func @transform_0(%arg0: i32, %arg1: i32, %arg2: i32) -> (i32, i32) {
    %c0_i32 = arith.constant 0 : i32
    return %arg0, %arg2 : i32, i32
  }
  func.func @transform_1(%arg0: i32, %arg1: i32, %arg2: i32) -> (i32, i32) {
    %c0_i32 = arith.constant 0 : i32
    return %arg2, %arg1 : i32, i32
  }
  func.func @transform_2(%arg0: i32, %arg1: i32, %arg2: i32) -> (i32, i32) {
    %c0_i32 = arith.constant 0 : i32
    return %arg0, %arg1 : i32, i32
  }
}

module attributes {stable_mosaic.version = 14 : i64} {
  func.func @_cast_kernel(%arg0: i32, %arg1: i32, %arg2: memref<512x512xf32, #tpu.memory_space<vmem>>, %arg3: memref<512x512xbf16, #tpu.memory_space<vmem>>) attributes {dimension_semantics = [#tpu.dimension_semantics<arbitrary>, #tpu.dimension_semantics<arbitrary>], iteration_bounds = array<i64: 10, 10>, scalar_prefetch = 0 : i64, scratch_operands = 0 : i64, tpu.core_type = #tpu.core_type<tc>, window_params = [{transform_indices = @transform_0, window_bounds = array<i64: 512, 512>}, {transform_indices = @transform_1, window_bounds = array<i64: 512, 512>}]} {
    %get3A = arith.constant 0 : index
    %get3A_0 = arith.constant 0 : index
    %get3A_1 = vector.load %arg2[%get3A, %get3A_0] : memref<512x512xf32, #tpu.memory_space<vmem>>, vector<512x512xf32>
    %convert_element_type3A = arith.truncf %get3A_1 : vector<512x512xf32> to vector<512x512xbf16>
    %swap3A = arith.constant 0 : index
    %swap3A_2 = arith.constant 0 : index
    %swap3A_3 = vector.load %arg3[%swap3A, %swap3A_2] : memref<512x512xbf16, #tpu.memory_space<vmem>>, vector<512x512xbf16>
    tpu.vector_store %arg3[%swap3A, %swap3A_2], %convert_element_type3A {strides = array<i32>} : memref<512x512xbf16, #tpu.memory_space<vmem>>, vector<512x512xbf16>,
    return
  }
  func.func @transform_0(%arg0: i32, %arg1: i32) -> (i32, i32) {
    %c0_i32 = arith.constant 0 : i32
    return %arg0, %arg1 : i32, i32
  }
  func.func @transform_1(%arg0: i32, %arg1: i32) -> (i32, i32) {
    %c0_i32 = arith.constant 0 : i32
    return %arg0, %arg1 : i32, i32
  }
}

module attributes {stable_mosaic.version = 14 : i64} {
  func.func @_mm_kernel(%arg0: i32, %arg1: i32, %arg2: i32, %arg3: memref<256x128xf32, #tpu.memory_space<vmem>>, %arg4: memref<128x128xf32, #tpu.memory_space<vmem>>, %arg5: memref<256x128xf32, #tpu.memory_space<vmem>>) attributes {dimension_semantics = [#tpu.dimension_semantics<parallel>, #tpu.dimension_semantics<parallel>, #tpu.dimension_semantics<arbitrary>], iteration_bounds = array<i64: 20, 1, 1>, scalar_prefetch = 0 : i64, scratch_operands = 0 : i64, tpu.core_type = #tpu.core_type<tc>, window_params = [{transform_indices = @transform_0, window_bounds = array<i64: 256, 128>}, {transform_indices = @transform_1, window_bounds = array<i64: 128, 128>}, {transform_indices = @transform_2, window_bounds = array<i64: 256, 128>}]} {
    %eq3A = arith.constant 0 : i32
    %eq3A_0 = arith.cmpi eq, %arg2, %eq3A : i32
    %convert_element_type3A = arith.extui %eq3A_0 : i1 to i32
    %cond3A = arith.constant 0 : i32
    %cond3A_1 = arith.cmpi ne, %convert_element_type3A, %cond3A : i32
    scf.if %cond3A_1 {
      %broadcast_in_dim3A = arith.constant 0.000000e+00 : f32
      %broadcast_in_dim3A_13 = vector.broadcast %broadcast_in_dim3A : f32 to vector<256x128xf32>
      %swap3A_14 = arith.constant 0 : index
      %swap3A_15 = arith.constant 0 : index
      %swap3A_16 = vector.load %arg5[%swap3A_14, %swap3A_15] : memref<256x128xf32, #tpu.memory_space<vmem>>, vector<256x128xf32>
      tpu.vector_store %arg5[%swap3A_14, %swap3A_15], %broadcast_in_dim3A_13 {strides = array<i32>} : memref<256x128xf32, #tpu.memory_space<vmem>>, vector<256x128xf32>,
    } else {
    }
    %get3A = arith.constant 0 : index
    %get3A_2 = arith.constant 0 : index
    %get3A_3 = vector.load %arg3[%get3A, %get3A_2] : memref<256x128xf32, #tpu.memory_space<vmem>>, vector<256x128xf32>
    %get3A_4 = arith.constant 0 : index
    %get3A_5 = arith.constant 0 : index
    %get3A_6 = vector.load %arg4[%get3A_4, %get3A_5] : memref<128x128xf32, #tpu.memory_space<vmem>>, vector<128x128xf32>
    %dot_general3A = arith.constant dense<0.000000e+00> : vector<256x128xf32>
    %dot_general3A_7 = tpu.matmul %get3A_3, %get3A_6, %dot_general3A {dimension_numbers = #tpu.dot_dimension_numbers<[1], [0], [0], [1], [0, 0, 1, 1], [], []>, transpose_lhs_hint = false} : vector<256x128xf32>, vector<128x128xf32>, vector<256x128xf32> -> vector<256x128xf32>
    %get3A_8 = arith.constant 0 : index
    %get3A_9 = arith.constant 0 : index
    %get3A_10 = vector.load %arg5[%get3A_8, %get3A_9] : memref<256x128xf32, #tpu.memory_space<vmem>>, vector<256x128xf32>
    %add3A = arith.addf %get3A_10, %dot_general3A_7 : vector<256x128xf32>
    %swap3A = arith.constant 0 : index
    %swap3A_11 = arith.constant 0 : index
    %swap3A_12 = vector.load %arg5[%swap3A, %swap3A_11] : memref<256x128xf32, #tpu.memory_space<vmem>>, vector<256x128xf32>
    tpu.vector_store %arg5[%swap3A, %swap3A_11], %add3A {strides = array<i32>} : memref<256x128xf32, #tpu.memory_space<vmem>>, vector<256x128xf32>,
    return
  }
  func.func @transform_0(%arg0: i32, %arg1: i32, %arg2: i32) -> (i32, i32) {
    %c0_i32 = arith.constant 0 : i32
    return %arg0, %arg2 : i32, i32
  }
  func.func @transform_1(%arg0: i32, %arg1: i32, %arg2: i32) -> (i32, i32) {
    %c0_i32 = arith.constant 0 : i32
    return %arg2, %arg1 : i32, i32
  }
  func.func @transform_2(%arg0: i32, %arg1: i32, %arg2: i32) -> (i32, i32) {
    %c0_i32 = arith.constant 0 : i32
    return %arg0, %arg1 : i32, i32
  }
}

module attributes {stable_mosaic.version = 14 : i64} {
  func.func @_mm_kernel(%arg0: i32, %arg1: i32, %arg2: i32, %arg3: memref<256x256xf32, #tpu.memory_space<vmem>>, %arg4: memref<256x128xf32, #tpu.memory_space<vmem>>, %arg5: memref<256x128xf32, #tpu.memory_space<vmem>>) attributes {dimension_semantics = [#tpu.dimension_semantics<parallel>, #tpu.dimension_semantics<parallel>, #tpu.dimension_semantics<arbitrary>], iteration_bounds = array<i64: 20, 1, 20>, scalar_prefetch = 0 : i64, scratch_operands = 0 : i64, tpu.core_type = #tpu.core_type<tc>, window_params = [{transform_indices = @transform_0, window_bounds = array<i64: 256, 256>}, {transform_indices = @transform_1, window_bounds = array<i64: 256, 128>}, {transform_indices = @transform_2, window_bounds = array<i64: 256, 128>}]} {
    %eq3A = arith.constant 0 : i32
    %eq3A_0 = arith.cmpi eq, %arg2, %eq3A : i32
    %convert_element_type3A = arith.extui %eq3A_0 : i1 to i32
    %cond3A = arith.constant 0 : i32
    %cond3A_1 = arith.cmpi ne, %convert_element_type3A, %cond3A : i32
    scf.if %cond3A_1 {
      %broadcast_in_dim3A = arith.constant 0.000000e+00 : f32
      %broadcast_in_dim3A_13 = vector.broadcast %broadcast_in_dim3A : f32 to vector<256x128xf32>
      %swap3A_14 = arith.constant 0 : index
      %swap3A_15 = arith.constant 0 : index
      %swap3A_16 = vector.load %arg5[%swap3A_14, %swap3A_15] : memref<256x128xf32, #tpu.memory_space<vmem>>, vector<256x128xf32>
      tpu.vector_store %arg5[%swap3A_14, %swap3A_15], %broadcast_in_dim3A_13 {strides = array<i32>} : memref<256x128xf32, #tpu.memory_space<vmem>>, vector<256x128xf32>,
    } else {
    }
    %get3A = arith.constant 0 : index
    %get3A_2 = arith.constant 0 : index
    %get3A_3 = vector.load %arg3[%get3A, %get3A_2] : memref<256x256xf32, #tpu.memory_space<vmem>>, vector<256x256xf32>
    %get3A_4 = arith.constant 0 : index
    %get3A_5 = arith.constant 0 : index
    %get3A_6 = vector.load %arg4[%get3A_4, %get3A_5] : memref<256x128xf32, #tpu.memory_space<vmem>>, vector<256x128xf32>
    %dot_general3A = arith.constant dense<0.000000e+00> : vector<256x128xf32>
    %dot_general3A_7 = tpu.matmul %get3A_3, %get3A_6, %dot_general3A {dimension_numbers = #tpu.dot_dimension_numbers<[1], [0], [0], [1], [0, 0, 1, 1], [], []>, transpose_lhs_hint = false} : vector<256x256xf32>, vector<256x128xf32>, vector<256x128xf32> -> vector<256x128xf32>
    %get3A_8 = arith.constant 0 : index
    %get3A_9 = arith.constant 0 : index
    %get3A_10 = vector.load %arg5[%get3A_8, %get3A_9] : memref<256x128xf32, #tpu.memory_space<vmem>>, vector<256x128xf32>
    %add3A = arith.addf %get3A_10, %dot_general3A_7 : vector<256x128xf32>
    %swap3A = arith.constant 0 : index
    %swap3A_11 = arith.constant 0 : index
    %swap3A_12 = vector.load %arg5[%swap3A, %swap3A_11] : memref<256x128xf32, #tpu.memory_space<vmem>>, vector<256x128xf32>
    tpu.vector_store %arg5[%swap3A, %swap3A_11], %add3A {strides = array<i32>} : memref<256x128xf32, #tpu.memory_space<vmem>>, vector<256x128xf32>,
    return
  }
  func.func @transform_0(%arg0: i32, %arg1: i32, %arg2: i32) -> (i32, i32) {
    %c0_i32 = arith.constant 0 : i32
    return %arg0, %arg2 : i32, i32
  }
  func.func @transform_1(%arg0: i32, %arg1: i32, %arg2: i32) -> (i32, i32) {
    %c0_i32 = arith.constant 0 : i32
    return %arg2, %arg1 : i32, i32
  }
  func.func @transform_2(%arg0: i32, %arg1: i32, %arg2: i32) -> (i32, i32) {
    %c0_i32 = arith.constant 0 : i32
    return %arg0, %arg1 : i32, i32
  }
}

module attributes {stable_mosaic.version = 14 : i64} {
  func.func @_mm_kernel(%arg0: i32, %arg1: i32, %arg2: i32, %arg3: memref<256x256xbf16, #tpu.memory_space<vmem>>, %arg4: memref<256x512xbf16, #tpu.memory_space<vmem>>, %arg5: memref<256x512xbf16, #tpu.memory_space<vmem>>) attributes {dimension_semantics = [#tpu.dimension_semantics<parallel>, #tpu.dimension_semantics<parallel>, #tpu.dimension_semantics<arbitrary>], iteration_bounds = array<i64: 10, 10, 20>, scalar_prefetch = 0 : i64, scratch_operands = 0 : i64, tpu.core_type = #tpu.core_type<tc>, window_params = [{transform_indices = @transform_0, window_bounds = array<i64: 256, 256>}, {transform_indices = @transform_1, window_bounds = array<i64: 256, 512>}, {transform_indices = @transform_2, window_bounds = array<i64: 256, 512>}]} {
    %eq3A = arith.constant 0 : i32
    %eq3A_0 = arith.cmpi eq, %arg2, %eq3A : i32
    %convert_element_type3A = arith.extui %eq3A_0 : i1 to i32
    %cond3A = arith.constant 0 : i32
    %cond3A_1 = arith.cmpi ne, %convert_element_type3A, %cond3A : i32
    scf.if %cond3A_1 {
      %broadcast_in_dim3A = arith.constant 0.000000e+00 : bf16
      %broadcast_in_dim3A_14 = vector.broadcast %broadcast_in_dim3A : bf16 to vector<256x512xbf16>
      %swap3A_15 = arith.constant 0 : index
      %swap3A_16 = arith.constant 0 : index
      %swap3A_17 = vector.load %arg5[%swap3A_15, %swap3A_16] : memref<256x512xbf16, #tpu.memory_space<vmem>>, vector<256x512xbf16>
      tpu.vector_store %arg5[%swap3A_15, %swap3A_16], %broadcast_in_dim3A_14 {strides = array<i32>} : memref<256x512xbf16, #tpu.memory_space<vmem>>, vector<256x512xbf16>,
    } else {
    }
    %get3A = arith.constant 0 : index
    %get3A_2 = arith.constant 0 : index
    %get3A_3 = vector.load %arg3[%get3A, %get3A_2] : memref<256x256xbf16, #tpu.memory_space<vmem>>, vector<256x256xbf16>
    %get3A_4 = arith.constant 0 : index
    %get3A_5 = arith.constant 0 : index
    %get3A_6 = vector.load %arg4[%get3A_4, %get3A_5] : memref<256x512xbf16, #tpu.memory_space<vmem>>, vector<256x512xbf16>
    %dot_general3A = arith.constant dense<0.000000e+00> : vector<256x512xf32>
    %dot_general3A_7 = tpu.matmul %get3A_3, %get3A_6, %dot_general3A {dimension_numbers = #tpu.dot_dimension_numbers<[1], [0], [0], [1], [0, 0, 1, 1], [], []>, transpose_lhs_hint = false} : vector<256x256xbf16>, vector<256x512xbf16>, vector<256x512xf32> -> vector<256x512xf32>
    %get3A_8 = arith.constant 0 : index
    %get3A_9 = arith.constant 0 : index
    %get3A_10 = vector.load %arg5[%get3A_8, %get3A_9] : memref<256x512xbf16, #tpu.memory_space<vmem>>, vector<256x512xbf16>
    %convert_element_type3A_11 = arith.truncf %dot_general3A_7 : vector<256x512xf32> to vector<256x512xbf16>
    %add3A = arith.addf %get3A_10, %convert_element_type3A_11 : vector<256x512xbf16>
    %swap3A = arith.constant 0 : index
    %swap3A_12 = arith.constant 0 : index
    %swap3A_13 = vector.load %arg5[%swap3A, %swap3A_12] : memref<256x512xbf16, #tpu.memory_space<vmem>>, vector<256x512xbf16>
    tpu.vector_store %arg5[%swap3A, %swap3A_12], %add3A {strides = array<i32>} : memref<256x512xbf16, #tpu.memory_space<vmem>>, vector<256x512xbf16>,
    return
  }
  func.func @transform_0(%arg0: i32, %arg1: i32, %arg2: i32) -> (i32, i32) {
    %c0_i32 = arith.constant 0 : i32
    return %arg0, %arg2 : i32, i32
  }
  func.func @transform_1(%arg0: i32, %arg1: i32, %arg2: i32) -> (i32, i32) {
    %c0_i32 = arith.constant 0 : i32
    return %arg2, %arg1 : i32, i32
  }
  func.func @transform_2(%arg0: i32, %arg1: i32, %arg2: i32) -> (i32, i32) {
    %c0_i32 = arith.constant 0 : i32
    return %arg0, %arg1 : i32, i32
  }
}

module attributes {stable_mosaic.version = 14 : i64} {
  func.func @_mm_kernel(%arg0: i32, %arg1: i32, %arg2: i32, %arg3: memref<256x512xbf16, #tpu.memory_space<vmem>>, %arg4: memref<256x512xbf16, #tpu.memory_space<vmem>>, %arg5: memref<256x256xbf16, #tpu.memory_space<vmem>>) attributes {dimension_semantics = [#tpu.dimension_semantics<parallel>, #tpu.dimension_semantics<parallel>, #tpu.dimension_semantics<arbitrary>], iteration_bounds = array<i64: 20, 10, 10>, scalar_prefetch = 0 : i64, scratch_operands = 0 : i64, tpu.core_type = #tpu.core_type<tc>, window_params = [{transform_indices = @transform_0, window_bounds = array<i64: 256, 512>}, {transform_indices = @transform_1, window_bounds = array<i64: 256, 512>}, {transform_indices = @transform_2, window_bounds = array<i64: 256, 256>}]} {
    %eq3A = arith.constant 0 : i32
    %eq3A_0 = arith.cmpi eq, %arg2, %eq3A : i32
    %convert_element_type3A = arith.extui %eq3A_0 : i1 to i32
    %cond3A = arith.constant 0 : i32
    %cond3A_1 = arith.cmpi ne, %convert_element_type3A, %cond3A : i32
    scf.if %cond3A_1 {
      %broadcast_in_dim3A = arith.constant 0.000000e+00 : bf16
      %broadcast_in_dim3A_14 = vector.broadcast %broadcast_in_dim3A : bf16 to vector<256x256xbf16>
      %swap3A_15 = arith.constant 0 : index
      %swap3A_16 = arith.constant 0 : index
      %swap3A_17 = vector.load %arg5[%swap3A_15, %swap3A_16] : memref<256x256xbf16, #tpu.memory_space<vmem>>, vector<256x256xbf16>
      tpu.vector_store %arg5[%swap3A_15, %swap3A_16], %broadcast_in_dim3A_14 {strides = array<i32>} : memref<256x256xbf16, #tpu.memory_space<vmem>>, vector<256x256xbf16>,
    } else {
    }
    %get3A = arith.constant 0 : index
    %get3A_2 = arith.constant 0 : index
    %get3A_3 = vector.load %arg3[%get3A, %get3A_2] : memref<256x512xbf16, #tpu.memory_space<vmem>>, vector<256x512xbf16>
    %get3A_4 = arith.constant 0 : index
    %get3A_5 = arith.constant 0 : index
    %get3A_6 = vector.load %arg4[%get3A_4, %get3A_5] : memref<256x512xbf16, #tpu.memory_space<vmem>>, vector<256x512xbf16>
    %dot_general3A = arith.constant dense<0.000000e+00> : vector<256x256xf32>
    %dot_general3A_7 = tpu.matmul %get3A_3, %get3A_6, %dot_general3A {dimension_numbers = #tpu.dot_dimension_numbers<[1], [1], [0], [0], [0, 0, 1, 0], [], []>, transpose_lhs_hint = false} : vector<256x512xbf16>, vector<256x512xbf16>, vector<256x256xf32> -> vector<256x256xf32>
    %get3A_8 = arith.constant 0 : index
    %get3A_9 = arith.constant 0 : index
    %get3A_10 = vector.load %arg5[%get3A_8, %get3A_9] : memref<256x256xbf16, #tpu.memory_space<vmem>>, vector<256x256xbf16>
    %convert_element_type3A_11 = arith.truncf %dot_general3A_7 : vector<256x256xf32> to vector<256x256xbf16>
    %add3A = arith.addf %get3A_10, %convert_element_type3A_11 : vector<256x256xbf16>
    %swap3A = arith.constant 0 : index
    %swap3A_12 = arith.constant 0 : index
    %swap3A_13 = vector.load %arg5[%swap3A, %swap3A_12] : memref<256x256xbf16, #tpu.memory_space<vmem>>, vector<256x256xbf16>
    tpu.vector_store %arg5[%swap3A, %swap3A_12], %add3A {strides = array<i32>} : memref<256x256xbf16, #tpu.memory_space<vmem>>, vector<256x256xbf16>,
    return
  }
  func.func @transform_0(%arg0: i32, %arg1: i32, %arg2: i32) -> (i32, i32) {
    %c0_i32 = arith.constant 0 : i32
    return %arg0, %arg2 : i32, i32
  }
  func.func @transform_1(%arg0: i32, %arg1: i32, %arg2: i32) -> (i32, i32) {
    %c0_i32 = arith.constant 0 : i32
    return %arg1, %arg2 : i32, i32
  }
  func.func @transform_2(%arg0: i32, %arg1: i32, %arg2: i32) -> (i32, i32) {
    %c0_i32 = arith.constant 0 : i32
    return %arg0, %arg1 : i32, i32
  }
}

module attributes {stable_mosaic.version = 14 : i64} {
  func.func @_mm_kernel(%arg0: i32, %arg1: i32, %arg2: i32, %arg3: memref<256x512xbf16, #tpu.memory_space<vmem>>, %arg4: memref<512x256xbf16, #tpu.memory_space<vmem>>, %arg5: memref<256x256xf32, #tpu.memory_space<vmem>>) attributes {dimension_semantics = [#tpu.dimension_semantics<parallel>, #tpu.dimension_semantics<parallel>, #tpu.dimension_semantics<arbitrary>], iteration_bounds = array<i64: 10, 10, 10>, scalar_prefetch = 0 : i64, scratch_operands = 0 : i64, tpu.core_type = #tpu.core_type<tc>, window_params = [{transform_indices = @transform_0, window_bounds = array<i64: 256, 512>}, {transform_indices = @transform_1, window_bounds = array<i64: 512, 256>}, {transform_indices = @transform_2, window_bounds = array<i64: 256, 256>}]} {
    %eq3A = arith.constant 0 : i32
    %eq3A_0 = arith.cmpi eq, %arg2, %eq3A : i32
    %convert_element_type3A = arith.extui %eq3A_0 : i1 to i32
    %cond3A = arith.constant 0 : i32
    %cond3A_1 = arith.cmpi ne, %convert_element_type3A, %cond3A : i32
    scf.if %cond3A_1 {
      %broadcast_in_dim3A = arith.constant 0.000000e+00 : f32
      %broadcast_in_dim3A_18 = vector.broadcast %broadcast_in_dim3A : f32 to vector<256x256xf32>
      %swap3A_19 = arith.constant 0 : index
      %swap3A_20 = arith.constant 0 : index
      %swap3A_21 = vector.load %arg5[%swap3A_19, %swap3A_20] : memref<256x256xf32, #tpu.memory_space<vmem>>, vector<256x256xf32>
      tpu.vector_store %arg5[%swap3A_19, %swap3A_20], %broadcast_in_dim3A_18 {strides = array<i32>} : memref<256x256xf32, #tpu.memory_space<vmem>>, vector<256x256xf32>,
    } else {
    }
    %get3A = arith.constant 0 : index
    %get3A_2 = arith.constant 0 : index
    %get3A_3 = vector.load %arg3[%get3A, %get3A_2] : memref<256x512xbf16, #tpu.memory_space<vmem>>, vector<256x512xbf16>
    %get3A_4 = arith.constant 0 : index
    %get3A_5 = arith.constant 0 : index
    %get3A_6 = vector.load %arg4[%get3A_4, %get3A_5] : memref<512x256xbf16, #tpu.memory_space<vmem>>, vector<512x256xbf16>
    %dot_general3A = arith.constant dense<0.000000e+00> : vector<256x256xf32>
    %dot_general3A_7 = tpu.matmul %get3A_3, %get3A_6, %dot_general3A {dimension_numbers = #tpu.dot_dimension_numbers<[1], [0], [0], [1], [0, 0, 1, 1], [], []>, transpose_lhs_hint = false} : vector<256x512xbf16>, vector<512x256xbf16>, vector<256x256xf32> -> vector<256x256xf32>
    %get3A_8 = arith.constant 0 : index
    %get3A_9 = arith.constant 0 : index
    %get3A_10 = vector.load %arg5[%get3A_8, %get3A_9] : memref<256x256xf32, #tpu.memory_space<vmem>>, vector<256x256xf32>
    %add3A = arith.addf %get3A_10, %dot_general3A_7 : vector<256x256xf32>
    %swap3A = arith.constant 0 : index
    %swap3A_11 = arith.constant 0 : index
    %swap3A_12 = vector.load %arg5[%swap3A, %swap3A_11] : memref<256x256xf32, #tpu.memory_space<vmem>>, vector<256x256xf32>
    tpu.vector_store %arg5[%swap3A, %swap3A_11], %add3A {strides = array<i32>} : memref<256x256xf32, #tpu.memory_space<vmem>>, vector<256x256xf32>,
    %eq3A_13 = arith.constant 9 : i32
    %eq3A_14 = arith.cmpi eq, %arg2, %eq3A_13 : i32
    %convert_element_type3A_15 = arith.extui %eq3A_14 : i1 to i32
    %cond3A_16 = arith.constant 0 : i32
    %cond3A_17 = arith.cmpi ne, %convert_element_type3A_15, %cond3A_16 : i32
    scf.if %cond3A_17 {
      %mul3A = arith.constant 256 : i32
      %mul3A_18 = arith.muli %arg0, %mul3A : i32
      %iota3A = tpu.iota {dimensions = array<i32: 0>} : vector<256x256xi32>
      %add3A_19 = vector.broadcast %mul3A_18 : i32 to vector<256x256xi32>
      %add3A_20 = arith.addi %add3A_19, %iota3A : vector<256x256xi32>
      %mul3A_21 = arith.constant 256 : i32
      %mul3A_22 = arith.muli %arg1, %mul3A_21 : i32
      %iota3A_23 = tpu.iota {dimensions = array<i32: 1>} : vector<256x256xi32>
      %add3A_24 = vector.broadcast %mul3A_22 : i32 to vector<256x256xi32>
      %add3A_25 = arith.addi %add3A_24, %iota3A_23 : vector<256x256xi32>
      %eq3A_26 = arith.cmpi eq, %add3A_20, %add3A_25 : vector<256x256xi32>
      %lt3A = arith.constant 2500 : i32
      %lt3A_27 = vector.broadcast %lt3A : i32 to vector<256x256xi32>
      %lt3A_28 = arith.cmpi slt, %add3A_20, %lt3A_27 : vector<256x256xi32>
      %and3A = arith.andi %eq3A_26, %lt3A_28 : vector<256x256xi1>
      %get3A_29 = arith.constant 0 : index
      %get3A_30 = arith.constant 0 : index
      %get3A_31 = vector.load %arg5[%get3A_29, %get3A_30] : memref<256x256xf32, #tpu.memory_space<vmem>>, vector<256x256xf32>
      %jit3A = arith.constant 1.000000e+00 : f32
      %broadcast_in_dim3A = vector.broadcast %jit3A : f32 to vector<256x256xf32>
      %select_n3A = arith.select %and3A, %broadcast_in_dim3A, %get3A_31 : vector<256x256xi1>, vector<256x256xf32>
      %swap3A_32 = arith.constant 0 : index
      %swap3A_33 = arith.constant 0 : index
      %swap3A_34 = vector.load %arg5[%swap3A_32, %swap3A_33] : memref<256x256xf32, #tpu.memory_space<vmem>>, vector<256x256xf32>
      tpu.vector_store %arg5[%swap3A_32, %swap3A_33], %select_n3A {strides = array<i32>} : memref<256x256xf32, #tpu.memory_space<vmem>>, vector<256x256xf32>,
    } else {
    }
    return
  }
  func.func @transform_0(%arg0: i32, %arg1: i32, %arg2: i32) -> (i32, i32) {
    %c0_i32 = arith.constant 0 : i32
    return %arg0, %arg2 : i32, i32
  }
  func.func @transform_1(%arg0: i32, %arg1: i32, %arg2: i32) -> (i32, i32) {
    %c0_i32 = arith.constant 0 : i32
    return %arg2, %arg1 : i32, i32
  }
  func.func @transform_2(%arg0: i32, %arg1: i32, %arg2: i32) -> (i32, i32) {
    %c0_i32 = arith.constant 0 : i32
    return %arg0, %arg1 : i32, i32
  }
}

module attributes {stable_mosaic.version = 14 : i64} {
  func.func @_cast_kernel(%arg0: i32, %arg1: i32, %arg2: memref<512x512xf32, #tpu.memory_space<vmem>>, %arg3: memref<512x512xbf16, #tpu.memory_space<vmem>>) attributes {dimension_semantics = [#tpu.dimension_semantics<arbitrary>, #tpu.dimension_semantics<arbitrary>], iteration_bounds = array<i64: 5, 5>, scalar_prefetch = 0 : i64, scratch_operands = 0 : i64, tpu.core_type = #tpu.core_type<tc>, window_params = [{transform_indices = @transform_0, window_bounds = array<i64: 512, 512>}, {transform_indices = @transform_1, window_bounds = array<i64: 512, 512>}]} {
    %get3A = arith.constant 0 : index
    %get3A_0 = arith.constant 0 : index
    %get3A_1 = vector.load %arg2[%get3A, %get3A_0] : memref<512x512xf32, #tpu.memory_space<vmem>>, vector<512x512xf32>
    %convert_element_type3A = arith.truncf %get3A_1 : vector<512x512xf32> to vector<512x512xbf16>
    %swap3A = arith.constant 0 : index
    %swap3A_2 = arith.constant 0 : index
    %swap3A_3 = vector.load %arg3[%swap3A, %swap3A_2] : memref<512x512xbf16, #tpu.memory_space<vmem>>, vector<512x512xbf16>
    tpu.vector_store %arg3[%swap3A, %swap3A_2], %convert_element_type3A {strides = array<i32>} : memref<512x512xbf16, #tpu.memory_space<vmem>>, vector<512x512xbf16>,
    return
  }
  func.func @transform_0(%arg0: i32, %arg1: i32) -> (i32, i32) {
    %c0_i32 = arith.constant 0 : i32
    return %arg0, %arg1 : i32, i32
  }
  func.func @transform_1(%arg0: i32, %arg1: i32) -> (i32, i32) {
    %c0_i32 = arith.constant 0 : i32
    return %arg0, %arg1 : i32, i32
  }
}

module attributes {stable_mosaic.version = 14 : i64} {
  func.func @_mm_kernel(%arg0: i32, %arg1: i32, %arg2: i32, %arg3: memref<256x128xf32, #tpu.memory_space<vmem>>, %arg4: memref<128x128xf32, #tpu.memory_space<vmem>>, %arg5: memref<256x128xf32, #tpu.memory_space<vmem>>) attributes {dimension_semantics = [#tpu.dimension_semantics<parallel>, #tpu.dimension_semantics<parallel>, #tpu.dimension_semantics<arbitrary>], iteration_bounds = array<i64: 10, 1, 1>, scalar_prefetch = 0 : i64, scratch_operands = 0 : i64, tpu.core_type = #tpu.core_type<tc>, window_params = [{transform_indices = @transform_0, window_bounds = array<i64: 256, 128>}, {transform_indices = @transform_1, window_bounds = array<i64: 128, 128>}, {transform_indices = @transform_2, window_bounds = array<i64: 256, 128>}]} {
    %eq3A = arith.constant 0 : i32
    %eq3A_0 = arith.cmpi eq, %arg2, %eq3A : i32
    %convert_element_type3A = arith.extui %eq3A_0 : i1 to i32
    %cond3A = arith.constant 0 : i32
    %cond3A_1 = arith.cmpi ne, %convert_element_type3A, %cond3A : i32
    scf.if %cond3A_1 {
      %broadcast_in_dim3A = arith.constant 0.000000e+00 : f32
      %broadcast_in_dim3A_13 = vector.broadcast %broadcast_in_dim3A : f32 to vector<256x128xf32>
      %swap3A_14 = arith.constant 0 : index
      %swap3A_15 = arith.constant 0 : index
      %swap3A_16 = vector.load %arg5[%swap3A_14, %swap3A_15] : memref<256x128xf32, #tpu.memory_space<vmem>>, vector<256x128xf32>
      tpu.vector_store %arg5[%swap3A_14, %swap3A_15], %broadcast_in_dim3A_13 {strides = array<i32>} : memref<256x128xf32, #tpu.memory_space<vmem>>, vector<256x128xf32>,
    } else {
    }
    %get3A = arith.constant 0 : index
    %get3A_2 = arith.constant 0 : index
    %get3A_3 = vector.load %arg3[%get3A, %get3A_2] : memref<256x128xf32, #tpu.memory_space<vmem>>, vector<256x128xf32>
    %get3A_4 = arith.constant 0 : index
    %get3A_5 = arith.constant 0 : index
    %get3A_6 = vector.load %arg4[%get3A_4, %get3A_5] : memref<128x128xf32, #tpu.memory_space<vmem>>, vector<128x128xf32>
    %dot_general3A = arith.constant dense<0.000000e+00> : vector<256x128xf32>
    %dot_general3A_7 = tpu.matmul %get3A_3, %get3A_6, %dot_general3A {dimension_numbers = #tpu.dot_dimension_numbers<[1], [0], [0], [1], [0, 0, 1, 1], [], []>, transpose_lhs_hint = false} : vector<256x128xf32>, vector<128x128xf32>, vector<256x128xf32> -> vector<256x128xf32>
    %get3A_8 = arith.constant 0 : index
    %get3A_9 = arith.constant 0 : index
    %get3A_10 = vector.load %arg5[%get3A_8, %get3A_9] : memref<256x128xf32, #tpu.memory_space<vmem>>, vector<256x128xf32>
    %add3A = arith.addf %get3A_10, %dot_general3A_7 : vector<256x128xf32>
    %swap3A = arith.constant 0 : index
    %swap3A_11 = arith.constant 0 : index
    %swap3A_12 = vector.load %arg5[%swap3A, %swap3A_11] : memref<256x128xf32, #tpu.memory_space<vmem>>, vector<256x128xf32>
    tpu.vector_store %arg5[%swap3A, %swap3A_11], %add3A {strides = array<i32>} : memref<256x128xf32, #tpu.memory_space<vmem>>, vector<256x128xf32>,
    return
  }
  func.func @transform_0(%arg0: i32, %arg1: i32, %arg2: i32) -> (i32, i32) {
    %c0_i32 = arith.constant 0 : i32
    return %arg0, %arg2 : i32, i32
  }
  func.func @transform_1(%arg0: i32, %arg1: i32, %arg2: i32) -> (i32, i32) {
    %c0_i32 = arith.constant 0 : i32
    return %arg2, %arg1 : i32, i32
  }
  func.func @transform_2(%arg0: i32, %arg1: i32, %arg2: i32) -> (i32, i32) {
    %c0_i32 = arith.constant 0 : i32
    return %arg0, %arg1 : i32, i32
  }
}

module attributes {stable_mosaic.version = 14 : i64} {
  func.func @_mm_kernel(%arg0: i32, %arg1: i32, %arg2: i32, %arg3: memref<256x256xf32, #tpu.memory_space<vmem>>, %arg4: memref<256x128xf32, #tpu.memory_space<vmem>>, %arg5: memref<256x128xf32, #tpu.memory_space<vmem>>) attributes {dimension_semantics = [#tpu.dimension_semantics<parallel>, #tpu.dimension_semantics<parallel>, #tpu.dimension_semantics<arbitrary>], iteration_bounds = array<i64: 10, 1, 10>, scalar_prefetch = 0 : i64, scratch_operands = 0 : i64, tpu.core_type = #tpu.core_type<tc>, window_params = [{transform_indices = @transform_0, window_bounds = array<i64: 256, 256>}, {transform_indices = @transform_1, window_bounds = array<i64: 256, 128>}, {transform_indices = @transform_2, window_bounds = array<i64: 256, 128>}]} {
    %eq3A = arith.constant 0 : i32
    %eq3A_0 = arith.cmpi eq, %arg2, %eq3A : i32
    %convert_element_type3A = arith.extui %eq3A_0 : i1 to i32
    %cond3A = arith.constant 0 : i32
    %cond3A_1 = arith.cmpi ne, %convert_element_type3A, %cond3A : i32
    scf.if %cond3A_1 {
      %broadcast_in_dim3A = arith.constant 0.000000e+00 : f32
      %broadcast_in_dim3A_13 = vector.broadcast %broadcast_in_dim3A : f32 to vector<256x128xf32>
      %swap3A_14 = arith.constant 0 : index
      %swap3A_15 = arith.constant 0 : index
      %swap3A_16 = vector.load %arg5[%swap3A_14, %swap3A_15] : memref<256x128xf32, #tpu.memory_space<vmem>>, vector<256x128xf32>
      tpu.vector_store %arg5[%swap3A_14, %swap3A_15], %broadcast_in_dim3A_13 {strides = array<i32>} : memref<256x128xf32, #tpu.memory_space<vmem>>, vector<256x128xf32>,
    } else {
    }
    %get3A = arith.constant 0 : index
    %get3A_2 = arith.constant 0 : index
    %get3A_3 = vector.load %arg3[%get3A, %get3A_2] : memref<256x256xf32, #tpu.memory_space<vmem>>, vector<256x256xf32>
    %get3A_4 = arith.constant 0 : index
    %get3A_5 = arith.constant 0 : index
    %get3A_6 = vector.load %arg4[%get3A_4, %get3A_5] : memref<256x128xf32, #tpu.memory_space<vmem>>, vector<256x128xf32>
    %dot_general3A = arith.constant dense<0.000000e+00> : vector<256x128xf32>
    %dot_general3A_7 = tpu.matmul %get3A_3, %get3A_6, %dot_general3A {dimension_numbers = #tpu.dot_dimension_numbers<[1], [0], [0], [1], [0, 0, 1, 1], [], []>, transpose_lhs_hint = false} : vector<256x256xf32>, vector<256x128xf32>, vector<256x128xf32> -> vector<256x128xf32>
    %get3A_8 = arith.constant 0 : index
    %get3A_9 = arith.constant 0 : index
    %get3A_10 = vector.load %arg5[%get3A_8, %get3A_9] : memref<256x128xf32, #tpu.memory_space<vmem>>, vector<256x128xf32>
    %add3A = arith.addf %get3A_10, %dot_general3A_7 : vector<256x128xf32>
    %swap3A = arith.constant 0 : index
    %swap3A_11 = arith.constant 0 : index
    %swap3A_12 = vector.load %arg5[%swap3A, %swap3A_11] : memref<256x128xf32, #tpu.memory_space<vmem>>, vector<256x128xf32>
    tpu.vector_store %arg5[%swap3A, %swap3A_11], %add3A {strides = array<i32>} : memref<256x128xf32, #tpu.memory_space<vmem>>, vector<256x128xf32>,
    return
  }
  func.func @transform_0(%arg0: i32, %arg1: i32, %arg2: i32) -> (i32, i32) {
    %c0_i32 = arith.constant 0 : i32
    return %arg0, %arg2 : i32, i32
  }
  func.func @transform_1(%arg0: i32, %arg1: i32, %arg2: i32) -> (i32, i32) {
    %c0_i32 = arith.constant 0 : i32
    return %arg2, %arg1 : i32, i32
  }
  func.func @transform_2(%arg0: i32, %arg1: i32, %arg2: i32) -> (i32, i32) {
    %c0_i32 = arith.constant 0 : i32
    return %arg0, %arg1 : i32, i32
  }
}

module attributes {stable_mosaic.version = 14 : i64} {
  func.func @_mm_kernel(%arg0: i32, %arg1: i32, %arg2: i32, %arg3: memref<256x256xbf16, #tpu.memory_space<vmem>>, %arg4: memref<256x512xbf16, #tpu.memory_space<vmem>>, %arg5: memref<256x512xbf16, #tpu.memory_space<vmem>>) attributes {dimension_semantics = [#tpu.dimension_semantics<parallel>, #tpu.dimension_semantics<parallel>, #tpu.dimension_semantics<arbitrary>], iteration_bounds = array<i64: 5, 5, 10>, scalar_prefetch = 0 : i64, scratch_operands = 0 : i64, tpu.core_type = #tpu.core_type<tc>, window_params = [{transform_indices = @transform_0, window_bounds = array<i64: 256, 256>}, {transform_indices = @transform_1, window_bounds = array<i64: 256, 512>}, {transform_indices = @transform_2, window_bounds = array<i64: 256, 512>}]} {
    %eq3A = arith.constant 0 : i32
    %eq3A_0 = arith.cmpi eq, %arg2, %eq3A : i32
    %convert_element_type3A = arith.extui %eq3A_0 : i1 to i32
    %cond3A = arith.constant 0 : i32
    %cond3A_1 = arith.cmpi ne, %convert_element_type3A, %cond3A : i32
    scf.if %cond3A_1 {
      %broadcast_in_dim3A = arith.constant 0.000000e+00 : bf16
      %broadcast_in_dim3A_14 = vector.broadcast %broadcast_in_dim3A : bf16 to vector<256x512xbf16>
      %swap3A_15 = arith.constant 0 : index
      %swap3A_16 = arith.constant 0 : index
      %swap3A_17 = vector.load %arg5[%swap3A_15, %swap3A_16] : memref<256x512xbf16, #tpu.memory_space<vmem>>, vector<256x512xbf16>
      tpu.vector_store %arg5[%swap3A_15, %swap3A_16], %broadcast_in_dim3A_14 {strides = array<i32>} : memref<256x512xbf16, #tpu.memory_space<vmem>>, vector<256x512xbf16>,
    } else {
    }
    %get3A = arith.constant 0 : index
    %get3A_2 = arith.constant 0 : index
    %get3A_3 = vector.load %arg3[%get3A, %get3A_2] : memref<256x256xbf16, #tpu.memory_space<vmem>>, vector<256x256xbf16>
    %get3A_4 = arith.constant 0 : index
    %get3A_5 = arith.constant 0 : index
    %get3A_6 = vector.load %arg4[%get3A_4, %get3A_5] : memref<256x512xbf16, #tpu.memory_space<vmem>>, vector<256x512xbf16>
    %dot_general3A = arith.constant dense<0.000000e+00> : vector<256x512xf32>
    %dot_general3A_7 = tpu.matmul %get3A_3, %get3A_6, %dot_general3A {dimension_numbers = #tpu.dot_dimension_numbers<[1], [0], [0], [1], [0, 0, 1, 1], [], []>, transpose_lhs_hint = false} : vector<256x256xbf16>, vector<256x512xbf16>, vector<256x512xf32> -> vector<256x512xf32>
    %get3A_8 = arith.constant 0 : index
    %get3A_9 = arith.constant 0 : index
    %get3A_10 = vector.load %arg5[%get3A_8, %get3A_9] : memref<256x512xbf16, #tpu.memory_space<vmem>>, vector<256x512xbf16>
    %convert_element_type3A_11 = arith.truncf %dot_general3A_7 : vector<256x512xf32> to vector<256x512xbf16>
    %add3A = arith.addf %get3A_10, %convert_element_type3A_11 : vector<256x512xbf16>
    %swap3A = arith.constant 0 : index
    %swap3A_12 = arith.constant 0 : index
    %swap3A_13 = vector.load %arg5[%swap3A, %swap3A_12] : memref<256x512xbf16, #tpu.memory_space<vmem>>, vector<256x512xbf16>
    tpu.vector_store %arg5[%swap3A, %swap3A_12], %add3A {strides = array<i32>} : memref<256x512xbf16, #tpu.memory_space<vmem>>, vector<256x512xbf16>,
    return
  }
  func.func @transform_0(%arg0: i32, %arg1: i32, %arg2: i32) -> (i32, i32) {
    %c0_i32 = arith.constant 0 : i32
    return %arg0, %arg2 : i32, i32
  }
  func.func @transform_1(%arg0: i32, %arg1: i32, %arg2: i32) -> (i32, i32) {
    %c0_i32 = arith.constant 0 : i32
    return %arg2, %arg1 : i32, i32
  }
  func.func @transform_2(%arg0: i32, %arg1: i32, %arg2: i32) -> (i32, i32) {
    %c0_i32 = arith.constant 0 : i32
    return %arg0, %arg1 : i32, i32
  }
}

module attributes {stable_mosaic.version = 14 : i64} {
  func.func @_mm_kernel(%arg0: i32, %arg1: i32, %arg2: i32, %arg3: memref<256x512xbf16, #tpu.memory_space<vmem>>, %arg4: memref<256x512xbf16, #tpu.memory_space<vmem>>, %arg5: memref<256x256xbf16, #tpu.memory_space<vmem>>) attributes {dimension_semantics = [#tpu.dimension_semantics<parallel>, #tpu.dimension_semantics<parallel>, #tpu.dimension_semantics<arbitrary>], iteration_bounds = array<i64: 10, 5, 5>, scalar_prefetch = 0 : i64, scratch_operands = 0 : i64, tpu.core_type = #tpu.core_type<tc>, window_params = [{transform_indices = @transform_0, window_bounds = array<i64: 256, 512>}, {transform_indices = @transform_1, window_bounds = array<i64: 256, 512>}, {transform_indices = @transform_2, window_bounds = array<i64: 256, 256>}]} {
    %eq3A = arith.constant 0 : i32
    %eq3A_0 = arith.cmpi eq, %arg2, %eq3A : i32
    %convert_element_type3A = arith.extui %eq3A_0 : i1 to i32
    %cond3A = arith.constant 0 : i32
    %cond3A_1 = arith.cmpi ne, %convert_element_type3A, %cond3A : i32
    scf.if %cond3A_1 {
      %broadcast_in_dim3A = arith.constant 0.000000e+00 : bf16
      %broadcast_in_dim3A_14 = vector.broadcast %broadcast_in_dim3A : bf16 to vector<256x256xbf16>
      %swap3A_15 = arith.constant 0 : index
      %swap3A_16 = arith.constant 0 : index
      %swap3A_17 = vector.load %arg5[%swap3A_15, %swap3A_16] : memref<256x256xbf16, #tpu.memory_space<vmem>>, vector<256x256xbf16>
      tpu.vector_store %arg5[%swap3A_15, %swap3A_16], %broadcast_in_dim3A_14 {strides = array<i32>} : memref<256x256xbf16, #tpu.memory_space<vmem>>, vector<256x256xbf16>,
    } else {
    }
    %get3A = arith.constant 0 : index
    %get3A_2 = arith.constant 0 : index
    %get3A_3 = vector.load %arg3[%get3A, %get3A_2] : memref<256x512xbf16, #tpu.memory_space<vmem>>, vector<256x512xbf16>
    %get3A_4 = arith.constant 0 : index
    %get3A_5 = arith.constant 0 : index
    %get3A_6 = vector.load %arg4[%get3A_4, %get3A_5] : memref<256x512xbf16, #tpu.memory_space<vmem>>, vector<256x512xbf16>
    %dot_general3A = arith.constant dense<0.000000e+00> : vector<256x256xf32>
    %dot_general3A_7 = tpu.matmul %get3A_3, %get3A_6, %dot_general3A {dimension_numbers = #tpu.dot_dimension_numbers<[1], [1], [0], [0], [0, 0, 1, 0], [], []>, transpose_lhs_hint = false} : vector<256x512xbf16>, vector<256x512xbf16>, vector<256x256xf32> -> vector<256x256xf32>
    %get3A_8 = arith.constant 0 : index
    %get3A_9 = arith.constant 0 : index
    %get3A_10 = vector.load %arg5[%get3A_8, %get3A_9] : memref<256x256xbf16, #tpu.memory_space<vmem>>, vector<256x256xbf16>
    %convert_element_type3A_11 = arith.truncf %dot_general3A_7 : vector<256x256xf32> to vector<256x256xbf16>
    %add3A = arith.addf %get3A_10, %convert_element_type3A_11 : vector<256x256xbf16>
    %swap3A = arith.constant 0 : index
    %swap3A_12 = arith.constant 0 : index
    %swap3A_13 = vector.load %arg5[%swap3A, %swap3A_12] : memref<256x256xbf16, #tpu.memory_space<vmem>>, vector<256x256xbf16>
    tpu.vector_store %arg5[%swap3A, %swap3A_12], %add3A {strides = array<i32>} : memref<256x256xbf16, #tpu.memory_space<vmem>>, vector<256x256xbf16>,
    return
  }
  func.func @transform_0(%arg0: i32, %arg1: i32, %arg2: i32) -> (i32, i32) {
    %c0_i32 = arith.constant 0 : i32
    return %arg0, %arg2 : i32, i32
  }
  func.func @transform_1(%arg0: i32, %arg1: i32, %arg2: i32) -> (i32, i32) {
    %c0_i32 = arith.constant 0 : i32
    return %arg1, %arg2 : i32, i32
  }
  func.func @transform_2(%arg0: i32, %arg1: i32, %arg2: i32) -> (i32, i32) {
    %c0_i32 = arith.constant 0 : i32
    return %arg0, %arg1 : i32, i32
  }
}

module attributes {stable_mosaic.version = 14 : i64} {
  func.func @_mm_kernel(%arg0: i32, %arg1: i32, %arg2: i32, %arg3: memref<256x512xbf16, #tpu.memory_space<vmem>>, %arg4: memref<512x256xbf16, #tpu.memory_space<vmem>>, %arg5: memref<256x256xf32, #tpu.memory_space<vmem>>) attributes {dimension_semantics = [#tpu.dimension_semantics<parallel>, #tpu.dimension_semantics<parallel>, #tpu.dimension_semantics<arbitrary>], iteration_bounds = array<i64: 5, 5, 5>, scalar_prefetch = 0 : i64, scratch_operands = 0 : i64, tpu.core_type = #tpu.core_type<tc>, window_params = [{transform_indices = @transform_0, window_bounds = array<i64: 256, 512>}, {transform_indices = @transform_1, window_bounds = array<i64: 512, 256>}, {transform_indices = @transform_2, window_bounds = array<i64: 256, 256>}]} {
    %eq3A = arith.constant 0 : i32
    %eq3A_0 = arith.cmpi eq, %arg2, %eq3A : i32
    %convert_element_type3A = arith.extui %eq3A_0 : i1 to i32
    %cond3A = arith.constant 0 : i32
    %cond3A_1 = arith.cmpi ne, %convert_element_type3A, %cond3A : i32
    scf.if %cond3A_1 {
      %broadcast_in_dim3A = arith.constant 0.000000e+00 : f32
      %broadcast_in_dim3A_18 = vector.broadcast %broadcast_in_dim3A : f32 to vector<256x256xf32>
      %swap3A_19 = arith.constant 0 : index
      %swap3A_20 = arith.constant 0 : index
      %swap3A_21 = vector.load %arg5[%swap3A_19, %swap3A_20] : memref<256x256xf32, #tpu.memory_space<vmem>>, vector<256x256xf32>
      tpu.vector_store %arg5[%swap3A_19, %swap3A_20], %broadcast_in_dim3A_18 {strides = array<i32>} : memref<256x256xf32, #tpu.memory_space<vmem>>, vector<256x256xf32>,
    } else {
    }
    %get3A = arith.constant 0 : index
    %get3A_2 = arith.constant 0 : index
    %get3A_3 = vector.load %arg3[%get3A, %get3A_2] : memref<256x512xbf16, #tpu.memory_space<vmem>>, vector<256x512xbf16>
    %get3A_4 = arith.constant 0 : index
    %get3A_5 = arith.constant 0 : index
    %get3A_6 = vector.load %arg4[%get3A_4, %get3A_5] : memref<512x256xbf16, #tpu.memory_space<vmem>>, vector<512x256xbf16>
    %dot_general3A = arith.constant dense<0.000000e+00> : vector<256x256xf32>
    %dot_general3A_7 = tpu.matmul %get3A_3, %get3A_6, %dot_general3A {dimension_numbers = #tpu.dot_dimension_numbers<[1], [0], [0], [1], [0, 0, 1, 1], [], []>, transpose_lhs_hint = false} : vector<256x512xbf16>, vector<512x256xbf16>, vector<256x256xf32> -> vector<256x256xf32>
    %get3A_8 = arith.constant 0 : index
    %get3A_9 = arith.constant 0 : index
    %get3A_10 = vector.load %arg5[%get3A_8, %get3A_9] : memref<256x256xf32, #tpu.memory_space<vmem>>, vector<256x256xf32>
    %add3A = arith.addf %get3A_10, %dot_general3A_7 : vector<256x256xf32>
    %swap3A = arith.constant 0 : index
    %swap3A_11 = arith.constant 0 : index
    %swap3A_12 = vector.load %arg5[%swap3A, %swap3A_11] : memref<256x256xf32, #tpu.memory_space<vmem>>, vector<256x256xf32>
    tpu.vector_store %arg5[%swap3A, %swap3A_11], %add3A {strides = array<i32>} : memref<256x256xf32, #tpu.memory_space<vmem>>, vector<256x256xf32>,
    %eq3A_13 = arith.constant 4 : i32
    %eq3A_14 = arith.cmpi eq, %arg2, %eq3A_13 : i32
    %convert_element_type3A_15 = arith.extui %eq3A_14 : i1 to i32
    %cond3A_16 = arith.constant 0 : i32
    %cond3A_17 = arith.cmpi ne, %convert_element_type3A_15, %cond3A_16 : i32
    scf.if %cond3A_17 {
      %mul3A = arith.constant 256 : i32
      %mul3A_18 = arith.muli %arg0, %mul3A : i32
      %iota3A = tpu.iota {dimensions = array<i32: 0>} : vector<256x256xi32>
      %add3A_19 = vector.broadcast %mul3A_18 : i32 to vector<256x256xi32>
      %add3A_20 = arith.addi %add3A_19, %iota3A : vector<256x256xi32>
      %mul3A_21 = arith.constant 256 : i32
      %mul3A_22 = arith.muli %arg1, %mul3A_21 : i32
      %iota3A_23 = tpu.iota {dimensions = array<i32: 1>} : vector<256x256xi32>
      %add3A_24 = vector.broadcast %mul3A_22 : i32 to vector<256x256xi32>
      %add3A_25 = arith.addi %add3A_24, %iota3A_23 : vector<256x256xi32>
      %eq3A_26 = arith.cmpi eq, %add3A_20, %add3A_25 : vector<256x256xi32>
      %lt3A = arith.constant 1250 : i32
      %lt3A_27 = vector.broadcast %lt3A : i32 to vector<256x256xi32>
      %lt3A_28 = arith.cmpi slt, %add3A_20, %lt3A_27 : vector<256x256xi32>
      %and3A = arith.andi %eq3A_26, %lt3A_28 : vector<256x256xi1>
      %get3A_29 = arith.constant 0 : index
      %get3A_30 = arith.constant 0 : index
      %get3A_31 = vector.load %arg5[%get3A_29, %get3A_30] : memref<256x256xf32, #tpu.memory_space<vmem>>, vector<256x256xf32>
      %jit3A = arith.constant 1.000000e+00 : f32
      %broadcast_in_dim3A = vector.broadcast %jit3A : f32 to vector<256x256xf32>
      %select_n3A = arith.select %and3A, %broadcast_in_dim3A, %get3A_31 : vector<256x256xi1>, vector<256x256xf32>
      %swap3A_32 = arith.constant 0 : index
      %swap3A_33 = arith.constant 0 : index
      %swap3A_34 = vector.load %arg5[%swap3A_32, %swap3A_33] : memref<256x256xf32, #tpu.memory_space<vmem>>, vector<256x256xf32>
      tpu.vector_store %arg5[%swap3A_32, %swap3A_33], %select_n3A {strides = array<i32>} : memref<256x256xf32, #tpu.memory_space<vmem>>, vector<256x256xf32>,
    } else {
    }
    return
  }
  func.func @transform_0(%arg0: i32, %arg1: i32, %arg2: i32) -> (i32, i32) {
    %c0_i32 = arith.constant 0 : i32
    return %arg0, %arg2 : i32, i32
  }
  func.func @transform_1(%arg0: i32, %arg1: i32, %arg2: i32) -> (i32, i32) {
    %c0_i32 = arith.constant 0 : i32
    return %arg2, %arg1 : i32, i32
  }
  func.func @transform_2(%arg0: i32, %arg1: i32, %arg2: i32) -> (i32, i32) {
    %c0_i32 = arith.constant 0 : i32
    return %arg0, %arg1 : i32, i32
  }
}

module attributes {stable_mosaic.version = 14 : i64} {
  func.func @_mm_kernel(%arg0: i32, %arg1: i32, %arg2: i32, %arg3: memref<256x128xf32, #tpu.memory_space<vmem>>, %arg4: memref<128x128xf32, #tpu.memory_space<vmem>>, %arg5: memref<256x128xf32, #tpu.memory_space<vmem>>) attributes {dimension_semantics = [#tpu.dimension_semantics<parallel>, #tpu.dimension_semantics<parallel>, #tpu.dimension_semantics<arbitrary>], iteration_bounds = array<i64: 5, 1, 1>, scalar_prefetch = 0 : i64, scratch_operands = 0 : i64, tpu.core_type = #tpu.core_type<tc>, window_params = [{transform_indices = @transform_0, window_bounds = array<i64: 256, 128>}, {transform_indices = @transform_1, window_bounds = array<i64: 128, 128>}, {transform_indices = @transform_2, window_bounds = array<i64: 256, 128>}]} {
    %eq3A = arith.constant 0 : i32
    %eq3A_0 = arith.cmpi eq, %arg2, %eq3A : i32
    %convert_element_type3A = arith.extui %eq3A_0 : i1 to i32
    %cond3A = arith.constant 0 : i32
    %cond3A_1 = arith.cmpi ne, %convert_element_type3A, %cond3A : i32
    scf.if %cond3A_1 {
      %broadcast_in_dim3A = arith.constant 0.000000e+00 : f32
      %broadcast_in_dim3A_13 = vector.broadcast %broadcast_in_dim3A : f32 to vector<256x128xf32>
      %swap3A_14 = arith.constant 0 : index
      %swap3A_15 = arith.constant 0 : index
      %swap3A_16 = vector.load %arg5[%swap3A_14, %swap3A_15] : memref<256x128xf32, #tpu.memory_space<vmem>>, vector<256x128xf32>
      tpu.vector_store %arg5[%swap3A_14, %swap3A_15], %broadcast_in_dim3A_13 {strides = array<i32>} : memref<256x128xf32, #tpu.memory_space<vmem>>, vector<256x128xf32>,
    } else {
    }
    %get3A = arith.constant 0 : index
    %get3A_2 = arith.constant 0 : index
    %get3A_3 = vector.load %arg3[%get3A, %get3A_2] : memref<256x128xf32, #tpu.memory_space<vmem>>, vector<256x128xf32>
    %get3A_4 = arith.constant 0 : index
    %get3A_5 = arith.constant 0 : index
    %get3A_6 = vector.load %arg4[%get3A_4, %get3A_5] : memref<128x128xf32, #tpu.memory_space<vmem>>, vector<128x128xf32>
    %dot_general3A = arith.constant dense<0.000000e+00> : vector<256x128xf32>
    %dot_general3A_7 = tpu.matmul %get3A_3, %get3A_6, %dot_general3A {dimension_numbers = #tpu.dot_dimension_numbers<[1], [0], [0], [1], [0, 0, 1, 1], [], []>, transpose_lhs_hint = false} : vector<256x128xf32>, vector<128x128xf32>, vector<256x128xf32> -> vector<256x128xf32>
    %get3A_8 = arith.constant 0 : index
    %get3A_9 = arith.constant 0 : index
    %get3A_10 = vector.load %arg5[%get3A_8, %get3A_9] : memref<256x128xf32, #tpu.memory_space<vmem>>, vector<256x128xf32>
    %add3A = arith.addf %get3A_10, %dot_general3A_7 : vector<256x128xf32>
    %swap3A = arith.constant 0 : index
    %swap3A_11 = arith.constant 0 : index
    %swap3A_12 = vector.load %arg5[%swap3A, %swap3A_11] : memref<256x128xf32, #tpu.memory_space<vmem>>, vector<256x128xf32>
    tpu.vector_store %arg5[%swap3A, %swap3A_11], %add3A {strides = array<i32>} : memref<256x128xf32, #tpu.memory_space<vmem>>, vector<256x128xf32>,
    return
  }
  func.func @transform_0(%arg0: i32, %arg1: i32, %arg2: i32) -> (i32, i32) {
    %c0_i32 = arith.constant 0 : i32
    return %arg0, %arg2 : i32, i32
  }
  func.func @transform_1(%arg0: i32, %arg1: i32, %arg2: i32) -> (i32, i32) {
    %c0_i32 = arith.constant 0 : i32
    return %arg2, %arg1 : i32, i32
  }
  func.func @transform_2(%arg0: i32, %arg1: i32, %arg2: i32) -> (i32, i32) {
    %c0_i32 = arith.constant 0 : i32
    return %arg0, %arg1 : i32, i32
  }
}

module attributes {stable_mosaic.version = 14 : i64} {
  func.func @_mm_kernel(%arg0: i32, %arg1: i32, %arg2: i32, %arg3: memref<256x256xf32, #tpu.memory_space<vmem>>, %arg4: memref<256x128xf32, #tpu.memory_space<vmem>>, %arg5: memref<256x128xf32, #tpu.memory_space<vmem>>) attributes {dimension_semantics = [#tpu.dimension_semantics<parallel>, #tpu.dimension_semantics<parallel>, #tpu.dimension_semantics<arbitrary>], iteration_bounds = array<i64: 5, 1, 5>, scalar_prefetch = 0 : i64, scratch_operands = 0 : i64, tpu.core_type = #tpu.core_type<tc>, window_params = [{transform_indices = @transform_0, window_bounds = array<i64: 256, 256>}, {transform_indices = @transform_1, window_bounds = array<i64: 256, 128>}, {transform_indices = @transform_2, window_bounds = array<i64: 256, 128>}]} {
    %eq3A = arith.constant 0 : i32
    %eq3A_0 = arith.cmpi eq, %arg2, %eq3A : i32
    %convert_element_type3A = arith.extui %eq3A_0 : i1 to i32
    %cond3A = arith.constant 0 : i32
    %cond3A_1 = arith.cmpi ne, %convert_element_type3A, %cond3A : i32
    scf.if %cond3A_1 {
      %broadcast_in_dim3A = arith.constant 0.000000e+00 : f32
      %broadcast_in_dim3A_13 = vector.broadcast %broadcast_in_dim3A : f32 to vector<256x128xf32>
      %swap3A_14 = arith.constant 0 : index
      %swap3A_15 = arith.constant 0 : index
      %swap3A_16 = vector.load %arg5[%swap3A_14, %swap3A_15] : memref<256x128xf32, #tpu.memory_space<vmem>>, vector<256x128xf32>
      tpu.vector_store %arg5[%swap3A_14, %swap3A_15], %broadcast_in_dim3A_13 {strides = array<i32>} : memref<256x128xf32, #tpu.memory_space<vmem>>, vector<256x128xf32>,
    } else {
    }
    %get3A = arith.constant 0 : index
    %get3A_2 = arith.constant 0 : index
    %get3A_3 = vector.load %arg3[%get3A, %get3A_2] : memref<256x256xf32, #tpu.memory_space<vmem>>, vector<256x256xf32>
    %get3A_4 = arith.constant 0 : index
    %get3A_5 = arith.constant 0 : index
    %get3A_6 = vector.load %arg4[%get3A_4, %get3A_5] : memref<256x128xf32, #tpu.memory_space<vmem>>, vector<256x128xf32>
    %dot_general3A = arith.constant dense<0.000000e+00> : vector<256x128xf32>
    %dot_general3A_7 = tpu.matmul %get3A_3, %get3A_6, %dot_general3A {dimension_numbers = #tpu.dot_dimension_numbers<[1], [0], [0], [1], [0, 0, 1, 1], [], []>, transpose_lhs_hint = false} : vector<256x256xf32>, vector<256x128xf32>, vector<256x128xf32> -> vector<256x128xf32>
    %get3A_8 = arith.constant 0 : index
    %get3A_9 = arith.constant 0 : index
    %get3A_10 = vector.load %arg5[%get3A_8, %get3A_9] : memref<256x128xf32, #tpu.memory_space<vmem>>, vector<256x128xf32>
    %add3A = arith.addf %get3A_10, %dot_general3A_7 : vector<256x128xf32>
    %swap3A = arith.constant 0 : index
    %swap3A_11 = arith.constant 0 : index
    %swap3A_12 = vector.load %arg5[%swap3A, %swap3A_11] : memref<256x128xf32, #tpu.memory_space<vmem>>, vector<256x128xf32>
    tpu.vector_store %arg5[%swap3A, %swap3A_11], %add3A {strides = array<i32>} : memref<256x128xf32, #tpu.memory_space<vmem>>, vector<256x128xf32>,
    return
  }
  func.func @transform_0(%arg0: i32, %arg1: i32, %arg2: i32) -> (i32, i32) {
    %c0_i32 = arith.constant 0 : i32
    return %arg0, %arg2 : i32, i32
  }
  func.func @transform_1(%arg0: i32, %arg1: i32, %arg2: i32) -> (i32, i32) {
    %c0_i32 = arith.constant 0 : i32
    return %arg2, %arg1 : i32, i32
  }
  func.func @transform_2(%arg0: i32, %arg1: i32, %arg2: i32) -> (i32, i32) {
    %c0_i32 = arith.constant 0 : i32
    return %arg0, %arg1 : i32, i32
  }
}

module attributes {stable_mosaic.version = 14 : i64} {
  func.func @_mm_kernel(%arg0: i32, %arg1: i32, %arg2: i32, %arg3: memref<256x256xf32, #tpu.memory_space<vmem>>, %arg4: memref<256x128xf32, #tpu.memory_space<vmem>>, %arg5: memref<256x128xf32, #tpu.memory_space<vmem>>) attributes {dimension_semantics = [#tpu.dimension_semantics<parallel>, #tpu.dimension_semantics<parallel>, #tpu.dimension_semantics<arbitrary>], iteration_bounds = array<i64: 10, 1, 5>, scalar_prefetch = 0 : i64, scratch_operands = 0 : i64, tpu.core_type = #tpu.core_type<tc>, window_params = [{transform_indices = @transform_0, window_bounds = array<i64: 256, 256>}, {transform_indices = @transform_1, window_bounds = array<i64: 256, 128>}, {transform_indices = @transform_2, window_bounds = array<i64: 256, 128>}]} {
    %eq3A = arith.constant 0 : i32
    %eq3A_0 = arith.cmpi eq, %arg2, %eq3A : i32
    %convert_element_type3A = arith.extui %eq3A_0 : i1 to i32
    %cond3A = arith.constant 0 : i32
    %cond3A_1 = arith.cmpi ne, %convert_element_type3A, %cond3A : i32
    scf.if %cond3A_1 {
      %broadcast_in_dim3A = arith.constant 0.000000e+00 : f32
      %broadcast_in_dim3A_13 = vector.broadcast %broadcast_in_dim3A : f32 to vector<256x128xf32>
      %swap3A_14 = arith.constant 0 : index
      %swap3A_15 = arith.constant 0 : index
      %swap3A_16 = vector.load %arg5[%swap3A_14, %swap3A_15] : memref<256x128xf32, #tpu.memory_space<vmem>>, vector<256x128xf32>
      tpu.vector_store %arg5[%swap3A_14, %swap3A_15], %broadcast_in_dim3A_13 {strides = array<i32>} : memref<256x128xf32, #tpu.memory_space<vmem>>, vector<256x128xf32>,
    } else {
    }
    %get3A = arith.constant 0 : index
    %get3A_2 = arith.constant 0 : index
    %get3A_3 = vector.load %arg3[%get3A, %get3A_2] : memref<256x256xf32, #tpu.memory_space<vmem>>, vector<256x256xf32>
    %get3A_4 = arith.constant 0 : index
    %get3A_5 = arith.constant 0 : index
    %get3A_6 = vector.load %arg4[%get3A_4, %get3A_5] : memref<256x128xf32, #tpu.memory_space<vmem>>, vector<256x128xf32>
    %dot_general3A = arith.constant dense<0.000000e+00> : vector<256x128xf32>
    %dot_general3A_7 = tpu.matmul %get3A_3, %get3A_6, %dot_general3A {dimension_numbers = #tpu.dot_dimension_numbers<[0], [0], [1], [1], [0, 1, 1, 1], [], []>, transpose_lhs_hint = false} : vector<256x256xf32>, vector<256x128xf32>, vector<256x128xf32> -> vector<256x128xf32>
    %get3A_8 = arith.constant 0 : index
    %get3A_9 = arith.constant 0 : index
    %get3A_10 = vector.load %arg5[%get3A_8, %get3A_9] : memref<256x128xf32, #tpu.memory_space<vmem>>, vector<256x128xf32>
    %add3A = arith.addf %get3A_10, %dot_general3A_7 : vector<256x128xf32>
    %swap3A = arith.constant 0 : index
    %swap3A_11 = arith.constant 0 : index
    %swap3A_12 = vector.load %arg5[%swap3A, %swap3A_11] : memref<256x128xf32, #tpu.memory_space<vmem>>, vector<256x128xf32>
    tpu.vector_store %arg5[%swap3A, %swap3A_11], %add3A {strides = array<i32>} : memref<256x128xf32, #tpu.memory_space<vmem>>, vector<256x128xf32>,
    return
  }
  func.func @transform_0(%arg0: i32, %arg1: i32, %arg2: i32) -> (i32, i32) {
    %c0_i32 = arith.constant 0 : i32
    return %arg2, %arg0 : i32, i32
  }
  func.func @transform_1(%arg0: i32, %arg1: i32, %arg2: i32) -> (i32, i32) {
    %c0_i32 = arith.constant 0 : i32
    return %arg2, %arg1 : i32, i32
  }
  func.func @transform_2(%arg0: i32, %arg1: i32, %arg2: i32) -> (i32, i32) {
    %c0_i32 = arith.constant 0 : i32
    return %arg0, %arg1 : i32, i32
  }
}

module attributes {stable_mosaic.version = 14 : i64} {
  func.func @_mm_kernel(%arg0: i32, %arg1: i32, %arg2: i32, %arg3: memref<256x256xf32, #tpu.memory_space<vmem>>, %arg4: memref<256x128xf32, #tpu.memory_space<vmem>>, %arg5: memref<256x128xf32, #tpu.memory_space<vmem>>) attributes {dimension_semantics = [#tpu.dimension_semantics<parallel>, #tpu.dimension_semantics<parallel>, #tpu.dimension_semantics<arbitrary>], iteration_bounds = array<i64: 20, 1, 10>, scalar_prefetch = 0 : i64, scratch_operands = 0 : i64, tpu.core_type = #tpu.core_type<tc>, window_params = [{transform_indices = @transform_0, window_bounds = array<i64: 256, 256>}, {transform_indices = @transform_1, window_bounds = array<i64: 256, 128>}, {transform_indices = @transform_2, window_bounds = array<i64: 256, 128>}]} {
    %eq3A = arith.constant 0 : i32
    %eq3A_0 = arith.cmpi eq, %arg2, %eq3A : i32
    %convert_element_type3A = arith.extui %eq3A_0 : i1 to i32
    %cond3A = arith.constant 0 : i32
    %cond3A_1 = arith.cmpi ne, %convert_element_type3A, %cond3A : i32
    scf.if %cond3A_1 {
      %broadcast_in_dim3A = arith.constant 0.000000e+00 : f32
      %broadcast_in_dim3A_13 = vector.broadcast %broadcast_in_dim3A : f32 to vector<256x128xf32>
      %swap3A_14 = arith.constant 0 : index
      %swap3A_15 = arith.constant 0 : index
      %swap3A_16 = vector.load %arg5[%swap3A_14, %swap3A_15] : memref<256x128xf32, #tpu.memory_space<vmem>>, vector<256x128xf32>
      tpu.vector_store %arg5[%swap3A_14, %swap3A_15], %broadcast_in_dim3A_13 {strides = array<i32>} : memref<256x128xf32, #tpu.memory_space<vmem>>, vector<256x128xf32>,
    } else {
    }
    %get3A = arith.constant 0 : index
    %get3A_2 = arith.constant 0 : index
    %get3A_3 = vector.load %arg3[%get3A, %get3A_2] : memref<256x256xf32, #tpu.memory_space<vmem>>, vector<256x256xf32>
    %get3A_4 = arith.constant 0 : index
    %get3A_5 = arith.constant 0 : index
    %get3A_6 = vector.load %arg4[%get3A_4, %get3A_5] : memref<256x128xf32, #tpu.memory_space<vmem>>, vector<256x128xf32>
    %dot_general3A = arith.constant dense<0.000000e+00> : vector<256x128xf32>
    %dot_general3A_7 = tpu.matmul %get3A_3, %get3A_6, %dot_general3A {dimension_numbers = #tpu.dot_dimension_numbers<[0], [0], [1], [1], [0, 1, 1, 1], [], []>, transpose_lhs_hint = false} : vector<256x256xf32>, vector<256x128xf32>, vector<256x128xf32> -> vector<256x128xf32>
    %get3A_8 = arith.constant 0 : index
    %get3A_9 = arith.constant 0 : index
    %get3A_10 = vector.load %arg5[%get3A_8, %get3A_9] : memref<256x128xf32, #tpu.memory_space<vmem>>, vector<256x128xf32>
    %add3A = arith.addf %get3A_10, %dot_general3A_7 : vector<256x128xf32>
    %swap3A = arith.constant 0 : index
    %swap3A_11 = arith.constant 0 : index
    %swap3A_12 = vector.load %arg5[%swap3A, %swap3A_11] : memref<256x128xf32, #tpu.memory_space<vmem>>, vector<256x128xf32>
    tpu.vector_store %arg5[%swap3A, %swap3A_11], %add3A {strides = array<i32>} : memref<256x128xf32, #tpu.memory_space<vmem>>, vector<256x128xf32>,
    return
  }
  func.func @transform_0(%arg0: i32, %arg1: i32, %arg2: i32) -> (i32, i32) {
    %c0_i32 = arith.constant 0 : i32
    return %arg2, %arg0 : i32, i32
  }
  func.func @transform_1(%arg0: i32, %arg1: i32, %arg2: i32) -> (i32, i32) {
    %c0_i32 = arith.constant 0 : i32
    return %arg2, %arg1 : i32, i32
  }
  func.func @transform_2(%arg0: i32, %arg1: i32, %arg2: i32) -> (i32, i32) {
    %c0_i32 = arith.constant 0 : i32
    return %arg0, %arg1 : i32, i32
  }
}

module attributes {stable_mosaic.version = 14 : i64} {
  func.func @_mm_kernel(%arg0: i32, %arg1: i32, %arg2: i32, %arg3: memref<16x256xf32, #tpu.memory_space<vmem>>, %arg4: memref<256x128xf32, #tpu.memory_space<vmem>>, %arg5: memref<16x128xf32, #tpu.memory_space<vmem>>) attributes {dimension_semantics = [#tpu.dimension_semantics<parallel>, #tpu.dimension_semantics<parallel>, #tpu.dimension_semantics<arbitrary>], iteration_bounds = array<i64: 1, 1, 40>, scalar_prefetch = 0 : i64, scratch_operands = 0 : i64, tpu.core_type = #tpu.core_type<tc>, window_params = [{transform_indices = @transform_0, window_bounds = array<i64: 16, 256>}, {transform_indices = @transform_1, window_bounds = array<i64: 256, 128>}, {transform_indices = @transform_2, window_bounds = array<i64: 16, 128>}]} {
    %eq3A = arith.constant 0 : i32
    %eq3A_0 = arith.cmpi eq, %arg2, %eq3A : i32
    %convert_element_type3A = arith.extui %eq3A_0 : i1 to i32
    %cond3A = arith.constant 0 : i32
    %cond3A_1 = arith.cmpi ne, %convert_element_type3A, %cond3A : i32
    scf.if %cond3A_1 {
      %broadcast_in_dim3A = arith.constant 0.000000e+00 : f32
      %broadcast_in_dim3A_13 = vector.broadcast %broadcast_in_dim3A : f32 to vector<16x128xf32>
      %swap3A_14 = arith.constant 0 : index
      %swap3A_15 = arith.constant 0 : index
      %swap3A_16 = vector.load %arg5[%swap3A_14, %swap3A_15] : memref<16x128xf32, #tpu.memory_space<vmem>>, vector<16x128xf32>
      tpu.vector_store %arg5[%swap3A_14, %swap3A_15], %broadcast_in_dim3A_13 {strides = array<i32>} : memref<16x128xf32, #tpu.memory_space<vmem>>, vector<16x128xf32>,
    } else {
    }
    %get3A = arith.constant 0 : index
    %get3A_2 = arith.constant 0 : index
    %get3A_3 = vector.load %arg3[%get3A, %get3A_2] : memref<16x256xf32, #tpu.memory_space<vmem>>, vector<16x256xf32>
    %get3A_4 = arith.constant 0 : index
    %get3A_5 = arith.constant 0 : index
    %get3A_6 = vector.load %arg4[%get3A_4, %get3A_5] : memref<256x128xf32, #tpu.memory_space<vmem>>, vector<256x128xf32>
    %dot_general3A = arith.constant dense<0.000000e+00> : vector<16x128xf32>
    %dot_general3A_7 = tpu.matmul %get3A_3, %get3A_6, %dot_general3A {dimension_numbers = #tpu.dot_dimension_numbers<[1], [0], [0], [1], [0, 0, 1, 1], [], []>, transpose_lhs_hint = false} : vector<16x256xf32>, vector<256x128xf32>, vector<16x128xf32> -> vector<16x128xf32>
    %get3A_8 = arith.constant 0 : index
    %get3A_9 = arith.constant 0 : index
    %get3A_10 = vector.load %arg5[%get3A_8, %get3A_9] : memref<16x128xf32, #tpu.memory_space<vmem>>, vector<16x128xf32>
    %add3A = arith.addf %get3A_10, %dot_general3A_7 : vector<16x128xf32>
    %swap3A = arith.constant 0 : index
    %swap3A_11 = arith.constant 0 : index
    %swap3A_12 = vector.load %arg5[%swap3A, %swap3A_11] : memref<16x128xf32, #tpu.memory_space<vmem>>, vector<16x128xf32>
    tpu.vector_store %arg5[%swap3A, %swap3A_11], %add3A {strides = array<i32>} : memref<16x128xf32, #tpu.memory_space<vmem>>, vector<16x128xf32>,
    return
  }
  func.func @transform_0(%arg0: i32, %arg1: i32, %arg2: i32) -> (i32, i32) {
    %c0_i32 = arith.constant 0 : i32
    return %arg0, %arg2 : i32, i32
  }
  func.func @transform_1(%arg0: i32, %arg1: i32, %arg2: i32) -> (i32, i32) {
    %c0_i32 = arith.constant 0 : i32
    return %arg2, %arg1 : i32, i32
  }
  func.func @transform_2(%arg0: i32, %arg1: i32, %arg2: i32) -> (i32, i32) {
    %c0_i32 = arith.constant 0 : i32
    return %arg0, %arg1 : i32, i32
  }
}

module attributes {stable_mosaic.version = 14 : i64} {
  func.func @_head_kernel(%arg0: memref<16x128xf32, #tpu.memory_space<vmem>>, %arg1: memref<3x128x128xf32, #tpu.memory_space<vmem>>, %arg2: memref<3x128xf32, #tpu.memory_space<vmem>>, %arg3: memref<4x128xf32, #tpu.memory_space<vmem>>, %arg4: memref<4x128xf32, #tpu.memory_space<vmem>>, %arg5: memref<128x128xf32, #tpu.memory_space<vmem>>, %arg6: memref<1x128xf32, #tpu.memory_space<vmem>>, %arg7: memref<16x128xf32, #tpu.memory_space<vmem>>) attributes {dimension_semantics = [], scalar_prefetch = 0 : i64, scratch_operands = 0 : i64, tpu.core_type = #tpu.core_type<tc>} {
    %sqrt3A = arith.constant 1.000010e+00 : f32
    %sqrt3A_0 = math.sqrt %sqrt3A : f32
    %div3A = arith.constant 1.000000e+00 : f32
    %div3A_1 = arith.divf %div3A, %sqrt3A_0 : f32
    %get3A = arith.constant 0 : index
    %get3A_2 = arith.constant 0 : index
    %get3A_3 = vector.load %arg0[%get3A, %get3A_2] : memref<16x128xf32, #tpu.memory_space<vmem>>, vector<16x128xf32>
    %mul3A = vector.broadcast %div3A_1 : f32 to vector<16x128xf32>
    %mul3A_4 = arith.mulf %get3A_3, %mul3A : vector<16x128xf32>
    %get3A_5 = arith.constant 0 : index
    %get3A_6 = arith.constant 0 : index
    %get3A_7 = vector.load %arg3[%get3A_5, %get3A_6] : memref<4x128xf32, #tpu.memory_space<vmem>>, vector<1x128xf32>
    %get3A_8 = vector.shape_cast %get3A_7 : vector<1x128xf32> to vector<128xf32>
    %broadcast_in_dim3A = vector.shape_cast %get3A_8 : vector<128xf32> to vector<1x128xf32>
    %mul3A_9 = vector.broadcast %broadcast_in_dim3A : vector<1x128xf32> to vector<16x128xf32>
    %mul3A_10 = arith.mulf %mul3A_4, %mul3A_9 : vector<16x128xf32>
    %get3A_11 = arith.constant 0 : index
    %get3A_12 = arith.constant 0 : index
    %get3A_13 = vector.load %arg4[%get3A_11, %get3A_12] : memref<4x128xf32, #tpu.memory_space<vmem>>, vector<1x128xf32>
    %get3A_14 = vector.shape_cast %get3A_13 : vector<1x128xf32> to vector<128xf32>
    %broadcast_in_dim3A_15 = vector.shape_cast %get3A_14 : vector<128xf32> to vector<1x128xf32>
    %add3A = vector.broadcast %broadcast_in_dim3A_15 : vector<1x128xf32> to vector<16x128xf32>
    %add3A_16 = arith.addf %mul3A_10, %add3A : vector<16x128xf32>
    %get3A_17 = arith.constant 0 : index
    %get3A_18 = arith.constant 0 : index
    %get3A_19 = arith.constant 0 : index
    %get3A_20 = vector.load %arg1[%get3A_17, %get3A_18, %get3A_19] : memref<3x128x128xf32, #tpu.memory_space<vmem>>, vector<1x128x128xf32>
    %get3A_21 = vector.shape_cast %get3A_20 : vector<1x128x128xf32> to vector<128x128xf32>
    %dot_general3A = arith.constant dense<0.000000e+00> : vector<16x128xf32>
    %dot_general3A_22 = tpu.matmul %add3A_16, %get3A_21, %dot_general3A {dimension_numbers = #tpu.dot_dimension_numbers<[1], [0], [0], [1], [0, 0, 1, 1], [], []>, transpose_lhs_hint = false} : vector<16x128xf32>, vector<128x128xf32>, vector<16x128xf32> -> vector<16x128xf32>
    %get3A_23 = arith.constant 0 : index
    %get3A_24 = arith.constant 0 : index
    %get3A_25 = vector.load %arg2[%get3A_23, %get3A_24] : memref<3x128xf32, #tpu.memory_space<vmem>>, vector<1x128xf32>
    %get3A_26 = vector.shape_cast %get3A_25 : vector<1x128xf32> to vector<128xf32>
    %broadcast_in_dim3A_27 = vector.shape_cast %get3A_26 : vector<128xf32> to vector<1x128xf32>
    %add3A_28 = vector.broadcast %broadcast_in_dim3A_27 : vector<1x128xf32> to vector<16x128xf32>
    %add3A_29 = arith.addf %dot_general3A_22, %add3A_28 : vector<16x128xf32>
    %tanh3A = math.tanh %add3A_29 : vector<16x128xf32>
    %mul3A_30 = vector.broadcast %div3A_1 : f32 to vector<16x128xf32>
    %mul3A_31 = arith.mulf %tanh3A, %mul3A_30 : vector<16x128xf32>
    %get3A_32 = arith.constant 1 : index
    %get3A_33 = arith.constant 0 : index
    %get3A_34 = vector.load %arg3[%get3A_32, %get3A_33] : memref<4x128xf32, #tpu.memory_space<vmem>>, vector<1x128xf32>
    %get3A_35 = vector.shape_cast %get3A_34 : vector<1x128xf32> to vector<128xf32>
    %broadcast_in_dim3A_36 = vector.shape_cast %get3A_35 : vector<128xf32> to vector<1x128xf32>
    %mul3A_37 = vector.broadcast %broadcast_in_dim3A_36 : vector<1x128xf32> to vector<16x128xf32>
    %mul3A_38 = arith.mulf %mul3A_31, %mul3A_37 : vector<16x128xf32>
    %get3A_39 = arith.constant 1 : index
    %get3A_40 = arith.constant 0 : index
    %get3A_41 = vector.load %arg4[%get3A_39, %get3A_40] : memref<4x128xf32, #tpu.memory_space<vmem>>, vector<1x128xf32>
    %get3A_42 = vector.shape_cast %get3A_41 : vector<1x128xf32> to vector<128xf32>
    %broadcast_in_dim3A_43 = vector.shape_cast %get3A_42 : vector<128xf32> to vector<1x128xf32>
    %add3A_44 = vector.broadcast %broadcast_in_dim3A_43 : vector<1x128xf32> to vector<16x128xf32>
    %add3A_45 = arith.addf %mul3A_38, %add3A_44 : vector<16x128xf32>
    %get3A_46 = arith.constant 1 : index
    %get3A_47 = arith.constant 0 : index
    %get3A_48 = arith.constant 0 : index
    %get3A_49 = vector.load %arg1[%get3A_46, %get3A_47, %get3A_48] : memref<3x128x128xf32, #tpu.memory_space<vmem>>, vector<1x128x128xf32>
    %get3A_50 = vector.shape_cast %get3A_49 : vector<1x128x128xf32> to vector<128x128xf32>
    %dot_general3A_51 = arith.constant dense<0.000000e+00> : vector<16x128xf32>
    %dot_general3A_52 = tpu.matmul %add3A_45, %get3A_50, %dot_general3A_51 {dimension_numbers = #tpu.dot_dimension_numbers<[1], [0], [0], [1], [0, 0, 1, 1], [], []>, transpose_lhs_hint = false} : vector<16x128xf32>, vector<128x128xf32>, vector<16x128xf32> -> vector<16x128xf32>
    %get3A_53 = arith.constant 1 : index
    %get3A_54 = arith.constant 0 : index
    %get3A_55 = vector.load %arg2[%get3A_53, %get3A_54] : memref<3x128xf32, #tpu.memory_space<vmem>>, vector<1x128xf32>
    %get3A_56 = vector.shape_cast %get3A_55 : vector<1x128xf32> to vector<128xf32>
    %broadcast_in_dim3A_57 = vector.shape_cast %get3A_56 : vector<128xf32> to vector<1x128xf32>
    %add3A_58 = vector.broadcast %broadcast_in_dim3A_57 : vector<1x128xf32> to vector<16x128xf32>
    %add3A_59 = arith.addf %dot_general3A_52, %add3A_58 : vector<16x128xf32>
    %tanh3A_60 = math.tanh %add3A_59 : vector<16x128xf32>
    %mul3A_61 = vector.broadcast %div3A_1 : f32 to vector<16x128xf32>
    %mul3A_62 = arith.mulf %tanh3A_60, %mul3A_61 : vector<16x128xf32>
    %get3A_63 = arith.constant 2 : index
    %get3A_64 = arith.constant 0 : index
    %get3A_65 = vector.load %arg3[%get3A_63, %get3A_64] : memref<4x128xf32, #tpu.memory_space<vmem>>, vector<1x128xf32>
    %get3A_66 = vector.shape_cast %get3A_65 : vector<1x128xf32> to vector<128xf32>
    %broadcast_in_dim3A_67 = vector.shape_cast %get3A_66 : vector<128xf32> to vector<1x128xf32>
    %mul3A_68 = vector.broadcast %broadcast_in_dim3A_67 : vector<1x128xf32> to vector<16x128xf32>
    %mul3A_69 = arith.mulf %mul3A_62, %mul3A_68 : vector<16x128xf32>
    %get3A_70 = arith.constant 2 : index
    %get3A_71 = arith.constant 0 : index
    %get3A_72 = vector.load %arg4[%get3A_70, %get3A_71] : memref<4x128xf32, #tpu.memory_space<vmem>>, vector<1x128xf32>
    %get3A_73 = vector.shape_cast %get3A_72 : vector<1x128xf32> to vector<128xf32>
    %broadcast_in_dim3A_74 = vector.shape_cast %get3A_73 : vector<128xf32> to vector<1x128xf32>
    %add3A_75 = vector.broadcast %broadcast_in_dim3A_74 : vector<1x128xf32> to vector<16x128xf32>
    %add3A_76 = arith.addf %mul3A_69, %add3A_75 : vector<16x128xf32>
    %get3A_77 = arith.constant 2 : index
    %get3A_78 = arith.constant 0 : index
    %get3A_79 = arith.constant 0 : index
    %get3A_80 = vector.load %arg1[%get3A_77, %get3A_78, %get3A_79] : memref<3x128x128xf32, #tpu.memory_space<vmem>>, vector<1x128x128xf32>
    %get3A_81 = vector.shape_cast %get3A_80 : vector<1x128x128xf32> to vector<128x128xf32>
    %dot_general3A_82 = arith.constant dense<0.000000e+00> : vector<16x128xf32>
    %dot_general3A_83 = tpu.matmul %add3A_76, %get3A_81, %dot_general3A_82 {dimension_numbers = #tpu.dot_dimension_numbers<[1], [0], [0], [1], [0, 0, 1, 1], [], []>, transpose_lhs_hint = false} : vector<16x128xf32>, vector<128x128xf32>, vector<16x128xf32> -> vector<16x128xf32>
    %get3A_84 = arith.constant 2 : index
    %get3A_85 = arith.constant 0 : index
    %get3A_86 = vector.load %arg2[%get3A_84, %get3A_85] : memref<3x128xf32, #tpu.memory_space<vmem>>, vector<1x128xf32>
    %get3A_87 = vector.shape_cast %get3A_86 : vector<1x128xf32> to vector<128xf32>
    %broadcast_in_dim3A_88 = vector.shape_cast %get3A_87 : vector<128xf32> to vector<1x128xf32>
    %add3A_89 = vector.broadcast %broadcast_in_dim3A_88 : vector<1x128xf32> to vector<16x128xf32>
    %add3A_90 = arith.addf %dot_general3A_83, %add3A_89 : vector<16x128xf32>
    %tanh3A_91 = math.tanh %add3A_90 : vector<16x128xf32>
    %mul3A_92 = vector.broadcast %div3A_1 : f32 to vector<16x128xf32>
    %mul3A_93 = arith.mulf %tanh3A_91, %mul3A_92 : vector<16x128xf32>
    %get3A_94 = arith.constant 3 : index
    %get3A_95 = arith.constant 0 : index
    %get3A_96 = vector.load %arg3[%get3A_94, %get3A_95] : memref<4x128xf32, #tpu.memory_space<vmem>>, vector<1x128xf32>
    %get3A_97 = vector.shape_cast %get3A_96 : vector<1x128xf32> to vector<128xf32>
    %broadcast_in_dim3A_98 = vector.shape_cast %get3A_97 : vector<128xf32> to vector<1x128xf32>
    %mul3A_99 = vector.broadcast %broadcast_in_dim3A_98 : vector<1x128xf32> to vector<16x128xf32>
    %mul3A_100 = arith.mulf %mul3A_93, %mul3A_99 : vector<16x128xf32>
    %get3A_101 = arith.constant 3 : index
    %get3A_102 = arith.constant 0 : index
    %get3A_103 = vector.load %arg4[%get3A_101, %get3A_102] : memref<4x128xf32, #tpu.memory_space<vmem>>, vector<1x128xf32>
    %get3A_104 = vector.shape_cast %get3A_103 : vector<1x128xf32> to vector<128xf32>
    %broadcast_in_dim3A_105 = vector.shape_cast %get3A_104 : vector<128xf32> to vector<1x128xf32>
    %add3A_106 = vector.broadcast %broadcast_in_dim3A_105 : vector<1x128xf32> to vector<16x128xf32>
    %add3A_107 = arith.addf %mul3A_100, %add3A_106 : vector<16x128xf32>
    %get3A_108 = arith.constant 0 : index
    %get3A_109 = arith.constant 0 : index
    %get3A_110 = vector.load %arg5[%get3A_108, %get3A_109] : memref<128x128xf32, #tpu.memory_space<vmem>>, vector<128x128xf32>
    %dot_general3A_111 = arith.constant dense<0.000000e+00> : vector<16x128xf32>
    %dot_general3A_112 = tpu.matmul %add3A_107, %get3A_110, %dot_general3A_111 {dimension_numbers = #tpu.dot_dimension_numbers<[1], [0], [0], [1], [0, 0, 1, 1], [], []>, transpose_lhs_hint = false} : vector<16x128xf32>, vector<128x128xf32>, vector<16x128xf32> -> vector<16x128xf32>
    %get3A_113 = arith.constant 0 : index
    %get3A_114 = arith.constant 0 : index
    %get3A_115 = vector.load %arg6[%get3A_113, %get3A_114] : memref<1x128xf32, #tpu.memory_space<vmem>>, vector<1x128xf32>
    %get3A_116 = vector.shape_cast %get3A_115 : vector<1x128xf32> to vector<128xf32>
    %broadcast_in_dim3A_117 = vector.shape_cast %get3A_116 : vector<128xf32> to vector<1x128xf32>
    %add3A_118 = vector.broadcast %broadcast_in_dim3A_117 : vector<1x128xf32> to vector<16x128xf32>
    %add3A_119 = arith.addf %dot_general3A_112, %add3A_118 : vector<16x128xf32>
    %swap3A = arith.constant 0 : index
    %swap3A_120 = arith.constant 0 : index
    %swap3A_121 = vector.load %arg7[%swap3A, %swap3A_120] : memref<16x128xf32, #tpu.memory_space<vmem>>, vector<16x128xf32>
    tpu.vector_store %arg7[%swap3A, %swap3A_120], %add3A_119 {strides = array<i32>} : memref<16x128xf32, #tpu.memory_space<vmem>>, vector<16x128xf32>,
    return
  }
}

</mosaic_0001>

<sc_bundles>
// kernel: gather_offload_async_start
scs
__scs_entry_jumppad:
0x0: {  	(pc) =	sbr.rel $0x88, $3  }
0x1: {  	(tag) =	ssettag $0x0;
	lr =	simm.s32 $0x1  }
0x2: {  	[smem:$0x3F93] =	sst lr;
	_ =	strace $0xD0000000  }
0x3: {  	_ = 	snop  }
0x4: {  	_ = 	snop  }
0x5: {  	_ = 	snop  }
0x6: {  	_ = 	snop  }
0x7: {  	_ = 	snop  }
__scs_overlays_trampoline_lowered:
0x8: {  	[smem:$0x3FA2] =	sst s0  }
0x9: {  	[smem:$0x3FA3] =	sst s1  }
0xa: {  	[smem:$0x3FA4] =	sst s2  }
0xb: {  	[smem:$0x3FA5] =	sst s3  }
0xc: {  	[smem:$0x3FA6] =	sst s4  }
0xd: {  	[smem:$0x3FA7] =	sst s5  }
0xe: {  	[smem:$0x3FA8] =	sst s6  }
0xf: {  	[smem:$0x3FA9] =	sst s7  }
0x10: {  	[smem:$0x3FAA] =	sst s8  }
0x11: {  	[smem:$0x3FAB] =	sst s9;
	s0 =	simm.s32 @!p0 $0x0  }
0x12: {  	s1 =	sld [smem:$0x3F91];
	s0 =	simm.s32 @p0 $0x1  }
0x13: {  	[smem:$0x3FAC] =	sst s0;
	s0 =	simm.s32 @!p1 $0x0  }
0x14: {  	s2 =	sld [smem:$0x3F90];
	s0 =	simm.s32 @p1 $0x1  }
0x15: {  	[smem:$0x3FAD] =	sst s0;
	s0 =	simm.s32 @!p2 $0x0  }
0x16: {  	s3 =	sld [smem:$0x3FDB];
	s0 =	simm.s32 @p2 $0x1  }
0x17: {  	s4 =	simm.s32 $0x1BF5;
	[smem:$0x3FAF] =	sst s0  }
0x18: {  	s0 =	sld [smem:$0x3F92];
	_ =	swait.ge [sflag:s4], $0x0  }
0x19: {  	s7 =	sld [smem:$0x3F93]  }
0x1a: {  	s8 =	sadd.s32 $0xFFFFE003, lr  }
0x1b: {  	s9 =	sadd.s32 $0xFFFFFEF7, lr;
	s5 =	simm.s32 $0xFFFFFFFF;
	p2 =	slt.u32 s8, $0xFFFFF086  }
0x1c: {  	p1 =	slt.u32 s9, $0xF7A;
	s5 =	simm.s32 @!p2 $0x0  }
0x1d: {  	s5 =	simm.s32 @p1 $0x1;
	p0 =	seq.s32 s7, s2  }
0x1e: {  	s7 =	smul.u32 @!p0 $0xF7A, s2;
	p2 =	seq.s32 @!p0 s5, $0x0  }
0x1f: {  	s9 =	smul.u32 $0xF7A, s1;
	s8 =	simm.s32 @!p0 $0x1BF5;
	p2 =	por !p2, p0  }
0x20: {  	[sflag:s8] =	ssyncset.s32 @!p0 $0xFFFFF086;
	s6 =	sadd.s32 @!p0 s3, s7;
	s7 =	simm.s32 @!p0 $0x108  }
0x21: {  	s3 =	sadd.s32 s3, s9;
	s6 =	sadd.s32 @!p0 $0x88, s6;
	s7 =	simm.s32 @p2 $0x1082  }
0x22: {  	[simem:s7], [sflag:s8] =	dma.local @!p0 [hbm:s6], $0xF7A  }
0x23: {  	s9 =	sor.u32 $0xD0000000, s2;
	s6 =	simm.s32 $0x108;
	_ =	swait.ge @!p0 [sflag:s8], $0x0  }
0x24: {  	s3 =	sadd.s32 $0x88, s3;
	s6 =	simm.s32 @!p1 $0x1082;
	[sflag:s4] =	ssyncset.s32 $0xFFFFF086  }
0x25: {  	[simem:s6], [sflag:s4] =	dma.local [hbm:s3], $0xF7A  }
0x26: {  	[smem:$0x3F93] =	sst s1;
	(tag) =	ssettag s2;
	_ =	strace s9  }
0x27: {  	s1 =	sld [smem:$0x3FA3]  }
0x28: {  	s2 =	sld [smem:$0x3FA4]  }
0x29: {  	s4 =	sld [smem:$0x3FA6]  }
0x2a: {  	p0 =	seq.s32 s5, $0x0;
	s5 =	sld [smem:$0x3FA7]  }
0x2b: {  	s6 =	sld [smem:$0x3FA8]  }
0x2c: {  	s7 =	sld [smem:$0x3FA9]  }
0x2d: {  	s3 =	simm.s32 $0x108;
	s8 =	sld [smem:$0x3FAA]  }
0x2e: {  	s3 =	simm.s32 @!p0 $0x1082;
	s9 =	sld [smem:$0x3FAB]  }
0x2f: {  	lr =	sadd.s32 s0, s3;
	s0 =	sld [smem:$0x3FA2]  }
0x30: {  	s3 =	sld [smem:$0x3FA5]  }
0x31: {  	[smem:$0x3FAE] =	sst s10  }
0x32: {  	s10 =	sld [smem:$0x3FAC];
	_ =	sdelay $0x3  }
0x33: {  	p0 =	seq.s32 s10, $0x1;
	s10 =	sld [smem:$0x3FAE];
	_ =	sdelay $0x3  }
0x34: {  	[smem:$0x3FAE] =	sst s10  }
0x35: {  	s10 =	sld [smem:$0x3FAD];
	_ =	sdelay $0x3  }
0x36: {  	p1 =	seq.s32 s10, $0x1;
	s10 =	sld [smem:$0x3FAE];
	_ =	sdelay $0x3  }
0x37: {  	[smem:$0x3FAE] =	sst s10  }
0x38: {  	s10 =	sld [smem:$0x3FAF]  }
0x39: {  	_ = 	snop;
	(pc) =	sbr.ind lr, $3  }
0x3a: {  	_ = 	snop  }
0x3b: {  	_ = 	snop  }
0x3c: {  	p2 =	seq.s32 s10, $0x1;
	s10 =	sld [smem:$0x3FAE]  }
0x3d: {  	_ =	shalt  }
0x3e: {  	_ =	shalt  }
0x3f: {  	_ =	shalt  }
0x40: {  	_ =	shalt  }
0x41: {  	_ =	shalt  }
0x42: {  	_ =	shalt  }
0x43: {  	_ =	shalt  }
0x44: {  	_ =	shalt  }
0x45: {  	_ =	shalt  }
0x46: {  	_ =	shalt  }
0x47: {  	_ =	shalt  }
0x48: {  	_ =	shalt  }
0x49: {  	_ =	shalt  }
0x4a: {  	_ =	shalt  }
0x4b: {  	_ =	shalt  }
0x4c: {  	_ =	shalt  }
0x4d: {  	_ =	shalt  }
0x4e: {  	_ =	shalt  }
0x4f: {  	_ =	shalt  }
0x50: {  	_ =	shalt  }
0x51: {  	_ =	shalt  }
0x52: {  	_ =	shalt  }
0x53: {  	_ =	shalt  }
0x54: {  	_ =	shalt  }
0x55: {  	_ =	shalt  }
0x56: {  	_ =	shalt  }
0x57: {  	_ =	shalt  }
0x58: {  	_ =	shalt  }
0x59: {  	_ =	shalt  }
0x5a: {  	_ =	shalt  }
0x5b: {  	_ =	shalt  }
0x5c: {  	_ =	shalt  }
0x5d: {  	_ =	shalt  }
0x5e: {  	_ =	shalt  }
0x5f: {  	_ =	shalt  }
0x60: {  	_ =	shalt  }
0x61: {  	_ =	shalt  }
0x62: {  	_ =	shalt  }
0x63: {  	_ =	shalt  }
0x64: {  	_ =	shalt  }
0x65: {  	_ =	shalt  }
0x66: {  	_ =	shalt  }
0x67: {  	_ =	shalt  }
0x68: {  	_ =	shalt  }
0x69: {  	_ =	shalt  }
0x6a: {  	_ =	shalt  }
0x6b: {  	_ =	shalt  }
0x6c: {  	_ =	shalt  }
0x6d: {  	_ =	shalt  }
0x6e: {  	_ =	shalt  }
0x6f: {  	_ =	shalt  }
0x70: {  	_ =	shalt  }
0x71: {  	_ =	shalt  }
0x72: {  	_ =	shalt  }
0x73: {  	_ =	shalt  }
0x74: {  	_ =	shalt  }
0x75: {  	_ =	shalt  }
0x76: {  	_ =	shalt  }
0x77: {  	_ =	shalt  }
0x78: {  	_ =	shalt  }
0x79: {  	_ =	shalt  }
0x7a: {  	_ =	shalt  }
0x7b: {  	_ =	shalt  }
0x7c: {  	_ =	shalt  }
0x7d: {  	_ =	shalt  }
0x7e: {  	_ =	shalt  }
0x7f: {  	_ =	shalt  }
0x80: {  	_ =	shalt  }
0x81: {  	_ =	shalt  }
0x82: {  	_ =	shalt  }
0x83: {  	_ =	shalt  }
0x84: {  	_ =	shalt  }
0x85: {  	_ =	shalt  }
0x86: {  	_ =	shalt  }
0x87: {  	_ =	shalt  }
.Lfunc_end0:
.L_simem_size_0:
called_computation.2_lowered:
.L_overlay_start_0:
0x88: {  	s0 =	sld [smem:$0x3FD9]  }
0x89: {  	s1 =	sld [smem:$0x3FFE];
	_ =	sdelay $0x3  }
0x8a: {  	s0 =	sadd.s32 s1, s0  }
0x8b: {  	[smem:$0x3FBA] =	sst s0  }
0x8c: {  	_ = 	snop  }
0x8d: {  	(tm) =	ssettm $0x1  }
0x8e: {  	s15 =	sld [smem:$0x3FFB];
	_ =	sdelay $0x3  }
0x8f: {  	_ =	strace s15  }
0x90: {  	s0 =	sld [smem:$0x3FFC];
	_ =	sdelay $0x3  }
0x91: {  	_ =	strace s0  }
0x92: {  	s0 =	sld [smem:$0x3FFD];
	_ =	sdelay $0x3  }
0x93: {  	_ =	strace s0  }
0x94: {  	_ =	strace $0x8FFFFFFF  }
0x95: {  	s16 =	sld [smem:$0x3FDB];
	_ =	sdelay $0x1  }
0x96: {  	s17 =	simm.s32 $_scs_section_size  }
0x97: {  	s2 =	simm.s32 $_size__tile_overlayer_lowered;
	s3 =	simm.s32 $_tile_overlayer_lowered  }
0x98: {  	s20 =	simm.s32 $0x1BFF;
	s19 =	sshll.u32 s3, $0x1;
	s0 =	sadd.s32 s17, s16  }
0x99: {  	s4 =	simm.s32 $0x0;
	s18 =	sshll.u32 s2, $0x1;
	s2 =	sadd.s32 s19, s0  }
0x9a: {  	[timem:s4], [sflag:s20] =	dma.local [hbm:s2], s18  }
0x9b: {  	_ =	swait.ge [sflag:s20], s18  }
0x9c: {  	s1 =	ssub.s32 $0x0, s18;
	[sflag:s20] =	ssyncset.done $0x0  }
0x9d: {  	[sflag:s20] =	ssyncadd.s32 s1;
	_ =	sdelay $0x1  }
0x9e: {  	s21 =	simm.s32 $0x1B8B  }
0x9f: {  	_ =	swait.ge [sflag:s21], $0x1  }
0xa0: {  	[sflag:s21] =	ssyncset.done $0x0  }
0xa1: {  	s23 =	simm.s32 $0x1B8E;
	s22 =	sld [smem:$0x3FFE];
	[sflag:s21] =	ssyncadd.s32 $0xFFFFFFFF  }
0xa2: {  	s24 =	simm.s32 $execute0_lowered;
	[smem:$0x3FD2] =	sst s23  }
0xa3: {  	s2 =	sshll.u32 s24, $0x1;
	_ =	strace $0x8000004F;
	[dreg:$0x1] =	wrdreg $0xFFFFFFFF  }
0xa4: {  	s25 =	simm.s32 $_size_execute0_lowered;
	s0 =	sadd.s32 s0, s2;
	[dreg:$0x0] =	wrdreg $0x0  }
0xa5: {  	s2 =	sshll.u32 s25, $0x1;
	[dreg:$0x2] =	wrdreg s0  }
0xa6: {  	[dreg:$0x3] =	wrdreg s2  }
0xa7: {  	[dreg:$0x4] =	wrdreg $0xC0  }
0xa8: {  	_ =	task [dreg:s4], $0x5FFFF  }
0xa9: {  	[dreg:$0x1] =	wrdreg $0xFFFFFFFF  }
0xaa: {  	[dreg:$0x0] =	wrdreg $0x60  }
0xab: {  	[dreg:$0x2] =	wrdreg s22  }
0xac: {  	[dreg:$0x3] =	wrdreg $0xA  }
0xad: {  	_ =	task.clear_ibuf [dreg:s4], $0x4FFFF;
	_ =	strace $0x9000004F  }
0xae: {  	s26 =	simm.s32 $0xA;
	_ =	strace $0x80000051  }
0xaf: {  	_ =	swait.ge [sflag:s26], $0x1  }
0xb0: {  	[sflag:s26] =	ssyncadd.s32 $0xFFFFFFFF  }
0xb1: {  	_ =	strace $0x90000051  }
0xb2: {  	_ =	sfence  }
0xb3: {  	s28 =	sld [smem:$0x0];
	_ =	sdelay $0x1  }
0xb4: {  	s29 =	srdreg.scid  }
0xb5: {  	s30 =	sshll.u32 s29, $0xD;
	s31 =	sshrl.u32 s29, $0x2  }
0xb6: {  	s1 =	sand.u32 $0x1, s29;
	s2 =	sand.u32 $0x4000, s30;
	s0 =	sadd.s32 s31, s28  }
0xb7: {  	s1 =	sor.u32 s2, s1;
	s0 =	sshll.u32 s0, $0x11  }
0xb8: {  	s0 =	sor.u32 s0, s1  }
0xb9: {  	s0 =	sadd.s32 $0x8F2B, s0  }
0xba: {  	[sflag:s0] =	ssyncadd.remote.s32 $0x1  }
0xbb: {  	_ =	sfence.sel $0xFFFF  }
0xbc: {  	[dreg:$0x0] =	wrdreg $0xFFFFFFFF;
	(pc) =	sbr.abs _section_cstart, $3  }
0xbd: {  	[dreg:$0x1] =	wrdreg $0xFFFFFFFF  }
0xbe: {  	_ =	task.clear_ibuf [dreg:s4], $0x2FFFF;
	_ =	strace $0x9FFFFFFF  }
0xbf: {  	(tm) =	ssettm $0x7FFFFFFF  }
tec
execute0_lowered:
.L_overlay_start_1:
0x0: {  	(tag) =	ssettag $0x1  }
0x1: {  	s0 =	stileid.u32  }
0x2: {  	s1 =	smin.u32 s0, $0x9  }
0x3: {  	s1 =	sadd.s32 s0, s1  }
0x4: {  	s2 =	simm.s32 $0x190;
	p0 =	slt.u32 s0, $0x9;
	s1 =	smul.u32 $0xC8, s1  }
0x5: {  	s2 =	simm.s32 @!p0 $0xC8  }
0x6: {  	s2 =	sadd.s32 s2, s1  }
0x7: {  	s3 =	smin.u32 s2, $0x1388  }
0x8: {  	s7 =	ssub.s32 s3, s1  }
0x9: {  	p0 =	sgt.s32 s7, $0x0  }
0xa: {  	s7 =	simm.s32 @!p0 $0x0  }
0xb: {  	s31 =	sand.u32 $0xFFF8, s7  }
0xc: {  	s2 =	sshrl.u32 s31, $0x3  }
0xd: {  	s2 =	smul.u32 $0x147B, s2  }
0xe: {  	s9 =	rddreg [dreg:$0x0];
	s6 =	simm.s32 $0x1;
	s11 =	simm.s32 $0x3  }
0xf: {  	s13 =	simm.s32 $0x0;
	s12 =	simm.s32 $0x0;
	s8 =	sshrl.u32 s2, $0x11  }
0x10: {  	s4 =	sadd.s32 $0x15800, s9;
	s5 =	sadd.s32 $0x46800, s9;
	s10 =	smul.u32 $0xC8, s8  }
.Ltmp0:
0x11: {  	s9 =	sadd.s32 $0xCDC400, s9;
	s2 =	rddreg [dreg:$0x1];
	(pc) =	sbr.rel .LBB2_1-.Ltmp0, $4  }
0x12: {  	_ =	strace $0x80000050;
	p0 =	sne.s32 s7, s10;
	s10 =	simm.s32 $0x1  }
0x13: {  	[sflag:s6] =	ssyncpa.u1 $0x0;
	s7 =	simm.s32 $0x2;
	s10 =	simm.s32 @!p0 $0x0  }
0x14: {  	[sflag:s7] =	ssyncpa.u1 $0x0;
	p0 =	por $0x0, $0x0;
	s8 =	sadd.s32 s8, s10  }
0x15: {  	vm0 =	vmmov $0xff;
	vm1 =	vcmask $0x3F20;
	[sflag:s11] =	ssyncpa.u1 $0x0;
	s11 =	smov.u32 s1;
	s10 =	sadd.s32 $0x1, s8  }
.LBB2_6:
0x16: {  	[hbm:s17] =	stream.linear.scatter [tilespmem:s14], [sflag:$0x3], $0x400, $0x38;
	[tilespmem:$0xC990] =	vst v63  }
.LBB2_7:
0x17: {  	s13 =	sadd.s32 $0xC8, s11  }
0x18: {  	s15 =	smov.u32 s1;
	p2 =	slt.s32 s13, s3  }
0x19: {  	s15 =	smov.u32 @p2 s13;
	p2 =	sne.s32 s12, s10  }
.Ltmp1:
0x1a: {  	p1 =	slt.u32 s12, $0x2;
	(pc) =	sbr.rel @!p2 .LBB2_8-.Ltmp1, $4  }
0x1b: {  	s14 =	simm.s32 @!p1 $0x3  }
0x1c: {  	s16 =	sadd.s32 $0x1, s12;
	_ =	swait.ge @!p1 [sflag:s14], $0x6400  }
0x1d: {  	p0 =	por !p0, !p0;
	s13 =	smov.u32 s11;
	[sflag:s14] =	ssyncset.done @!p1 $0x0  }
0x1e: {  	s12 =	smov.u32 s16;
	s11 =	smov.u32 s15;
	[sflag:s14] =	ssyncadd.s32 @!p1 $0xFFFF9C00  }
.LBB2_1:
0x1f: {  	p1 =	sge.u32 s12, s8  }
0x20: {  	s14 =	sxor.u32 @!p1 $0xFFFFFFFF, s12  }
0x21: {  	s14 =	sand.u32 @!p1 $0x1, s14  }
0x22: {  	s14 =	smul.u32 @!p1 $0x320, s14  }
0x23: {  	s31 =	sadd.s32 $0xFFFFFFFF, s12;
	s15 =	sshrl.u32 @!p1 s11, $0x3  }
0x24: {  	s16 =	sand.u32 @!p1 $0x7, s11;
	s15 =	sadd.s32 @!p1 s5, s15;
	s14 =	sshrl.u32 @!p1 s14, $0x2  }
0x25: {  	[tilespmem:s14], [sflag:$0x2] =	stream.linear.gather @!p1 [hbm4b:s15+s16], $0xC8, $0x38;
	[tilespmem:$0xC990] =	vst v63  }
0x26: {  	p1 =	sge.u32 s31, s8  }
.Ltmp2:
0x27: {  	_ = 	snop;
	(pc) =	sbr.rel @p1 .LBB2_7-.Ltmp2, $1  }
0x28: {  	_ =	sdelay $0x3  }
0x29: {  	s14 =	simm.s32 $0x1  }
0x2a: {  	s14 =	simm.s32 @!p0 $0x0  }
0x2b: {  	s15 =	smul.u32 $0x320, s14  }
0x2c: {  	_ =	swait.ge [sflag:s7], $0xC8  }
0x2d: {  	[sflag:s7] =	ssyncset.done $0x0;
	s16 =	sshrl.u32 s15, $0x2  }
0x2e: {  	[sflag:s7] =	ssyncadd.s32 $0xFFFFFF38;
	s15 =	sadd.s32 $0x0, s16  }
0x2f: {  	v0 =	vld.msk [tilespmem:s15+$0x0 ss:$0x1], $0xffff;
	_ =	sdelay $0x4  }
0x30: {  	vm2 =	vgt.s32 v0, $0x0  }
0x31: {  	v0 =	vnsel vm2, $0x0, v0  }
0x32: {  	v0 =	vmin.u32 v0, $0x270F  }
0x33: {  	v0 =	vshll.u32 v0, $0x4  }
0x34: {  	s14 =	smul.u32 $0x19000, s14  }
0x35: {  	s31 =	sand.u32 $0x1, s12  }
0x36: {  	s17 =	smul.u32 $0x320, s31;
	s14 =	sshrl.u32 s14, $0x2  }
0x37: {  	s19 =	smul.u32 $0x19000, s31;
	s14 =	sor.u32 $0x190, s14  }
0x38: {  	[tilespmem:s14], [sflag:$0x1] =	stream.indirect_vreg.gather [hbm:s4], $0x80, v0, vm0, $0x38;
	[tilespmem:$0xC990] =	vst v63  }
0x39: {  	s18 =	sshrl.u32 s17, $0x2;
	s20 =	sadd.s32 $0x10, s16;
	s15 =	sadd.s32 $0x400, s14  }
0x3a: {  	[tilespmem:s15], [sflag:$0x1] =	stream.indirect_vreg.gather [hbm:s4], $0x80, v0, vm1, $0x38;
	[tilespmem:$0xC990] =	vst v63  }
0x3b: {  	s17 =	sshrl.u32 s19, $0x2;
	s19 =	smov.u32 s14;
	v0 =	vld.msk [tilespmem:s20+$0x0 ss:$0x1], $0xffff;
	s20 =	simm.s32 $0x80  }
.LBB2_3:
0x3c: {  	p1 =	sne.s32 s20, $0x2C0;
	_ =	sdelay $0x4  }
0x3d: {  	vm2 =	vgt.s32 v0, $0x0  }
0x3e: {  	v0 =	vnsel vm2, $0x0, v0  }
0x3f: {  	v0 =	vmin.u32 v0, $0x270F  }
0x40: {  	v0 =	vshll.u32 v0, $0x4;
	_ =	sdelay $0x3  }
.Ltmp3:
0x41: {  	s21 =	sshra.s32 s20, $0x2;
	s19 =	sadd.s32 $0x800, s19;
	(pc) =	sbr.rel @p1 .LBB2_3-.Ltmp3, $4  }
0x42: {  	[tilespmem:s19], [sflag:$0x1] =	stream.indirect_vreg.gather [hbm:s4], $0x80, v0, vm0, $0x38;
	[tilespmem:$0xC990] =	vst v63  }
0x43: {  	s21 =	sadd.s32 s21, s16;
	s22 =	sadd.s32 $0x400, s19  }
0x44: {  	[tilespmem:s22], [sflag:$0x1] =	stream.indirect_vreg.gather [hbm:s4], $0x80, v0, vm1, $0x38;
	[tilespmem:$0xC990] =	vst v63  }
0x45: {  	s20 =	sadd.s32 $0x40, s20;
	v0 =	vld.msk [tilespmem:s21+$0x0 ss:$0x1], $0xffff  }
0x46: {  	_ =	sdelay $0x3  }
0x47: {  	vm2 =	vgt.s32 v0, $0x0  }
0x48: {  	v0 =	vnsel vm2, $0x0, v0  }
0x49: {  	v0 =	vmin.u32 v0, $0x270F  }
0x4a: {  	v0 =	vshll.u32 v0, $0x4;
	_ =	sdelay $0x3  }
0x4b: {  	s16 =	sadd.s32 $0x800, s19  }
0x4c: {  	[tilespmem:s16], [sflag:$0x1] =	stream.indirect_vreg.gather [hbm:s4], $0x80, v0, vm0, $0x38;
	[tilespmem:$0xC990] =	vst v63  }
0x4d: {  	s16 =	sadd.s32 $0x400, s16  }
0x4e: {  	[tilespmem:s16], [sflag:$0x1] =	stream.indirect_vreg.gather [hbm:s4], $0x80, v0, vm1, $0x38;
	[tilespmem:$0xC990] =	vst v63  }
0x4f: {  	v0 =	vld.msk [tilespmem:s18+$0xC0 ss:$0x1], $0xff;
	_ =	sdelay $0x4  }
0x50: {  	vm2 =	vgt.s32 v0, $0x0  }
0x51: {  	v0 =	vnsel vm2, $0x0, v0  }
0x52: {  	v0 =	vmin.u32 v0, $0x270F  }
0x53: {  	v0 =	vshll.u32 v0, $0x4;
	_ =	sdelay $0x3  }
0x54: {  	s31 =	sadd.s32 $0x6190, s17  }
0x55: {  	[tilespmem:s31], [sflag:$0x1] =	stream.indirect_vreg.gather [hbm:s4], $0x80, v0, vm0, $0x38;
	[tilespmem:$0xC990] =	vst v63  }
0x56: {  	s13 =	sshll.u32 s13, $0x4;
	_ =	swait.ge [sflag:s6], $0x6400  }
0x57: {  	s13 =	sadd.s32 s13, s9;
	[sflag:s6] =	ssyncset.done $0x0  }
0x58: {  	s17 =	sadd.s32 $0x0, s13;
	s16 =	simm.s32 $0x80;
	[sflag:s6] =	ssyncadd.s32 $0xFFFF9C00  }
.LBB2_5:
0x59: {  	[hbm:s17] =	stream.linear.scatter [tilespmem:s14], [sflag:$0x3], $0x400, $0x38;
	[tilespmem:$0xC990] =	vst v63  }
0x5a: {  	s17 =	smov.u32 s16;
	s14 =	smov.u32 s15;
	p1 =	sne.s32 s16, $0xC00  }
.Ltmp4:
0x5b: {  	s16 =	sadd.s32 $0x80, s16;
	(pc) =	sbr.rel @p1 .LBB2_5-.Ltmp4, $2  }
0x5c: {  	_ =	sdelay $0x2  }
0x5d: {  	s15 =	sadd.s32 $0x400, s15;
	s17 =	sadd.s32 s17, s13  }
.Ltmp5:
0x5e: {  	_ = 	snop;
	(pc) =	sbr.rel .LBB2_6-.Ltmp5, $1  }
0x5f: {  	_ =	sdelay $0x3  }
.LBB2_8:
0x60: {  	_ =	sfence.sel $0x180000  }
0x61: {  	s1 =	simm.s32 $0x2;
	[bflag:$0x0] =	sbarrier.arrive $0xFFFF  }
0x62: {  	s30 =	simm.s32 $0x3;
	[sflag:s1] =	ssyncpa.u1 $0x1  }
0x63: {  	s31 =	simm.s32 $0x1;
	[sflag:s30] =	ssyncpa.u1 $0x1  }
0x64: {  	[sflag:s31] =	ssyncpa.u1 $0x1  }
0x65: {  	p0 =	sne.s32 s0, $0x0;
	_ =	strace $0x90000050  }
0x66: {  	s0 =	sadd.s32 @!p0 $0x100000, s2;
	[bflag:$0x2] =	sbarrier.arrive $0xFFFF  }
0x67: {  	[sflag:s0] =	ssyncadd.tile.s32 @!p0 $0x1;
	_ =	shalt  }
.Lfunc_end2:
_tile_overlayer_lowered:
.L_overlay_start_2:
0x68: {  	(tag) =	ssettag $0x2  }
0x69: {  	s0 =	rddreg [dreg:$0x0];
	s2 =	stileid.u32  }
0x6a: {  	s1 =	rddreg [dreg:$0x1];
	p0 =	sne.s32 s2, $0x0  }
0x6b: {  	s3 =	rddreg [dreg:$0x2];
	[bflag:$0x3] =	sbarrier.arrive $0xFFFF;
	s2 =	simm.s32 @!p0 $0x1C01  }
0x6c: {  	[timem:s3], [sflag:s2] =	dma.local @!p0 [hbm:s0], s1  }
0x6d: {  	s0 =	simm.s32 @!p0 $0x1  }
0x6e: {  	_ =	swait.ge @!p0 [sflag:s0], s1  }
0x6f: {  	s1 =	ssub.s32 @!p0 $0x0, s1;
	[sflag:s0] =	ssyncset.done @!p0 $0x0  }
0x70: {  	[sflag:s0] =	ssyncadd.s32 @!p0 s1  }
0x71: {  	[bflag:$0x3] =	sbarrier.arrive $0xFFFF  }
0x72: {  	_ =	shalt  }

// kernel: kernel.31.cloned.1.call-start
scs
__scs_entry_jumppad:
0x0: {  	(pc) =	sbr.rel $0x88, $3  }
0x1: {  	(tag) =	ssettag $0x0;
	lr =	simm.s32 $0x1  }
0x2: {  	[smem:$0x3F93] =	sst lr;
	_ =	strace $0xD0000000  }
0x3: {  	_ = 	snop  }
0x4: {  	_ = 	snop  }
0x5: {  	_ = 	snop  }
0x6: {  	_ = 	snop  }
0x7: {  	_ = 	snop  }
__scs_overlays_trampoline_lowered:
0x8: {  	[smem:$0x3FA2] =	sst s0  }
0x9: {  	[smem:$0x3FA3] =	sst s1  }
0xa: {  	[smem:$0x3FA4] =	sst s2  }
0xb: {  	[smem:$0x3FA5] =	sst s3  }
0xc: {  	[smem:$0x3FA6] =	sst s4  }
0xd: {  	[smem:$0x3FA7] =	sst s5  }
0xe: {  	[smem:$0x3FA8] =	sst s6  }
0xf: {  	[smem:$0x3FA9] =	sst s7  }
0x10: {  	[smem:$0x3FAA] =	sst s8  }
0x11: {  	[smem:$0x3FAB] =	sst s9;
	s0 =	simm.s32 @!p0 $0x0  }
0x12: {  	s1 =	sld [smem:$0x3F91];
	s0 =	simm.s32 @p0 $0x1  }
0x13: {  	[smem:$0x3FAC] =	sst s0;
	s0 =	simm.s32 @!p1 $0x0  }
0x14: {  	s2 =	sld [smem:$0x3F90];
	s0 =	simm.s32 @p1 $0x1  }
0x15: {  	[smem:$0x3FAD] =	sst s0;
	s0 =	simm.s32 @!p2 $0x0  }
0x16: {  	s3 =	sld [smem:$0x3FDB];
	s0 =	simm.s32 @p2 $0x1  }
0x17: {  	s4 =	simm.s32 $0x1BF5;
	[smem:$0x3FAF] =	sst s0  }
0x18: {  	s0 =	sld [smem:$0x3F92];
	_ =	swait.ge [sflag:s4], $0x0  }
0x19: {  	s7 =	sld [smem:$0x3F93]  }
0x1a: {  	s8 =	sadd.s32 $0xFFFFE003, lr  }
0x1b: {  	s9 =	sadd.s32 $0xFFFFFEF7, lr;
	s5 =	simm.s32 $0xFFFFFFFF;
	p2 =	slt.u32 s8, $0xFFFFF086  }
0x1c: {  	p1 =	slt.u32 s9, $0xF7A;
	s5 =	simm.s32 @!p2 $0x0  }
0x1d: {  	s5 =	simm.s32 @p1 $0x1;
	p0 =	seq.s32 s7, s2  }
0x1e: {  	s7 =	smul.u32 @!p0 $0xF7A, s2;
	p2 =	seq.s32 @!p0 s5, $0x0  }
0x1f: {  	s9 =	smul.u32 $0xF7A, s1;
	s8 =	simm.s32 @!p0 $0x1BF5;
	p2 =	por !p2, p0  }
0x20: {  	[sflag:s8] =	ssyncset.s32 @!p0 $0xFFFFF086;
	s6 =	sadd.s32 @!p0 s3, s7;
	s7 =	simm.s32 @!p0 $0x108  }
0x21: {  	s3 =	sadd.s32 s3, s9;
	s6 =	sadd.s32 @!p0 $0x88, s6;
	s7 =	simm.s32 @p2 $0x1082  }
0x22: {  	[simem:s7], [sflag:s8] =	dma.local @!p0 [hbm:s6], $0xF7A  }
0x23: {  	s9 =	sor.u32 $0xD0000000, s2;
	s6 =	simm.s32 $0x108;
	_ =	swait.ge @!p0 [sflag:s8], $0x0  }
0x24: {  	s3 =	sadd.s32 $0x88, s3;
	s6 =	simm.s32 @!p1 $0x1082;
	[sflag:s4] =	ssyncset.s32 $0xFFFFF086  }
0x25: {  	[simem:s6], [sflag:s4] =	dma.local [hbm:s3], $0xF7A  }
0x26: {  	[smem:$0x3F93] =	sst s1;
	(tag) =	ssettag s2;
	_ =	strace s9  }
0x27: {  	s1 =	sld [smem:$0x3FA3]  }
0x28: {  	s2 =	sld [smem:$0x3FA4]  }
0x29: {  	s4 =	sld [smem:$0x3FA6]  }
0x2a: {  	p0 =	seq.s32 s5, $0x0;
	s5 =	sld [smem:$0x3FA7]  }
0x2b: {  	s6 =	sld [smem:$0x3FA8]  }
0x2c: {  	s7 =	sld [smem:$0x3FA9]  }
0x2d: {  	s3 =	simm.s32 $0x108;
	s8 =	sld [smem:$0x3FAA]  }
0x2e: {  	s3 =	simm.s32 @!p0 $0x1082;
	s9 =	sld [smem:$0x3FAB]  }
0x2f: {  	lr =	sadd.s32 s0, s3;
	s0 =	sld [smem:$0x3FA2]  }
0x30: {  	s3 =	sld [smem:$0x3FA5]  }
0x31: {  	[smem:$0x3FAE] =	sst s10  }
0x32: {  	s10 =	sld [smem:$0x3FAC];
	_ =	sdelay $0x3  }
0x33: {  	p0 =	seq.s32 s10, $0x1;
	s10 =	sld [smem:$0x3FAE];
	_ =	sdelay $0x3  }
0x34: {  	[smem:$0x3FAE] =	sst s10  }
0x35: {  	s10 =	sld [smem:$0x3FAD];
	_ =	sdelay $0x3  }
0x36: {  	p1 =	seq.s32 s10, $0x1;
	s10 =	sld [smem:$0x3FAE];
	_ =	sdelay $0x3  }
0x37: {  	[smem:$0x3FAE] =	sst s10  }
0x38: {  	s10 =	sld [smem:$0x3FAF]  }
0x39: {  	_ = 	snop;
	(pc) =	sbr.ind lr, $3  }
0x3a: {  	_ = 	snop  }
0x3b: {  	_ = 	snop  }
0x3c: {  	p2 =	seq.s32 s10, $0x1;
	s10 =	sld [smem:$0x3FAE]  }
0x3d: {  	_ =	shalt  }
0x3e: {  	_ =	shalt  }
0x3f: {  	_ =	shalt  }
0x40: {  	_ =	shalt  }
0x41: {  	_ =	shalt  }
0x42: {  	_ =	shalt  }
0x43: {  	_ =	shalt  }
0x44: {  	_ =	shalt  }
0x45: {  	_ =	shalt  }
0x46: {  	_ =	shalt  }
0x47: {  	_ =	shalt  }
0x48: {  	_ =	shalt  }
0x49: {  	_ =	shalt  }
0x4a: {  	_ =	shalt  }
0x4b: {  	_ =	shalt  }
0x4c: {  	_ =	shalt  }
0x4d: {  	_ =	shalt  }
0x4e: {  	_ =	shalt  }
0x4f: {  	_ =	shalt  }
0x50: {  	_ =	shalt  }
0x51: {  	_ =	shalt  }
0x52: {  	_ =	shalt  }
0x53: {  	_ =	shalt  }
0x54: {  	_ =	shalt  }
0x55: {  	_ =	shalt  }
0x56: {  	_ =	shalt  }
0x57: {  	_ =	shalt  }
0x58: {  	_ =	shalt  }
0x59: {  	_ =	shalt  }
0x5a: {  	_ =	shalt  }
0x5b: {  	_ =	shalt  }
0x5c: {  	_ =	shalt  }
0x5d: {  	_ =	shalt  }
0x5e: {  	_ =	shalt  }
0x5f: {  	_ =	shalt  }
0x60: {  	_ =	shalt  }
0x61: {  	_ =	shalt  }
0x62: {  	_ =	shalt  }
0x63: {  	_ =	shalt  }
0x64: {  	_ =	shalt  }
0x65: {  	_ =	shalt  }
0x66: {  	_ =	shalt  }
0x67: {  	_ =	shalt  }
0x68: {  	_ =	shalt  }
0x69: {  	_ =	shalt  }
0x6a: {  	_ =	shalt  }
0x6b: {  	_ =	shalt  }
0x6c: {  	_ =	shalt  }
0x6d: {  	_ =	shalt  }
0x6e: {  	_ =	shalt  }
0x6f: {  	_ =	shalt  }
0x70: {  	_ =	shalt  }
0x71: {  	_ =	shalt  }
0x72: {  	_ =	shalt  }
0x73: {  	_ =	shalt  }
0x74: {  	_ =	shalt  }
0x75: {  	_ =	shalt  }
0x76: {  	_ =	shalt  }
0x77: {  	_ =	shalt  }
0x78: {  	_ =	shalt  }
0x79: {  	_ =	shalt  }
0x7a: {  	_ =	shalt  }
0x7b: {  	_ =	shalt  }
0x7c: {  	_ =	shalt  }
0x7d: {  	_ =	shalt  }
0x7e: {  	_ =	shalt  }
0x7f: {  	_ =	shalt  }
0x80: {  	_ =	shalt  }
0x81: {  	_ =	shalt  }
0x82: {  	_ =	shalt  }
0x83: {  	_ =	shalt  }
0x84: {  	_ =	shalt  }
0x85: {  	_ =	shalt  }
0x86: {  	_ =	shalt  }
0x87: {  	_ =	shalt  }
.Lfunc_end0:
.L_simem_size_0:
called_computation.3_lowered:
.L_overlay_start_0:
0x88: {  	s2 =	sld [smem:$0x3FD9]  }
0x89: {  	s3 =	sld [smem:$0x3FFE];
	_ =	sdelay $0x1  }
0x8a: {  	s1 =	srdreg.scid  }
0x8b: {  	s0 =	sand.u32 $0x1, s1  }
0x8c: {  	s16 =	sshll.u32 s0, $0xA;
	s2 =	sadd.s32 s3, s2  }
0x8d: {  	s2 =	sadd.s32 s2, s16  }
0x8e: {  	[smem:$0x3FBA] =	sst s2  }
0x8f: {  	_ = 	snop  }
0x90: {  	(tm) =	ssettm $0x1  }
0x91: {  	s17 =	sld [smem:$0x3FFB];
	_ =	sdelay $0x3  }
0x92: {  	_ =	strace s17  }
0x93: {  	s2 =	sld [smem:$0x3FFC];
	_ =	sdelay $0x3  }
0x94: {  	_ =	strace s2  }
0x95: {  	s2 =	sld [smem:$0x3FFD];
	_ =	sdelay $0x3  }
0x96: {  	_ =	strace s2  }
0x97: {  	_ =	strace $0x8FFFFFFF  }
0x98: {  	s18 =	sld [smem:$0x3FDB];
	_ =	sdelay $0x1  }
0x99: {  	s19 =	simm.s32 $_scs_section_size  }
0x9a: {  	s4 =	simm.s32 $_size__tile_overlayer_lowered;
	s5 =	simm.s32 $_tile_overlayer_lowered  }
0x9b: {  	s22 =	simm.s32 $0x1BFF;
	s21 =	sshll.u32 s5, $0x1;
	s2 =	sadd.s32 s19, s18  }
0x9c: {  	s6 =	simm.s32 $0x0;
	s20 =	sshll.u32 s4, $0x1;
	s4 =	sadd.s32 s21, s2  }
0x9d: {  	[timem:s6], [sflag:s22] =	dma.local [hbm:s4], s20  }
0x9e: {  	_ =	swait.ge [sflag:s22], s20  }
0x9f: {  	s3 =	ssub.s32 $0x0, s20;
	[sflag:s22] =	ssyncset.done $0x0  }
0xa0: {  	[sflag:s22] =	ssyncadd.s32 s3;
	_ =	sdelay $0x1  }
0xa1: {  	s23 =	simm.s32 $0x1B8B  }
0xa2: {  	_ =	swait.ge [sflag:s23], $0x1  }
0xa3: {  	[sflag:s23] =	ssyncset.done $0x0  }
0xa4: {  	s25 =	simm.s32 $0x1B8E;
	s24 =	sld [smem:$0x3FFE];
	[sflag:s23] =	ssyncadd.s32 $0xFFFFFFFF  }
0xa5: {  	s26 =	simm.s32 $execute0_lowered;
	[smem:$0x3FD2] =	sst s25  }
0xa6: {  	s4 =	sshll.u32 s26, $0x1;
	_ =	strace $0x80000049;
	[dreg:$0x1] =	wrdreg $0xFFFFFFFF  }
0xa7: {  	s28 =	simm.s32 $_size_execute0_lowered;
	s2 =	sadd.s32 s2, s4;
	[dreg:$0x0] =	wrdreg $0x0  }
0xa8: {  	s4 =	sshll.u32 s28, $0x1;
	[dreg:$0x2] =	wrdreg s2  }
0xa9: {  	[dreg:$0x3] =	wrdreg s4  }
0xaa: {  	[dreg:$0x4] =	wrdreg $0xC0  }
0xab: {  	_ =	task [dreg:s6], $0x5FFFF  }
0xac: {  	[dreg:$0x1] =	wrdreg $0xFFFFFFFF  }
0xad: {  	[dreg:$0x0] =	wrdreg $0x60  }
0xae: {  	[dreg:$0x2] =	wrdreg s24  }
0xaf: {  	[dreg:$0x3] =	wrdreg $0x41000  }
0xb0: {  	[dreg:$0x4] =	wrdreg $0x9  }
0xb1: {  	_ =	task.clear_ibuf [dreg:s6], $0x5FFFF;
	_ =	strace $0x90000049  }
0xb2: {  	s29 =	simm.s32 $0x9;
	_ =	strace $0x8000004B  }
0xb3: {  	_ =	swait.ge [sflag:s29], $0x1  }
0xb4: {  	[sflag:s29] =	ssyncadd.s32 $0xFFFFFFFF  }
0xb5: {  	_ =	strace $0x9000004B  }
0xb6: {  	_ =	sfence  }
0xb7: {  	s30 =	sld [smem:$0x0];
	_ =	sdelay $0x2  }
0xb8: {  	s31 =	sshll.u32 s1, $0xD;
	s1 =	sshrl.u32 s1, $0x2  }
0xb9: {  	s3 =	sand.u32 $0x4000, s31;
	s1 =	sadd.s32 s1, s30  }
0xba: {  	s0 =	sor.u32 s3, s0;
	s1 =	sshll.u32 s1, $0x11  }
0xbb: {  	s0 =	sor.u32 s1, s0  }
0xbc: {  	s0 =	sadd.s32 $0x8F2B, s0  }
0xbd: {  	[sflag:s0] =	ssyncadd.remote.s32 $0x1  }
0xbe: {  	_ =	sfence.sel $0xFFFF  }
0xbf: {  	[dreg:$0x0] =	wrdreg $0xFFFFFFFF;
	(pc) =	sbr.abs _section_cstart, $3  }
0xc0: {  	[dreg:$0x1] =	wrdreg $0xFFFFFFFF  }
0xc1: {  	_ =	task.clear_ibuf [dreg:s6], $0x2FFFF;
	_ =	strace $0x9FFFFFFF  }
0xc2: {  	(tm) =	ssettm $0x7FFFFFFF  }
0xc3: {  	_ =	shalt  }
tec
execute0_lowered:
.L_overlay_start_1:
0x0: {  	(tag) =	ssettag $0x1  }
0x1: {  	s8 =	rddreg [dreg:$0x0]  }
0x2: {  	s1 =	rddreg [dreg:$0x1]  }
0x3: {  	s0 =	rddreg [dreg:$0x2]  }
0x4: {  	s2 =	simm.s32 $0x0;
	s3 =	srdreg.scid;
	s13 =	simm.s32 $0x80  }
0x5: {  	s14 =	simm.s32 $0x100;
	s15 =	simm.s32 $0x1;
	[smem:$0x7FF] =	sst s2  }
0x6: {  	s4 =	sadd.s32 $0x52200, s8;
	s9 =	sand.u32 $0x1, s3;
	s5 =	sadd.s32 $0x47800, s8  }
0x7: {  	s3 =	stileid.u32;
	s6 =	sadd.s32 $0x4D200, s8;
	s7 =	sadd.s32 $0x3E400, s8  }
0x8: {  	_ =	strace $0x8000004A;
	s10 =	smul.u32 $0x28000, s9;
	s11 =	ssub.s32 $0x2, s9  }
0x9: {  	s12 =	smul.u32 $0x50000, s3;
	s30 =	sshll.u32 s3, $0x1;
	s31 =	sshll.u32 s3, $0x6  }
0xa: {  	s17 =	smul.u32 $0x2800, s3;
	s29 =	sshrl.u32 s11, $0x1;
	s9 =	sor.u32 s9, s30  }
0xb: {  	s10 =	sadd.s32 s10, s8;
	s11 =	ssub.s32 s11, s29;
	s12 =	sshrl.u32 s12, $0x2  }
0xc: {  	s8 =	sor.u32 $0x1C02, s31;
	s9 =	smul.u32 $0x1400, s9;
	s12 =	sadd.s32 s12, s1  }
0xd: {  	s16 =	sadd.s32 $0x7A200, s10;
	s10 =	smax.u32 s11, $0x1;
	s11 =	sshrl.u32 s12, $0x3  }
0xe: {  	s12 =	simm.s32 $0x2;
	s16 =	sadd.s32 s17, s16;
	s17 =	simm.s32 $0x0  }
.LBB2_1:
0xf: {  	[spmem:s11], [sflag:s8] =	dma.local [hbm:s7], $0x2800  }
0x10: {  	s18 =	sand.u32 $0x1C00, s2  }
0x11: {  	s19 =	sand.u32 $0x380, s2;
	_ =	swait.ge [sflag:s12], $0x2800;
	s18 =	sadd.s32 s9, s18  }
0x12: {  	[sflag:s12] =	ssyncset.done $0x0;
	s18 =	sor.u32 s19, s18  }
0x13: {  	[sflag:s12] =	ssyncadd.s32 $0xFFFFD800;
	s18 =	sshrl.u32 s18, $0x3  }
0x14: {  	[bflag:$0x0] =	sbarrier.arrive $0xFFFF;
	s29 =	sadd.s32 s5, s18  }
0x15: {  	[tilespmem:s2], [sflag:$0x2] =	stream.linear.gather [hbm4b:s29+s2], $0x80, $0x38;
	[tilespmem:$0x18100] =	vst v63  }
0x16: {  	_ =	swait.ge [sflag:s12], $0x80  }
0x17: {  	[sflag:s12] =	ssyncset.done $0x0  }
0x18: {  	[sflag:s12] =	ssyncadd.s32 $0xFFFFFF80  }
0x19: {  	[tilespmem:s14], [sflag:$0x1] =	stream.indirect.gather [hbm4b:s4+s13], $0x80, s2, s13, $0xb8;
	[tilespmem:$0x18100] =	vst v63  }
0x1a: {  	_ =	swait.ge [sflag:s15], $0x4000  }
0x1b: {  	[sflag:s15] =	ssyncset.done $0x0  }
0x1c: {  	s18 =	sadd.s32 s6, s18;
	[sflag:s15] =	ssyncadd.s32 $0xFFFFC000  }
0x1d: {  	[tilespmem:s13], [sflag:$0x2] =	stream.linear.gather [hbm4b:s18+s2], $0x80, $0x38;
	[tilespmem:$0x18100] =	vst v63  }
0x1e: {  	_ =	swait.ge [sflag:s12], $0x80  }
0x1f: {  	s30 =	simm.s32 $0x80;
	[sflag:s12] =	ssyncset.done $0x0  }
0x20: {  	s31 =	sand.u32 $0x1C00, s30;
	[sflag:s12] =	ssyncadd.s32 $0xFFFFFF80  }
0x21: {  	[spmem:s1] =	stream.indirect.scatter.add.f32 [tilespmem:s14], [sflag:$0x2], $0x80, s13, s13, $0xb8;
	[tilespmem:$0x18100] =	vst v63  }
0x22: {  	s20 =	sand.u32 $0x380, s30;
	s19 =	sadd.s32 s9, s31;
	_ =	swait.ge [sflag:s12], $0x4000  }
0x23: {  	s19 =	sor.u32 s20, s19;
	s18 =	simm.s32 $0x100;
	[sflag:s12] =	ssyncset.done $0x0  }
.LBB2_2:
0x24: {  	s19 =	sshrl.u32 s19, $0x3  }
0x25: {  	[sflag:s12] =	ssyncadd.s32 $0xFFFFC000;
	s20 =	smov.u32 s18;
	s21 =	sadd.s32 $0x80, s18  }
0x26: {  	p0 =	sne.s32 s18, $0x1380;
	s18 =	sadd.s32 s5, s19  }
0x27: {  	[tilespmem:s2], [sflag:$0x2] =	stream.linear.gather [hbm4b:s18+s2], $0x80, $0x38;
	[tilespmem:$0x18100] =	vst v63  }
0x28: {  	_ =	swait.ge [sflag:s12], $0x80  }
0x29: {  	[sflag:s12] =	ssyncset.done $0x0  }
0x2a: {  	[sflag:s12] =	ssyncadd.s32 $0xFFFFFF80  }
0x2b: {  	[tilespmem:s14], [sflag:$0x1] =	stream.indirect.gather [hbm4b:s4+s13], $0x80, s2, s13, $0xb8;
	[tilespmem:$0x18100] =	vst v63  }
0x2c: {  	_ =	swait.ge [sflag:s15], $0x4000  }
0x2d: {  	[sflag:s15] =	ssyncset.done $0x0  }
0x2e: {  	s18 =	sadd.s32 s6, s19;
	[sflag:s15] =	ssyncadd.s32 $0xFFFFC000  }
0x2f: {  	[tilespmem:s13], [sflag:$0x2] =	stream.linear.gather [hbm4b:s18+s2], $0x80, $0x38;
	[tilespmem:$0x18100] =	vst v63  }
0x30: {  	_ =	swait.ge [sflag:s12], $0x80  }
.Ltmp0:
0x31: {  	[sflag:s12] =	ssyncset.done $0x0;
	(pc) =	sbr.rel @p0 .LBB2_2-.Ltmp0, $4  }
0x32: {  	s18 =	sand.u32 $0x1C00, s20;
	[sflag:s12] =	ssyncadd.s32 $0xFFFFFF80  }
0x33: {  	[spmem:s1] =	stream.indirect.scatter.add.f32 [tilespmem:s14], [sflag:$0x2], $0x80, s13, s13, $0xb8;
	[tilespmem:$0x18100] =	vst v63  }
0x34: {  	s19 =	sand.u32 $0x380, s20;
	s18 =	sadd.s32 s9, s18;
	_ =	swait.ge [sflag:s12], $0x4000  }
0x35: {  	s19 =	sor.u32 s19, s18;
	s18 =	smov.u32 s21;
	[sflag:s12] =	ssyncset.done $0x0  }
0x36: {  	s18 =	sshrl.u32 s19, $0x3  }
0x37: {  	[sflag:s12] =	ssyncadd.s32 $0xFFFFC000;
	s19 =	sadd.s32 s5, s18  }
0x38: {  	[tilespmem:s2], [sflag:$0x2] =	stream.linear.gather [hbm4b:s19+s2], $0x80, $0x38;
	[tilespmem:$0x18100] =	vst v63  }
0x39: {  	_ =	swait.ge [sflag:s12], $0x80  }
0x3a: {  	[sflag:s12] =	ssyncset.done $0x0  }
0x3b: {  	[sflag:s12] =	ssyncadd.s32 $0xFFFFFF80  }
0x3c: {  	[tilespmem:s14], [sflag:$0x1] =	stream.indirect.gather [hbm4b:s4+s13], $0x80, s2, s13, $0xb8;
	[tilespmem:$0x18100] =	vst v63  }
0x3d: {  	_ =	swait.ge [sflag:s15], $0x4000  }
0x3e: {  	[sflag:s15] =	ssyncset.done $0x0  }
0x3f: {  	s18 =	sadd.s32 s6, s18;
	[sflag:s15] =	ssyncadd.s32 $0xFFFFC000  }
0x40: {  	[tilespmem:s13], [sflag:$0x2] =	stream.linear.gather [hbm4b:s18+s2], $0x80, $0x38;
	[tilespmem:$0x18100] =	vst v63  }
0x41: {  	_ =	swait.ge [sflag:s12], $0x80  }
0x42: {  	[sflag:s12] =	ssyncset.done $0x0  }
0x43: {  	[sflag:s12] =	ssyncadd.s32 $0xFFFFFF80  }
0x44: {  	[spmem:s1] =	stream.indirect.scatter.add.f32 [tilespmem:s14], [sflag:$0x2], $0x80, s13, s13, $0xb8;
	[tilespmem:$0x18100] =	vst v63  }
0x45: {  	_ =	swait.ge [sflag:s12], $0x4000  }
0x46: {  	s17 =	sadd.s32 $0x1, s17;
	[sflag:s12] =	ssyncset.done $0x0  }
0x47: {  	p0 =	sne.s32 s17, s10;
	[sflag:s12] =	ssyncadd.s32 $0xFFFFC000  }
.Ltmp1:
0x48: {  	[bflag:$0x0] =	sbarrier.arrive $0xFFFF;
	(pc) =	sbr.rel @p0 .LBB2_1-.Ltmp1, $4  }
0x49: {  	[hbm:s16], [sflag:s8] =	dma.local [spmem:s11], $0x2800  }
0x4a: {  	_ =	swait.ge [sflag:s12], $0x2800  }
0x4b: {  	[sflag:s12] =	ssyncset.done $0x0  }
0x4c: {  	[sflag:s12] =	ssyncadd.s32 $0xFFFFD800  }
0x4d: {  	_ =	sfence.sel $0x180000  }
0x4e: {  	[bflag:$0x0] =	sbarrier.arrive $0xFFFF  }
0x4f: {  	p0 =	sne.s32 s3, $0x0;
	_ =	strace $0x9000004A  }
0x50: {  	s0 =	sadd.s32 @!p0 $0x100000, s0;
	[bflag:$0x2] =	sbarrier.arrive $0xFFFF  }
0x51: {  	[sflag:s0] =	ssyncadd.tile.s32 @!p0 $0x1;
	_ =	shalt  }
.Lfunc_end2:
_tile_overlayer_lowered:
.L_overlay_start_2:
0x52: {  	(tag) =	ssettag $0x2  }
0x53: {  	s0 =	rddreg [dreg:$0x0];
	s2 =	stileid.u32  }
0x54: {  	s1 =	rddreg [dreg:$0x1];
	p0 =	sne.s32 s2, $0x0  }
0x55: {  	s3 =	rddreg [dreg:$0x2];
	[bflag:$0x3] =	sbarrier.arrive $0xFFFF;
	s2 =	simm.s32 @!p0 $0x1C02  }
0x56: {  	[timem:s3], [sflag:s2] =	dma.local @!p0 [hbm:s0], s1  }
0x57: {  	s0 =	simm.s32 @!p0 $0x2  }
0x58: {  	_ =	swait.ge @!p0 [sflag:s0], s1  }
0x59: {  	s1 =	ssub.s32 @!p0 $0x0, s1;
	[sflag:s0] =	ssyncset.done @!p0 $0x0  }
0x5a: {  	[sflag:s0] =	ssyncadd.s32 @!p0 s1  }
0x5b: {  	[bflag:$0x3] =	sbarrier.arrive $0xFFFF  }
0x5c: {  	_ =	shalt  }

// kernel: kernel.34.cloned.1.call-start
scs
__scs_entry_jumppad:
0x0: {  	(pc) =	sbr.rel $0x88, $3  }
0x1: {  	(tag) =	ssettag $0x0;
	lr =	simm.s32 $0x1  }
0x2: {  	[smem:$0x3F93] =	sst lr;
	_ =	strace $0xD0000000  }
0x3: {  	_ = 	snop  }
0x4: {  	_ = 	snop  }
0x5: {  	_ = 	snop  }
0x6: {  	_ = 	snop  }
0x7: {  	_ = 	snop  }
__scs_overlays_trampoline_lowered:
0x8: {  	[smem:$0x3FA2] =	sst s0  }
0x9: {  	[smem:$0x3FA3] =	sst s1  }
0xa: {  	[smem:$0x3FA4] =	sst s2  }
0xb: {  	[smem:$0x3FA5] =	sst s3  }
0xc: {  	[smem:$0x3FA6] =	sst s4  }
0xd: {  	[smem:$0x3FA7] =	sst s5  }
0xe: {  	[smem:$0x3FA8] =	sst s6  }
0xf: {  	[smem:$0x3FA9] =	sst s7  }
0x10: {  	[smem:$0x3FAA] =	sst s8  }
0x11: {  	[smem:$0x3FAB] =	sst s9;
	s0 =	simm.s32 @!p0 $0x0  }
0x12: {  	s1 =	sld [smem:$0x3F91];
	s0 =	simm.s32 @p0 $0x1  }
0x13: {  	[smem:$0x3FAC] =	sst s0;
	s0 =	simm.s32 @!p1 $0x0  }
0x14: {  	s2 =	sld [smem:$0x3F90];
	s0 =	simm.s32 @p1 $0x1  }
0x15: {  	[smem:$0x3FAD] =	sst s0;
	s0 =	simm.s32 @!p2 $0x0  }
0x16: {  	s3 =	sld [smem:$0x3FDB];
	s0 =	simm.s32 @p2 $0x1  }
0x17: {  	s4 =	simm.s32 $0x1BF5;
	[smem:$0x3FAF] =	sst s0  }
0x18: {  	s0 =	sld [smem:$0x3F92];
	_ =	swait.ge [sflag:s4], $0x0  }
0x19: {  	s7 =	sld [smem:$0x3F93]  }
0x1a: {  	s8 =	sadd.s32 $0xFFFFE003, lr  }
0x1b: {  	s9 =	sadd.s32 $0xFFFFFEF7, lr;
	s5 =	simm.s32 $0xFFFFFFFF;
	p2 =	slt.u32 s8, $0xFFFFF086  }
0x1c: {  	p1 =	slt.u32 s9, $0xF7A;
	s5 =	simm.s32 @!p2 $0x0  }
0x1d: {  	s5 =	simm.s32 @p1 $0x1;
	p0 =	seq.s32 s7, s2  }
0x1e: {  	s7 =	smul.u32 @!p0 $0xF7A, s2;
	p2 =	seq.s32 @!p0 s5, $0x0  }
0x1f: {  	s9 =	smul.u32 $0xF7A, s1;
	s8 =	simm.s32 @!p0 $0x1BF5;
	p2 =	por !p2, p0  }
0x20: {  	[sflag:s8] =	ssyncset.s32 @!p0 $0xFFFFF086;
	s6 =	sadd.s32 @!p0 s3, s7;
	s7 =	simm.s32 @!p0 $0x108  }
0x21: {  	s3 =	sadd.s32 s3, s9;
	s6 =	sadd.s32 @!p0 $0x88, s6;
	s7 =	simm.s32 @p2 $0x1082  }
0x22: {  	[simem:s7], [sflag:s8] =	dma.local @!p0 [hbm:s6], $0xF7A  }
0x23: {  	s9 =	sor.u32 $0xD0000000, s2;
	s6 =	simm.s32 $0x108;
	_ =	swait.ge @!p0 [sflag:s8], $0x0  }
0x24: {  	s3 =	sadd.s32 $0x88, s3;
	s6 =	simm.s32 @!p1 $0x1082;
	[sflag:s4] =	ssyncset.s32 $0xFFFFF086  }
0x25: {  	[simem:s6], [sflag:s4] =	dma.local [hbm:s3], $0xF7A  }
0x26: {  	[smem:$0x3F93] =	sst s1;
	(tag) =	ssettag s2;
	_ =	strace s9  }
0x27: {  	s1 =	sld [smem:$0x3FA3]  }
0x28: {  	s2 =	sld [smem:$0x3FA4]  }
0x29: {  	s4 =	sld [smem:$0x3FA6]  }
0x2a: {  	p0 =	seq.s32 s5, $0x0;
	s5 =	sld [smem:$0x3FA7]  }
0x2b: {  	s6 =	sld [smem:$0x3FA8]  }
0x2c: {  	s7 =	sld [smem:$0x3FA9]  }
0x2d: {  	s3 =	simm.s32 $0x108;
	s8 =	sld [smem:$0x3FAA]  }
0x2e: {  	s3 =	simm.s32 @!p0 $0x1082;
	s9 =	sld [smem:$0x3FAB]  }
0x2f: {  	lr =	sadd.s32 s0, s3;
	s0 =	sld [smem:$0x3FA2]  }
0x30: {  	s3 =	sld [smem:$0x3FA5]  }
0x31: {  	[smem:$0x3FAE] =	sst s10  }
0x32: {  	s10 =	sld [smem:$0x3FAC];
	_ =	sdelay $0x3  }
0x33: {  	p0 =	seq.s32 s10, $0x1;
	s10 =	sld [smem:$0x3FAE];
	_ =	sdelay $0x3  }
0x34: {  	[smem:$0x3FAE] =	sst s10  }
0x35: {  	s10 =	sld [smem:$0x3FAD];
	_ =	sdelay $0x3  }
0x36: {  	p1 =	seq.s32 s10, $0x1;
	s10 =	sld [smem:$0x3FAE];
	_ =	sdelay $0x3  }
0x37: {  	[smem:$0x3FAE] =	sst s10  }
0x38: {  	s10 =	sld [smem:$0x3FAF]  }
0x39: {  	_ = 	snop;
	(pc) =	sbr.ind lr, $3  }
0x3a: {  	_ = 	snop  }
0x3b: {  	_ = 	snop  }
0x3c: {  	p2 =	seq.s32 s10, $0x1;
	s10 =	sld [smem:$0x3FAE]  }
0x3d: {  	_ =	shalt  }
0x3e: {  	_ =	shalt  }
0x3f: {  	_ =	shalt  }
0x40: {  	_ =	shalt  }
0x41: {  	_ =	shalt  }
0x42: {  	_ =	shalt  }
0x43: {  	_ =	shalt  }
0x44: {  	_ =	shalt  }
0x45: {  	_ =	shalt  }
0x46: {  	_ =	shalt  }
0x47: {  	_ =	shalt  }
0x48: {  	_ =	shalt  }
0x49: {  	_ =	shalt  }
0x4a: {  	_ =	shalt  }
0x4b: {  	_ =	shalt  }
0x4c: {  	_ =	shalt  }
0x4d: {  	_ =	shalt  }
0x4e: {  	_ =	shalt  }
0x4f: {  	_ =	shalt  }
0x50: {  	_ =	shalt  }
0x51: {  	_ =	shalt  }
0x52: {  	_ =	shalt  }
0x53: {  	_ =	shalt  }
0x54: {  	_ =	shalt  }
0x55: {  	_ =	shalt  }
0x56: {  	_ =	shalt  }
0x57: {  	_ =	shalt  }
0x58: {  	_ =	shalt  }
0x59: {  	_ =	shalt  }
0x5a: {  	_ =	shalt  }
0x5b: {  	_ =	shalt  }
0x5c: {  	_ =	shalt  }
0x5d: {  	_ =	shalt  }
0x5e: {  	_ =	shalt  }
0x5f: {  	_ =	shalt  }
0x60: {  	_ =	shalt  }
0x61: {  	_ =	shalt  }
0x62: {  	_ =	shalt  }
0x63: {  	_ =	shalt  }
0x64: {  	_ =	shalt  }
0x65: {  	_ =	shalt  }
0x66: {  	_ =	shalt  }
0x67: {  	_ =	shalt  }
0x68: {  	_ =	shalt  }
0x69: {  	_ =	shalt  }
0x6a: {  	_ =	shalt  }
0x6b: {  	_ =	shalt  }
0x6c: {  	_ =	shalt  }
0x6d: {  	_ =	shalt  }
0x6e: {  	_ =	shalt  }
0x6f: {  	_ =	shalt  }
0x70: {  	_ =	shalt  }
0x71: {  	_ =	shalt  }
0x72: {  	_ =	shalt  }
0x73: {  	_ =	shalt  }
0x74: {  	_ =	shalt  }
0x75: {  	_ =	shalt  }
0x76: {  	_ =	shalt  }
0x77: {  	_ =	shalt  }
0x78: {  	_ =	shalt  }
0x79: {  	_ =	shalt  }
0x7a: {  	_ =	shalt  }
0x7b: {  	_ =	shalt  }
0x7c: {  	_ =	shalt  }
0x7d: {  	_ =	shalt  }
0x7e: {  	_ =	shalt  }
0x7f: {  	_ =	shalt  }
0x80: {  	_ =	shalt  }
0x81: {  	_ =	shalt  }
0x82: {  	_ =	shalt  }
0x83: {  	_ =	shalt  }
0x84: {  	_ =	shalt  }
0x85: {  	_ =	shalt  }
0x86: {  	_ =	shalt  }
0x87: {  	_ =	shalt  }
.Lfunc_end0:
.L_simem_size_0:
called_computation.4_lowered:
.L_overlay_start_0:
0x88: {  	s2 =	sld [smem:$0x3FD9]  }
0x89: {  	s3 =	sld [smem:$0x3FFE];
	_ =	sdelay $0x1  }
0x8a: {  	s1 =	srdreg.scid  }
0x8b: {  	s0 =	sand.u32 $0x1, s1  }
0x8c: {  	s16 =	sshll.u32 s0, $0xA;
	s2 =	sadd.s32 s3, s2  }
0x8d: {  	s2 =	sadd.s32 s2, s16  }
0x8e: {  	[smem:$0x3FBA] =	sst s2  }
0x8f: {  	_ = 	snop  }
0x90: {  	(tm) =	ssettm $0x1  }
0x91: {  	s17 =	sld [smem:$0x3FFB];
	_ =	sdelay $0x3  }
0x92: {  	_ =	strace s17  }
0x93: {  	s2 =	sld [smem:$0x3FFC];
	_ =	sdelay $0x3  }
0x94: {  	_ =	strace s2  }
0x95: {  	s2 =	sld [smem:$0x3FFD];
	_ =	sdelay $0x3  }
0x96: {  	_ =	strace s2  }
0x97: {  	_ =	strace $0x8FFFFFFF  }
0x98: {  	s18 =	sld [smem:$0x3FDB];
	_ =	sdelay $0x1  }
0x99: {  	s19 =	simm.s32 $_scs_section_size  }
0x9a: {  	s4 =	simm.s32 $_size__tile_overlayer_lowered;
	s5 =	simm.s32 $_tile_overlayer_lowered  }
0x9b: {  	s22 =	simm.s32 $0x1BFF;
	s21 =	sshll.u32 s5, $0x1;
	s2 =	sadd.s32 s19, s18  }
0x9c: {  	s6 =	simm.s32 $0x0;
	s20 =	sshll.u32 s4, $0x1;
	s4 =	sadd.s32 s21, s2  }
0x9d: {  	[timem:s6], [sflag:s22] =	dma.local [hbm:s4], s20  }
0x9e: {  	_ =	swait.ge [sflag:s22], s20  }
0x9f: {  	s3 =	ssub.s32 $0x0, s20;
	[sflag:s22] =	ssyncset.done $0x0  }
0xa0: {  	[sflag:s22] =	ssyncadd.s32 s3;
	_ =	sdelay $0x1  }
0xa1: {  	s23 =	simm.s32 $0x1B8B  }
0xa2: {  	_ =	swait.ge [sflag:s23], $0x1  }
0xa3: {  	[sflag:s23] =	ssyncset.done $0x0  }
0xa4: {  	s25 =	simm.s32 $0x1B8E;
	s24 =	sld [smem:$0x3FFE];
	[sflag:s23] =	ssyncadd.s32 $0xFFFFFFFF  }
0xa5: {  	s26 =	simm.s32 $execute0_lowered;
	[smem:$0x3FD2] =	sst s25  }
0xa6: {  	s4 =	sshll.u32 s26, $0x1;
	_ =	strace $0x80000052;
	[dreg:$0x1] =	wrdreg $0xFFFFFFFF  }
0xa7: {  	s28 =	simm.s32 $_size_execute0_lowered;
	s2 =	sadd.s32 s2, s4;
	[dreg:$0x0] =	wrdreg $0x0  }
0xa8: {  	s4 =	sshll.u32 s28, $0x1;
	[dreg:$0x2] =	wrdreg s2  }
0xa9: {  	[dreg:$0x3] =	wrdreg s4  }
0xaa: {  	[dreg:$0x4] =	wrdreg $0xC0  }
0xab: {  	_ =	task [dreg:s6], $0x5FFFF  }
0xac: {  	[dreg:$0x1] =	wrdreg $0xFFFFFFFF  }
0xad: {  	[dreg:$0x0] =	wrdreg $0x60  }
0xae: {  	[dreg:$0x2] =	wrdreg s24  }
0xaf: {  	[dreg:$0x3] =	wrdreg $0x41000  }
0xb0: {  	[dreg:$0x4] =	wrdreg $0x9  }
0xb1: {  	_ =	task.clear_ibuf [dreg:s6], $0x5FFFF;
	_ =	strace $0x90000052  }
0xb2: {  	s29 =	simm.s32 $0x9;
	_ =	strace $0x80000054  }
0xb3: {  	_ =	swait.ge [sflag:s29], $0x1  }
0xb4: {  	[sflag:s29] =	ssyncadd.s32 $0xFFFFFFFF  }
0xb5: {  	_ =	strace $0x90000054  }
0xb6: {  	_ =	sfence  }
0xb7: {  	s30 =	sld [smem:$0x0];
	_ =	sdelay $0x2  }
0xb8: {  	s31 =	sshll.u32 s1, $0xD;
	s1 =	sshrl.u32 s1, $0x2  }
0xb9: {  	s3 =	sand.u32 $0x4000, s31;
	s1 =	sadd.s32 s1, s30  }
0xba: {  	s0 =	sor.u32 s3, s0;
	s1 =	sshll.u32 s1, $0x11  }
0xbb: {  	s0 =	sor.u32 s1, s0  }
0xbc: {  	s0 =	sadd.s32 $0x8F2B, s0  }
0xbd: {  	[sflag:s0] =	ssyncadd.remote.s32 $0x1  }
0xbe: {  	_ =	sfence.sel $0xFFFF  }
0xbf: {  	[dreg:$0x0] =	wrdreg $0xFFFFFFFF;
	(pc) =	sbr.abs _section_cstart, $3  }
0xc0: {  	[dreg:$0x1] =	wrdreg $0xFFFFFFFF  }
0xc1: {  	_ =	task.clear_ibuf [dreg:s6], $0x2FFFF;
	_ =	strace $0x9FFFFFFF  }
0xc2: {  	(tm) =	ssettm $0x7FFFFFFF  }
0xc3: {  	_ =	shalt  }
tec
execute0_lowered:
.L_overlay_start_1:
0x0: {  	(tag) =	ssettag $0x1  }
0x1: {  	s1 =	rddreg [dreg:$0x0]  }
0x2: {  	s2 =	rddreg [dreg:$0x1]  }
0x3: {  	s0 =	rddreg [dreg:$0x2];
	s3 =	simm.s32 $0x0;
	s4 =	srdreg.scid  }
0x4: {  	s13 =	simm.s32 $0x80;
	s14 =	simm.s32 $0x100;
	s15 =	simm.s32 $0x1  }
0x5: {  	[smem:$0x7FF] =	sst s3;
	s8 =	sand.u32 $0x1, s4;
	s5 =	sadd.s32 $0x47800, s1  }
0x6: {  	s4 =	stileid.u32;
	s6 =	sadd.s32 $0x4D200, s1;
	s7 =	sadd.s32 $0x3E400, s1  }
0x7: {  	_ =	strace $0x80000053;
	s9 =	smul.u32 $0x28000, s8;
	s10 =	ssub.s32 $0x2, s8  }
0x8: {  	s11 =	smul.u32 $0x50000, s4;
	s30 =	sshll.u32 s4, $0x1;
	s31 =	sshll.u32 s4, $0x6  }
0x9: {  	s17 =	smul.u32 $0x2800, s4;
	s29 =	sshrl.u32 s10, $0x1;
	s12 =	sadd.s32 s9, s1  }
0xa: {  	s10 =	ssub.s32 s10, s29;
	s11 =	sshrl.u32 s11, $0x2;
	s9 =	sor.u32 s8, s30  }
0xb: {  	s8 =	sor.u32 $0x1C02, s31;
	s11 =	sadd.s32 s11, s2;
	s9 =	smul.u32 $0x1400, s9  }
0xc: {  	s16 =	sadd.s32 $0x52200, s12;
	s10 =	smax.u32 s10, $0x1;
	s12 =	simm.s32 $0x2  }
0xd: {  	s11 =	sshrl.u32 s11, $0x3;
	s16 =	sadd.s32 s17, s16;
	s17 =	simm.s32 $0x0  }
.LBB2_1:
0xe: {  	[spmem:s11], [sflag:s8] =	dma.local [hbm:s7], $0x2800  }
0xf: {  	s18 =	sand.u32 $0x1C00, s3  }
0x10: {  	s19 =	sand.u32 $0x380, s3;
	_ =	swait.ge [sflag:s12], $0x2800;
	s18 =	sadd.s32 s9, s18  }
0x11: {  	[sflag:s12] =	ssyncset.done $0x0;
	s18 =	sor.u32 s19, s18  }
0x12: {  	[sflag:s12] =	ssyncadd.s32 $0xFFFFD800;
	s18 =	sshrl.u32 s18, $0x3  }
0x13: {  	[bflag:$0x0] =	sbarrier.arrive $0xFFFF;
	s29 =	sadd.s32 s5, s18  }
0x14: {  	[tilespmem:s3], [sflag:$0x2] =	stream.linear.gather [hbm4b:s29+s3], $0x80, $0x38;
	[tilespmem:$0x18100] =	vst v63  }
0x15: {  	_ =	swait.ge [sflag:s12], $0x80  }
0x16: {  	[sflag:s12] =	ssyncset.done $0x0  }
0x17: {  	[sflag:s12] =	ssyncadd.s32 $0xFFFFFF80  }
0x18: {  	[tilespmem:s14], [sflag:$0x1] =	stream.indirect.gather [hbm4b:s1+s13], $0x80, s3, s13, $0xb8;
	[tilespmem:$0x18100] =	vst v63  }
0x19: {  	_ =	swait.ge [sflag:s15], $0x4000  }
0x1a: {  	[sflag:s15] =	ssyncset.done $0x0  }
0x1b: {  	s18 =	sadd.s32 s6, s18;
	[sflag:s15] =	ssyncadd.s32 $0xFFFFC000  }
0x1c: {  	[tilespmem:s13], [sflag:$0x2] =	stream.linear.gather [hbm4b:s18+s3], $0x80, $0x38;
	[tilespmem:$0x18100] =	vst v63  }
0x1d: {  	_ =	swait.ge [sflag:s12], $0x80  }
0x1e: {  	s30 =	simm.s32 $0x80;
	[sflag:s12] =	ssyncset.done $0x0  }
0x1f: {  	s31 =	sand.u32 $0x1C00, s30;
	[sflag:s12] =	ssyncadd.s32 $0xFFFFFF80  }
0x20: {  	[spmem:s2] =	stream.indirect.scatter.add.f32 [tilespmem:s14], [sflag:$0x2], $0x80, s13, s13, $0xb8;
	[tilespmem:$0x18100] =	vst v63  }
0x21: {  	s20 =	sand.u32 $0x380, s30;
	s19 =	sadd.s32 s9, s31;
	_ =	swait.ge [sflag:s12], $0x4000  }
0x22: {  	s19 =	sor.u32 s20, s19;
	s18 =	simm.s32 $0x100;
	[sflag:s12] =	ssyncset.done $0x0  }
.LBB2_2:
0x23: {  	s19 =	sshrl.u32 s19, $0x3  }
0x24: {  	[sflag:s12] =	ssyncadd.s32 $0xFFFFC000;
	s20 =	smov.u32 s18;
	s21 =	sadd.s32 $0x80, s18  }
0x25: {  	p0 =	sne.s32 s18, $0x1380;
	s18 =	sadd.s32 s5, s19  }
0x26: {  	[tilespmem:s3], [sflag:$0x2] =	stream.linear.gather [hbm4b:s18+s3], $0x80, $0x38;
	[tilespmem:$0x18100] =	vst v63  }
0x27: {  	_ =	swait.ge [sflag:s12], $0x80  }
0x28: {  	[sflag:s12] =	ssyncset.done $0x0  }
0x29: {  	[sflag:s12] =	ssyncadd.s32 $0xFFFFFF80  }
0x2a: {  	[tilespmem:s14], [sflag:$0x1] =	stream.indirect.gather [hbm4b:s1+s13], $0x80, s3, s13, $0xb8;
	[tilespmem:$0x18100] =	vst v63  }
0x2b: {  	_ =	swait.ge [sflag:s15], $0x4000  }
0x2c: {  	[sflag:s15] =	ssyncset.done $0x0  }
0x2d: {  	s18 =	sadd.s32 s6, s19;
	[sflag:s15] =	ssyncadd.s32 $0xFFFFC000  }
0x2e: {  	[tilespmem:s13], [sflag:$0x2] =	stream.linear.gather [hbm4b:s18+s3], $0x80, $0x38;
	[tilespmem:$0x18100] =	vst v63  }
0x2f: {  	_ =	swait.ge [sflag:s12], $0x80  }
.Ltmp0:
0x30: {  	[sflag:s12] =	ssyncset.done $0x0;
	(pc) =	sbr.rel @p0 .LBB2_2-.Ltmp0, $4  }
0x31: {  	s18 =	sand.u32 $0x1C00, s20;
	[sflag:s12] =	ssyncadd.s32 $0xFFFFFF80  }
0x32: {  	[spmem:s2] =	stream.indirect.scatter.add.f32 [tilespmem:s14], [sflag:$0x2], $0x80, s13, s13, $0xb8;
	[tilespmem:$0x18100] =	vst v63  }
0x33: {  	s19 =	sand.u32 $0x380, s20;
	s18 =	sadd.s32 s9, s18;
	_ =	swait.ge [sflag:s12], $0x4000  }
0x34: {  	s19 =	sor.u32 s19, s18;
	s18 =	smov.u32 s21;
	[sflag:s12] =	ssyncset.done $0x0  }
0x35: {  	s18 =	sshrl.u32 s19, $0x3  }
0x36: {  	[sflag:s12] =	ssyncadd.s32 $0xFFFFC000;
	s19 =	sadd.s32 s5, s18  }
0x37: {  	[tilespmem:s3], [sflag:$0x2] =	stream.linear.gather [hbm4b:s19+s3], $0x80, $0x38;
	[tilespmem:$0x18100] =	vst v63  }
0x38: {  	_ =	swait.ge [sflag:s12], $0x80  }
0x39: {  	[sflag:s12] =	ssyncset.done $0x0  }
0x3a: {  	[sflag:s12] =	ssyncadd.s32 $0xFFFFFF80  }
0x3b: {  	[tilespmem:s14], [sflag:$0x1] =	stream.indirect.gather [hbm4b:s1+s13], $0x80, s3, s13, $0xb8;
	[tilespmem:$0x18100] =	vst v63  }
0x3c: {  	_ =	swait.ge [sflag:s15], $0x4000  }
0x3d: {  	[sflag:s15] =	ssyncset.done $0x0  }
0x3e: {  	s18 =	sadd.s32 s6, s18;
	[sflag:s15] =	ssyncadd.s32 $0xFFFFC000  }
0x3f: {  	[tilespmem:s13], [sflag:$0x2] =	stream.linear.gather [hbm4b:s18+s3], $0x80, $0x38;
	[tilespmem:$0x18100] =	vst v63  }
0x40: {  	_ =	swait.ge [sflag:s12], $0x80  }
0x41: {  	[sflag:s12] =	ssyncset.done $0x0  }
0x42: {  	[sflag:s12] =	ssyncadd.s32 $0xFFFFFF80  }
0x43: {  	[spmem:s2] =	stream.indirect.scatter.add.f32 [tilespmem:s14], [sflag:$0x2], $0x80, s13, s13, $0xb8;
	[tilespmem:$0x18100] =	vst v63  }
0x44: {  	_ =	swait.ge [sflag:s12], $0x4000  }
0x45: {  	s17 =	sadd.s32 $0x1, s17;
	[sflag:s12] =	ssyncset.done $0x0  }
0x46: {  	p0 =	sne.s32 s17, s10;
	[sflag:s12] =	ssyncadd.s32 $0xFFFFC000  }
.Ltmp1:
0x47: {  	[bflag:$0x0] =	sbarrier.arrive $0xFFFF;
	(pc) =	sbr.rel @p0 .LBB2_1-.Ltmp1, $4  }
0x48: {  	[hbm:s16], [sflag:s8] =	dma.local [spmem:s11], $0x2800  }
0x49: {  	_ =	swait.ge [sflag:s12], $0x2800  }
0x4a: {  	[sflag:s12] =	ssyncset.done $0x0  }
0x4b: {  	[sflag:s12] =	ssyncadd.s32 $0xFFFFD800  }
0x4c: {  	_ =	sfence.sel $0x180000  }
0x4d: {  	[bflag:$0x0] =	sbarrier.arrive $0xFFFF  }
0x4e: {  	p0 =	sne.s32 s4, $0x0;
	_ =	strace $0x90000053  }
0x4f: {  	s0 =	sadd.s32 @!p0 $0x100000, s0;
	[bflag:$0x2] =	sbarrier.arrive $0xFFFF  }
0x50: {  	[sflag:s0] =	ssyncadd.tile.s32 @!p0 $0x1;
	_ =	shalt  }
.Lfunc_end2:
_tile_overlayer_lowered:
.L_overlay_start_2:
0x51: {  	(tag) =	ssettag $0x2  }
0x52: {  	s0 =	rddreg [dreg:$0x0];
	s2 =	stileid.u32  }
0x53: {  	s1 =	rddreg [dreg:$0x1];
	p0 =	sne.s32 s2, $0x0  }
0x54: {  	s3 =	rddreg [dreg:$0x2];
	[bflag:$0x3] =	sbarrier.arrive $0xFFFF;
	s2 =	simm.s32 @!p0 $0x1C02  }
0x55: {  	[timem:s3], [sflag:s2] =	dma.local @!p0 [hbm:s0], s1  }
0x56: {  	s0 =	simm.s32 @!p0 $0x2  }
0x57: {  	_ =	swait.ge @!p0 [sflag:s0], s1  }
0x58: {  	s1 =	ssub.s32 @!p0 $0x0, s1;
	[sflag:s0] =	ssyncset.done @!p0 $0x0  }
0x59: {  	[sflag:s0] =	ssyncadd.s32 @!p0 s1  }
0x5a: {  	[bflag:$0x3] =	sbarrier.arrive $0xFFFF  }
0x5b: {  	_ =	shalt  }

// kernel: scatter_offload_async_start.1
scs
__scs_entry_jumppad:
0x0: {  	(pc) =	sbr.rel $0x88, $3  }
0x1: {  	(tag) =	ssettag $0x0;
	lr =	simm.s32 $0x1  }
0x2: {  	[smem:$0x3F93] =	sst lr;
	_ =	strace $0xD0000000  }
0x3: {  	_ = 	snop  }
0x4: {  	_ = 	snop  }
0x5: {  	_ = 	snop  }
0x6: {  	_ = 	snop  }
0x7: {  	_ = 	snop  }
__scs_overlays_trampoline_lowered:
0x8: {  	[smem:$0x3FA2] =	sst s0  }
0x9: {  	[smem:$0x3FA3] =	sst s1  }
0xa: {  	[smem:$0x3FA4] =	sst s2  }
0xb: {  	[smem:$0x3FA5] =	sst s3  }
0xc: {  	[smem:$0x3FA6] =	sst s4  }
0xd: {  	[smem:$0x3FA7] =	sst s5  }
0xe: {  	[smem:$0x3FA8] =	sst s6  }
0xf: {  	[smem:$0x3FA9] =	sst s7  }
0x10: {  	[smem:$0x3FAA] =	sst s8  }
0x11: {  	[smem:$0x3FAB] =	sst s9;
	s0 =	simm.s32 @!p0 $0x0  }
0x12: {  	s1 =	sld [smem:$0x3F91];
	s0 =	simm.s32 @p0 $0x1  }
0x13: {  	[smem:$0x3FAC] =	sst s0;
	s0 =	simm.s32 @!p1 $0x0  }
0x14: {  	s2 =	sld [smem:$0x3F90];
	s0 =	simm.s32 @p1 $0x1  }
0x15: {  	[smem:$0x3FAD] =	sst s0;
	s0 =	simm.s32 @!p2 $0x0  }
0x16: {  	s3 =	sld [smem:$0x3FDB];
	s0 =	simm.s32 @p2 $0x1  }
0x17: {  	s4 =	simm.s32 $0x1BF5;
	[smem:$0x3FAF] =	sst s0  }
0x18: {  	s0 =	sld [smem:$0x3F92];
	_ =	swait.ge [sflag:s4], $0x0  }
0x19: {  	s7 =	sld [smem:$0x3F93]  }
0x1a: {  	s8 =	sadd.s32 $0xFFFFE003, lr  }
0x1b: {  	s9 =	sadd.s32 $0xFFFFFEF7, lr;
	s5 =	simm.s32 $0xFFFFFFFF;
	p2 =	slt.u32 s8, $0xFFFFF086  }
0x1c: {  	p1 =	slt.u32 s9, $0xF7A;
	s5 =	simm.s32 @!p2 $0x0  }
0x1d: {  	s5 =	simm.s32 @p1 $0x1;
	p0 =	seq.s32 s7, s2  }
0x1e: {  	s7 =	smul.u32 @!p0 $0xF7A, s2;
	p2 =	seq.s32 @!p0 s5, $0x0  }
0x1f: {  	s9 =	smul.u32 $0xF7A, s1;
	s8 =	simm.s32 @!p0 $0x1BF5;
	p2 =	por !p2, p0  }
0x20: {  	[sflag:s8] =	ssyncset.s32 @!p0 $0xFFFFF086;
	s6 =	sadd.s32 @!p0 s3, s7;
	s7 =	simm.s32 @!p0 $0x108  }
0x21: {  	s3 =	sadd.s32 s3, s9;
	s6 =	sadd.s32 @!p0 $0x88, s6;
	s7 =	simm.s32 @p2 $0x1082  }
0x22: {  	[simem:s7], [sflag:s8] =	dma.local @!p0 [hbm:s6], $0xF7A  }
0x23: {  	s9 =	sor.u32 $0xD0000000, s2;
	s6 =	simm.s32 $0x108;
	_ =	swait.ge @!p0 [sflag:s8], $0x0  }
0x24: {  	s3 =	sadd.s32 $0x88, s3;
	s6 =	simm.s32 @!p1 $0x1082;
	[sflag:s4] =	ssyncset.s32 $0xFFFFF086  }
0x25: {  	[simem:s6], [sflag:s4] =	dma.local [hbm:s3], $0xF7A  }
0x26: {  	[smem:$0x3F93] =	sst s1;
	(tag) =	ssettag s2;
	_ =	strace s9  }
0x27: {  	s1 =	sld [smem:$0x3FA3]  }
0x28: {  	s2 =	sld [smem:$0x3FA4]  }
0x29: {  	s4 =	sld [smem:$0x3FA6]  }
0x2a: {  	p0 =	seq.s32 s5, $0x0;
	s5 =	sld [smem:$0x3FA7]  }
0x2b: {  	s6 =	sld [smem:$0x3FA8]  }
0x2c: {  	s7 =	sld [smem:$0x3FA9]  }
0x2d: {  	s3 =	simm.s32 $0x108;
	s8 =	sld [smem:$0x3FAA]  }
0x2e: {  	s3 =	simm.s32 @!p0 $0x1082;
	s9 =	sld [smem:$0x3FAB]  }
0x2f: {  	lr =	sadd.s32 s0, s3;
	s0 =	sld [smem:$0x3FA2]  }
0x30: {  	s3 =	sld [smem:$0x3FA5]  }
0x31: {  	[smem:$0x3FAE] =	sst s10  }
0x32: {  	s10 =	sld [smem:$0x3FAC];
	_ =	sdelay $0x3  }
0x33: {  	p0 =	seq.s32 s10, $0x1;
	s10 =	sld [smem:$0x3FAE];
	_ =	sdelay $0x3  }
0x34: {  	[smem:$0x3FAE] =	sst s10  }
0x35: {  	s10 =	sld [smem:$0x3FAD];
	_ =	sdelay $0x3  }
0x36: {  	p1 =	seq.s32 s10, $0x1;
	s10 =	sld [smem:$0x3FAE];
	_ =	sdelay $0x3  }
0x37: {  	[smem:$0x3FAE] =	sst s10  }
0x38: {  	s10 =	sld [smem:$0x3FAF]  }
0x39: {  	_ = 	snop;
	(pc) =	sbr.ind lr, $3  }
0x3a: {  	_ = 	snop  }
0x3b: {  	_ = 	snop  }
0x3c: {  	p2 =	seq.s32 s10, $0x1;
	s10 =	sld [smem:$0x3FAE]  }
0x3d: {  	_ =	shalt  }
0x3e: {  	_ =	shalt  }
0x3f: {  	_ =	shalt  }
0x40: {  	_ =	shalt  }
0x41: {  	_ =	shalt  }
0x42: {  	_ =	shalt  }
0x43: {  	_ =	shalt  }
0x44: {  	_ =	shalt  }
0x45: {  	_ =	shalt  }
0x46: {  	_ =	shalt  }
0x47: {  	_ =	shalt  }
0x48: {  	_ =	shalt  }
0x49: {  	_ =	shalt  }
0x4a: {  	_ =	shalt  }
0x4b: {  	_ =	shalt  }
0x4c: {  	_ =	shalt  }
0x4d: {  	_ =	shalt  }
0x4e: {  	_ =	shalt  }
0x4f: {  	_ =	shalt  }
0x50: {  	_ =	shalt  }
0x51: {  	_ =	shalt  }
0x52: {  	_ =	shalt  }
0x53: {  	_ =	shalt  }
0x54: {  	_ =	shalt  }
0x55: {  	_ =	shalt  }
0x56: {  	_ =	shalt  }
0x57: {  	_ =	shalt  }
0x58: {  	_ =	shalt  }
0x59: {  	_ =	shalt  }
0x5a: {  	_ =	shalt  }
0x5b: {  	_ =	shalt  }
0x5c: {  	_ =	shalt  }
0x5d: {  	_ =	shalt  }
0x5e: {  	_ =	shalt  }
0x5f: {  	_ =	shalt  }
0x60: {  	_ =	shalt  }
0x61: {  	_ =	shalt  }
0x62: {  	_ =	shalt  }
0x63: {  	_ =	shalt  }
0x64: {  	_ =	shalt  }
0x65: {  	_ =	shalt  }
0x66: {  	_ =	shalt  }
0x67: {  	_ =	shalt  }
0x68: {  	_ =	shalt  }
0x69: {  	_ =	shalt  }
0x6a: {  	_ =	shalt  }
0x6b: {  	_ =	shalt  }
0x6c: {  	_ =	shalt  }
0x6d: {  	_ =	shalt  }
0x6e: {  	_ =	shalt  }
0x6f: {  	_ =	shalt  }
0x70: {  	_ =	shalt  }
0x71: {  	_ =	shalt  }
0x72: {  	_ =	shalt  }
0x73: {  	_ =	shalt  }
0x74: {  	_ =	shalt  }
0x75: {  	_ =	shalt  }
0x76: {  	_ =	shalt  }
0x77: {  	_ =	shalt  }
0x78: {  	_ =	shalt  }
0x79: {  	_ =	shalt  }
0x7a: {  	_ =	shalt  }
0x7b: {  	_ =	shalt  }
0x7c: {  	_ =	shalt  }
0x7d: {  	_ =	shalt  }
0x7e: {  	_ =	shalt  }
0x7f: {  	_ =	shalt  }
0x80: {  	_ =	shalt  }
0x81: {  	_ =	shalt  }
0x82: {  	_ =	shalt  }
0x83: {  	_ =	shalt  }
0x84: {  	_ =	shalt  }
0x85: {  	_ =	shalt  }
0x86: {  	_ =	shalt  }
0x87: {  	_ =	shalt  }
.Lfunc_end0:
.L_simem_size_0:
called_computation.1_lowered:
.L_overlay_start_0:
0x88: {  	s0 =	sld [smem:$0x3FD9]  }
0x89: {  	s1 =	sld [smem:$0x3FFE];
	_ =	sdelay $0x3  }
0x8a: {  	s0 =	sadd.s32 s1, s0  }
0x8b: {  	[smem:$0x3FBA] =	sst s0  }
0x8c: {  	_ = 	snop  }
0x8d: {  	(tm) =	ssettm $0x1  }
0x8e: {  	s15 =	sld [smem:$0x3FFB];
	_ =	sdelay $0x3  }
0x8f: {  	_ =	strace s15  }
0x90: {  	s0 =	sld [smem:$0x3FFC];
	_ =	sdelay $0x3  }
0x91: {  	_ =	strace s0  }
0x92: {  	s0 =	sld [smem:$0x3FFD];
	_ =	sdelay $0x3  }
0x93: {  	_ =	strace s0  }
0x94: {  	_ =	strace $0x8FFFFFFF  }
0x95: {  	s16 =	sld [smem:$0x3FDB];
	_ =	sdelay $0x1  }
0x96: {  	s17 =	simm.s32 $_scs_section_size  }
0x97: {  	s2 =	simm.s32 $_size__tile_overlayer_lowered;
	s3 =	simm.s32 $_tile_overlayer_lowered  }
0x98: {  	s20 =	simm.s32 $0x1BFF;
	s19 =	sshll.u32 s3, $0x1;
	s0 =	sadd.s32 s17, s16  }
0x99: {  	s4 =	simm.s32 $0x0;
	s18 =	sshll.u32 s2, $0x1;
	s2 =	sadd.s32 s19, s0  }
0x9a: {  	[timem:s4], [sflag:s20] =	dma.local [hbm:s2], s18  }
0x9b: {  	_ =	swait.ge [sflag:s20], s18  }
0x9c: {  	s1 =	ssub.s32 $0x0, s18;
	[sflag:s20] =	ssyncset.done $0x0  }
0x9d: {  	[sflag:s20] =	ssyncadd.s32 s1;
	_ =	sdelay $0x1  }
0x9e: {  	s21 =	simm.s32 $0x1B8B  }
0x9f: {  	_ =	swait.ge [sflag:s21], $0x1  }
0xa0: {  	[sflag:s21] =	ssyncset.done $0x0  }
0xa1: {  	s23 =	simm.s32 $0x1B8E;
	s22 =	sld [smem:$0x3FFE];
	[sflag:s21] =	ssyncadd.s32 $0xFFFFFFFF  }
0xa2: {  	s24 =	simm.s32 $execute0_lowered;
	[smem:$0x3FD2] =	sst s23  }
0xa3: {  	s2 =	sshll.u32 s24, $0x1;
	_ =	strace $0x8000004C;
	[dreg:$0x1] =	wrdreg $0xFFFFFFFF  }
0xa4: {  	s25 =	simm.s32 $_size_execute0_lowered;
	s0 =	sadd.s32 s0, s2;
	[dreg:$0x0] =	wrdreg $0x0  }
0xa5: {  	s2 =	sshll.u32 s25, $0x1;
	[dreg:$0x2] =	wrdreg s0  }
0xa6: {  	[dreg:$0x3] =	wrdreg s2  }
0xa7: {  	[dreg:$0x4] =	wrdreg $0xC0  }
0xa8: {  	_ =	task [dreg:s4], $0x5FFFF  }
0xa9: {  	[dreg:$0x1] =	wrdreg $0xFFFFFFFF  }
0xaa: {  	[dreg:$0x0] =	wrdreg $0x60  }
0xab: {  	[dreg:$0x2] =	wrdreg s22  }
0xac: {  	[dreg:$0x3] =	wrdreg $0x9  }
0xad: {  	_ =	task.clear_ibuf [dreg:s4], $0x4FFFF;
	_ =	strace $0x9000004C  }
0xae: {  	s26 =	simm.s32 $0x9;
	_ =	strace $0x8000004E  }
0xaf: {  	_ =	swait.ge [sflag:s26], $0x1  }
0xb0: {  	[sflag:s26] =	ssyncadd.s32 $0xFFFFFFFF  }
0xb1: {  	_ =	strace $0x9000004E  }
0xb2: {  	_ =	sfence  }
0xb3: {  	s28 =	sld [smem:$0x0];
	_ =	sdelay $0x1  }
0xb4: {  	s29 =	srdreg.scid  }
0xb5: {  	s30 =	sshll.u32 s29, $0xD;
	s31 =	sshrl.u32 s29, $0x2  }
0xb6: {  	s1 =	sand.u32 $0x1, s29;
	s2 =	sand.u32 $0x4000, s30;
	s0 =	sadd.s32 s31, s28  }
0xb7: {  	s1 =	sor.u32 s2, s1;
	s0 =	sshll.u32 s0, $0x11  }
0xb8: {  	s0 =	sor.u32 s0, s1  }
0xb9: {  	s0 =	sadd.s32 $0x8F2B, s0  }
0xba: {  	[sflag:s0] =	ssyncadd.remote.s32 $0x1  }
0xbb: {  	_ =	sfence.sel $0xFFFF  }
0xbc: {  	[dreg:$0x0] =	wrdreg $0xFFFFFFFF;
	(pc) =	sbr.abs _section_cstart, $3  }
0xbd: {  	[dreg:$0x1] =	wrdreg $0xFFFFFFFF  }
0xbe: {  	_ =	task.clear_ibuf [dreg:s4], $0x2FFFF;
	_ =	strace $0x9FFFFFFF  }
0xbf: {  	(tm) =	ssettm $0x7FFFFFFF  }
tec
execute0_lowered:
.L_overlay_start_1:
0x0: {  	(tag) =	ssettag $0x1  }
0x1: {  	s6 =	rddreg [dreg:$0x0];
	s3 =	stileid.u32  }
0x2: {  	_ =	strace $0x8000004D;
	s2 =	simm.s32 $0x1;
	s0 =	smul.u32 $0x3, s3  }
0x3: {  	v1 =	vimm.s32 $0xFFFFFFFF;
	s1 =	smin.u32 s3, $0x7;
	[sflag:s2] =	ssyncpa.u1 $0x0  }
0x4: {  	[tilespmem:$0x10] =	vst v1;
	s0 =	sadd.s32 s1, s0  }
0x5: {  	v0 =	vimm.f32 $0.0e+00;
	p0 =	slt.u32 s3, $0x7;
	[tilespmem:$0x20] =	vst v1;
	s4 =	smul.u32 $0x1770, s0;
	s0 =	simm.s32 $0x5DC0  }
0x6: {  	[tilespmem:$0x30] =	vst v0;
	s0 =	simm.s32 @!p0 $0x4650  }
0x7: {  	[tilespmem:$0x40] =	vst v0;
	s0 =	sadd.s32 s0, s4  }
0x8: {  	[tilespmem:$0x50] =	vst v0;
	s5 =	smin.u32 s0, $0x50910  }
0x9: {  	s7 =	simm.s32 $0x2;
	s8 =	simm.s32 $0x8;
	[tilespmem:$0x60] =	vst v1;
	s0 =	ssub.s32 s5, s4  }
0xa: {  	s31 =	simm.s32 $0x9;
	s16 =	simm.s32 $0x0;
	[tilespmem:$0x70] =	vst v1;
	p0 =	sgt.s32 s0, $0x0  }
0xb: {  	s17 =	simm.s32 $0xF0;
	s18 =	simm.s32 $0xFFFFFFFF;
	[tilespmem:$0x80] =	vst v1;
	s0 =	simm.s32 @!p0 $0x0  }
0xc: {  	s19 =	simm.s32 $0xFFFFD220;
	s20 =	simm.s32 $0xFFFFFFFE;
	v1 =	vimm.s32 $0x0;
	[tilespmem:$0xB0] =	vst v0;
	s30 =	smulhi.u32 $0x57619F1, s0  }
0xd: {  	s21 =	simm.s32 $0xF;
	s25 =	simm.s32 $0x0;
	s24 =	simm.s32 $0x0;
	[tilespmem:$0x90] =	vst v1  }
0xe: {  	[tilespmem:$0xA0] =	vst v1;
	[sflag:s7] =	ssyncpa.u1 $0x0;
	s7 =	simm.s32 $0x7;
	s9 =	sshrl.u32 s30, $0x7  }
0xf: {  	s14 =	sshllo.u32 s3, $0x1;
	[sflag:s7] =	ssyncpa.u1 $0x0;
	s10 =	smul.u32 $0x1770, s9  }
.Ltmp0:
0x10: {  	s1 =	sadd.s32 $0x5C400, s6;
	[sflag:s8] =	ssyncpa.u1 $0x0;
	(pc) =	sbr.rel .LBB2_1-.Ltmp0, $4  }
0x11: {  	s6 =	sadd.s32 $0x52200, s6;
	[sflag:s31] =	ssyncpa.u1 $0x0;
	p0 =	sne.s32 s0, s10  }
0x12: {  	s23 =	smov.u32 s4;
	s10 =	sshll.u32 s3, $0x1;
	s2 =	simm.s32 @!p0 $0x0  }
0x13: {  	vm0 =	vmmov $0xffff;
	v2 =	vlaneseq.u32;
	s13 =	sor.u32 $0x81, s10;
	s15 =	sor.u32 $0x80, s10;
	s9 =	sadd.s32 s2, s9  }
0x14: {  	vm1 =	vmxor vm1, vm1;
	vm2 =	vmmov $0x1;
	vm3 =	vcmask $0x3F3C;
	p0 =	por $0x0, $0x0;
	s11 =	sadd.s32 $0x1, s9;
	s12 =	sadd.s32 $0x2, s9  }
.LBB2_9:
0x15: {  	p1 =	slt.u32 s24, $0x3  }
0x16: {  	s0 =	simm.s32 @!p1 $0x2  }
0x17: {  	_ =	swait.ge @!p1 [sflag:s0], $0x1770  }
0x18: {  	[sflag:s0] =	ssyncset.done @!p1 $0x0  }
0x19: {  	[sflag:s0] =	ssyncadd.s32 @!p1 $0xFFFFE890;
	s0 =	simm.s32 @!p1 $0x9  }
0x1a: {  	_ =	swait.ge @!p1 [sflag:s0], $0x10  }
0x1b: {  	[sflag:s0] =	ssyncset.done @!p1 $0x0  }
0x1c: {  	[sflag:s0] =	ssyncadd.s32 @!p1 $0xFFFFFFF0;
	p1 =	sne.s32 s24, s12  }
.Ltmp1:
0x1d: {  	s2 =	sadd.s32 $0x1770, s23;
	(pc) =	sbr.rel @!p1 .LBB2_10-.Ltmp1, $4  }
0x1e: {  	s3 =	smov.u32 s4;
	s31 =	sadd.s32 $0x1, s24;
	s17 =	sadd.s32 $0x1770, s17  }
0x1f: {  	s18 =	sadd.s32 $0x1, s18;
	s25 =	smov.u32 s23;
	p2 =	slt.s32 s2, s5  }
0x20: {  	p0 =	por !p0, !p0;
	s19 =	sadd.s32 $0x1770, s19;
	s3 =	smov.u32 @p2 s2  }
0x21: {  	s20 =	sadd.s32 $0x1, s20;
	s23 =	smov.u32 s3;
	s24 =	smov.u32 s31  }
.LBB2_1:
0x22: {  	p1 =	sge.u32 s24, s9  }
0x23: {  	s0 =	smulhi.u32 @!p1 $0xAAAAAAAB, s24;
	_ =	sdelay $0x1  }
0x24: {  	s0 =	sshrl.u32 @!p1 s0, $0x1  }
0x25: {  	s0 =	smul.u32 @!p1 $0x3, s0;
	_ =	sdelay $0x1  }
0x26: {  	s0 =	ssub.s32 @!p1 s24, s0  }
0x27: {  	s0 =	smul.u32 @!p1 $0x5DC0, s0;
	_ =	sdelay $0x1  }
0x28: {  	s3 =	rddreg [dreg:$0x0];
	s2 =	sshrl.u32 @!p1 s23, $0x3;
	s0 =	sshrl.u32 @!p1 s0, $0x2  }
0x29: {  	s22 =	sand.u32 @!p1 $0x7, s23;
	s2 =	sadd.s32 @!p1 s3, s2;
	s0 =	sadd.s32 @!p1 $0x100, s0  }
0x2a: {  	[tilespmem:s0], [sflag:$0x7] =	stream.linear.gather @!p1 [hbm4b:s2+s22], $0x1770, $0x38;
	[tilespmem:$0xD410] =	vst v63  }
0x2b: {  	s0 =	sadd.s32 $0xFFFFFFFF, s24  }
0x2c: {  	p1 =	sge.u32 s0, s9  }
.Ltmp2:
0x2d: {  	_ = 	snop;
	(pc) =	sbr.rel @p1 .LBB2_5-.Ltmp2, $1  }
0x2e: {  	_ =	sdelay $0x3  }
0x2f: {  	s2 =	smulhi.u32 $0xAAAAAAAB, s0;
	_ =	sdelay $0x1  }
0x30: {  	s2 =	sshrl.u32 s2, $0x1  }
0x31: {  	s2 =	smul.u32 $0x3, s2;
	_ =	sdelay $0x1  }
0x32: {  	s2 =	ssub.s32 s0, s2  }
0x33: {  	s2 =	smul.u32 $0x5DC0, s2  }
0x34: {  	_ =	swait.ge [sflag:s7], $0x1770  }
0x35: {  	[sflag:s7] =	ssyncset.done $0x0;
	s2 =	sshrl.u32 s2, $0x2  }
0x36: {  	[sflag:s7] =	ssyncadd.s32 $0xFFFFE890;
	(ifvalue) =	ssetifvalue $0xFFFFFFFF;
	v3 =	vld.msk [tilespmem:s2+$0x100 ss:$0x1], $0xffff;
	_ =	sdelay $0x2  }
0x37: {  	s30 =	smulhi.u32 $0xAAAAAAAB, s18;
	p1 =	sne.s32 s24, $0x1  }
0x38: {  	v4 =	vimm.s32 @!p1 $0x0  }
0x39: {  	s2 =	sshrl.u32 s30, $0x1;
	v4 =	vperm.xlane @!p1 v3, v4  }
0x3a: {  	s22 =	sshll.u32 s24, $0x4;
	s2 =	smul.u32 $0xFFFEE6C0, s2;
	vm4 =	vlt.u32 v3, $0x6400000  }
0x3b: {  	s22 =	sand.u32 $0x10, s22;
	v3 =	vnsel vm4, $0xFFFFFFFE, v3;
	vm4 =	vlt.u32 @!p1 v4, $0x6400000  }
0x3c: {  	s2 =	sshra.s32 s2, $0x2;
	[tilespmem:s22+$0x60] =	vst v3;
	v3 =	vnsel @!p1 vm4, $0xFFFFFFFE, v4  }
0x3d: {  	s28 =	sadd.s32 s2, s17;
	[tilespmem:$0x80] =	vst @!p1 v3  }
0x3e: {  	v3 =	vld.msk [tilespmem:s28+$0x0 ss:$0x1], $0xffff;
	_ =	sdelay $0x4  }
0x3f: {  	(xrf1) =	vunique.msk.u32 $0xffff, v3;
	_ =	sdelay $0xd  }
0x40: {  	v4 =	vimm.s32 $0xFFFFFFFF;
	v5, _, _ =	vpop (xrf1)  }
0x41: {  	vm5 =	vne.s32 v3, v4;
	vm4 =	veq.s32 v5, v2  }
0x42: {  	vm6 =	vlt.u32 v3, $0x6400000;
	vm4 =	vmand vm5, vm4  }
0x43: {  	vm4 =	vmand vm6, vm4  }
0x44: {  	v4 =	vnsel vm4, $0xFFFFFFFF, v3  }
0x45: {  	s31 =	sand.u32 $0x1, s0  }
0x46: {  	s0 =	simm.s32 $0x1770;
	p1 =	seq.s32 s31, $0x1  }
0x47: {  	s0 =	simm.s32 @!p1 $0x0  }
0x48: {  	s26 =	sadd.s32 $0x5EB0, s0;
	(ifvalue) =	ssetifvalue $0xFFFFFFFF  }
0x49: {  	v3 =	vperm.xlane v3, v1;
	[tilespmem:s26], [sflag:$0x8] =	stream.indirect_vreg.gather [hbm4b:s1+s16], $0x1, v4, vm0, $0x4038;
	v4 =	vnsel vm6, $0xFFFFFFFE, v4;
	[tilespmem:$0xD410] =	vst v63  }
0x4a: {  	s2 =	simm.s32 $0x0;
	s22 =	sadd.s32 $0xFFFFFFF0, s28;
	[tilespmem:s28+$0x0] =	vst v4  }
.LBB2_3:
0x4b: {  	v4 =	vld.msk [tilespmem:s22+$0x0 ss:$0x1], $0xffff;
	s2 =	sadd.s32 $0x10, s2;
	v5 =	vmov v3;
	s28 =	smov.u32 s22  }
0x4c: {  	p1 =	slt.u32 s2, $0x1760;
	_ =	sdelay $0x4  }
0x4d: {  	v3 =	vperm.xlane v4, v1;
	(xrf1) =	vunique.msk.u32 $0xffff, v4;
	_ =	sdelay $0xd  }
0x4e: {  	v6, _, _ =	vpop (xrf1)  }
0x4f: {  	vm5 =	vne.s32 v4, v5;
	vm4 =	veq.s32 v6, v2  }
0x50: {  	vm6 =	vlt.u32 v4, $0x6400000;
	vm4 =	vmand vm5, vm4  }
0x51: {  	vm4 =	vmand vm6, vm4  }
0x52: {  	v4 =	vnsel vm4, $0xFFFFFFFF, v4  }
.Ltmp3:
0x53: {  	v5 =	vnsel vm6, $0xFFFFFFFE, v4;
	(pc) =	sbr.rel @p1 .LBB2_3-.Ltmp3, $3  }
0x54: {  	_ =	sdelay $0x1  }
0x55: {  	s22 =	sadd.s32 $0xFFFFFFF0, s22;
	s26 =	sadd.s32 $0xFFFFFFF0, s26;
	(ifvalue) =	ssetifvalue $0xFFFFFFFF  }
0x56: {  	[tilespmem:s26], [sflag:$0x8] =	stream.indirect_vreg.gather [hbm4b:s1+s16], $0x1, v4, vm0, $0x4038;
	[tilespmem:s28+$0x0] =	vst v5  }
0x57: {  	s2 =	sshrl.u32 s25, $0x3  }
0x58: {  	s0 =	sadd.s32 $0x7630, s0;
	s2 =	sadd.s32 s6, s2  }
0x59: {  	[tilespmem:s0], [sflag:$0x8] =	stream.linear.gather [hbm:s2], $0x1770, $0x38;
	[tilespmem:$0xD410] =	vst v63  }
.LBB2_5:
0x5a: {  	p1 =	slt.u32 s24, $0x2  }
0x5b: {  	p2 =	sge.u32 @!p1 s24, s12  }
0x5c: {  	p1 =	por p1, p2  }
.Ltmp4:
0x5d: {  	_ = 	snop;
	(pc) =	sbr.rel @p1 .LBB2_9-.Ltmp4, $1  }
0x5e: {  	_ =	sdelay $0x3  }
0x5f: {  	s0 =	sadd.s32 $0xFFFFFFFE, s24  }
0x60: {  	s2 =	smulhi.u32 $0xAAAAAAAB, s0;
	_ =	sdelay $0x1  }
0x61: {  	s2 =	sshrl.u32 s2, $0x1  }
0x62: {  	s2 =	smul.u32 $0x3, s2;
	_ =	sdelay $0x1  }
0x63: {  	s0 =	ssub.s32 s0, s2  }
0x64: {  	_ =	swait.ge [sflag:s8], $0x2EE0;
	s0 =	smul.u32 $0x1770, s0  }
0x65: {  	p1 =	sne.s32 s24, s11;
	[sflag:s8] =	ssyncset.done $0x0  }
0x66: {  	[sflag:s8] =	ssyncadd.s32 $0xFFFFD120;
	s2 =	sadd.s32 @!p1 $0x186F, s0  }
0x67: {  	[spmem:s13] =	stream.linear.scatter @!p1 [tilespmem:s2], [sflag:$0x1], $0x1, $0x38;
	[tilespmem:$0xD410] =	vst v63  }
0x68: {  	s2 =	simm.s32 @!p1 $0x1  }
0x69: {  	_ =	swait.ge @!p1 [sflag:s2], $0x1  }
0x6a: {  	s22 =	sshll.u32 s24, $0x4;
	[sflag:s2] =	ssyncset.done @!p1 $0x0  }
0x6b: {  	s25 =	sand.u32 $0x10, s22;
	[sflag:s2] =	ssyncadd.s32 @!p1 $0xFFFFFFFF  }
0x6c: {  	s2 =	sxor.u32 $0x10, s25;
	v4 =	vld [tilespmem:s25+$0x10]  }
0x6d: {  	v5 =	vld [tilespmem:s2+$0x60]  }
0x6e: {  	v3 =	vld [tilespmem:$0x80];
	_ =	sdelay $0x2  }
0x6f: {  	(v2sf) =	vpush v4, $0x0  }
0x70: {  	(v2sf) =	vpush v5, $0x0  }
0x71: {  	(v2sf) =	vpush v3, $0x0;
	_ =	sdelay $0xc  }
0x72: {  	s3 =	spop (v2sf)  }
0x73: {  	s28 =	spop (v2sf)  }
0x74: {  	s26 =	spop (v2sf)  }
0x75: {  	p2 =	seq.s32 s3, s28;
	p3 =	seq.s32 s26, s3  }
0x76: {  	p3 =	por p2, p3  }
0x77: {  	s3 =	sand.u32 $0x1, s24;
	v4 =	vpsel p3, $0xFFFFFFFF, v4  }
0x78: {  	s28 =	smul.u32 $0x1770, s3;
	[tilespmem:s25+$0x10] =	vst.msk $0x1, v4  }
0x79: {  	v4 =	vld [tilespmem:$0x30]  }
0x7a: {  	v5 =	vld [tilespmem:s28+$0x7630]  }
0x7b: {  	v6 =	vld [tilespmem:s25+$0x40];
	_ =	sdelay $0x3  }
0x7c: {  	vm4 =	vmmov vm1;
	v5 =	vadd.f32 v5, v4  }
0x7d: {  	vm5 =	vmmov vm2;
	vm4 =	vmmov @p2 vm2;
	v4 =	vadd.f32 v6, v4  }
0x7e: {  	s22 =	sshll.u32 s3, $0x4;
	vm5 =	vmmov @p3 vm1;
	[tilespmem:s28+$0x7630] =	vst.msk vm4, v5  }
0x7f: {  	[tilespmem:s22+$0xD3F0] =	vst.msk vm5, v4  }
0x80: {  	v4 =	vld [tilespmem:s28+$0x5EB0];
	_ =	sdelay $0x3  }
0x81: {  	v5 =	vimm.f32 $0.0e+00  }
0x82: {  	v4 =	vshift.insert v4, v5, s21  }
0x83: {  	s29 =	sor.u32 $0x40, s2  }
0x84: {  	[tilespmem:s29+$0x0] =	vst.msk $0x1, v4  }
0x85: {  	[tilespmem:s28+$0x5EBF] =	vst.msk $0x1, v5  }
0x86: {  	v4 =	vld [tilespmem:s0+$0x1860];
	_ =	sdelay $0x1  }
0x87: {  	s29 =	smulhi.u32 $0xAAAAAAAB, s20;
	s0 =	simm.s32 $0x1  }
0x88: {  	s0 =	simm.s32 @!p0 $0x0  }
0x89: {  	s29 =	sshrl.u32 s29, $0x1;
	s0 =	smul.u32 $0x5DC0, s0  }
0x8a: {  	s29 =	smul.u32 $0xFFFEE6C0, s29;
	v4 =	vshift.insert v4, v1, s21  }
0x8b: {  	s0 =	sshrl.u32 s0, $0x2  }
0x8c: {  	s29 =	sshra.s32 s29, $0x2;
	s30 =	sadd.s32 $0x7630, s0;
	[tilespmem:s2+$0x10] =	vst.msk $0x1, v4  }
0x8d: {  	s3 =	sadd.s32 s29, s19;
	v6 =	vld [tilespmem:s30+$0x0]  }
0x8e: {  	v7 =	vld [tilespmem:s3+$0x0];
	_ =	sdelay $0x3  }
0x8f: {  	v5 =	vadd.f32 v6, v5  }
0x90: {  	vm4 =	vne.s32 v7, $0xFFFFFFFF  }
0x91: {  	(xrf2) =	vadd.seg.scan.f32 vm4, v5;
	_ =	sdelay $0x3  }
0x92: {  	s31 =	sadd.s32 $0x4750, s0;
	v5 =	vperm.xlane v4, v1  }
0x93: {  	v6 =	vld [tilespmem:s31+$0x0]  }
0x94: {  	vm5 =	veq.s32 v7, v3;
	vm6 =	veq.s32 v7, v5  }
0x95: {  	vm7 =	vgt.u32 v7, $0xFFFFFFFD;
	vm6 =	vmor vm6, vm5  }
0x96: {  	vm6 =	vmor vm6, vm7  }
0x97: {  	v9 =	vld [tilespmem:$0xA0];
	v7 =	vsel vm6, $0xFFFFFFFF, v7  }
0x98: {  	v10 =	vld [tilespmem:$0x90];
	v6 =	vsel vm5, $0x0, v6;
	v8, _, _ =	vpop (xrf2)  }
0x99: {  	v6 =	vadd.f32 v8, v6  }
0x9a: {  	s0 =	sadd.s32 $0xA510, s0  }
0x9b: {  	vm4 =	vmand vm4, vm3;
	[tilespmem:s0+$0x0] =	vst v6;
	(ifvalue) =	ssetifvalue $0xFFFFFFFF  }
0x9c: {  	vm6 =	veq.s32 v9, $0x1;
	[hbm4b:s1+s16] =	stream.indirect_vreg.scatter [tilespmem:s0], [sflag:$0x2], $0x1, v7, vm0, $0x4038;
	v7 =	vsel vm4, $0x0, v8;
	[tilespmem:$0xD410] =	vst v63  }
0x9d: {  	s29 =	sadd.s32 $0xD3F0, s22;
	s22 =	sadd.s32 $0x10, s3;
	s2 =	simm.s32 $0x0;
	vm4 =	vmor vm6, vm5;
	v6 =	vsel vm5, v8, v10;
	v7 =	vshift.insert v7, v0, s21  }
.LBB2_7:
0x9e: {  	v8 =	vld [tilespmem:s22+$0x0];
	s30 =	sadd.s32 $0x10, s30  }
0x9f: {  	s31 =	sadd.s32 $0x10, s31;
	v9 =	vld [tilespmem:s30+$0x0]  }
0xa0: {  	s2 =	sadd.s32 $0x10, s2;
	v10 =	vld [tilespmem:s31+$0x0]  }
0xa1: {  	p2 =	slt.u32 s2, $0x1760;
	_ =	sdelay $0x2  }
0xa2: {  	v7 =	vadd.f32 v9, v7  }
0xa3: {  	vm5 =	vne.s32 v8, $0xFFFFFFFF  }
0xa4: {  	vm6 =	vmand vm5, vm3;
	(xrf2) =	vadd.seg.scan.f32 vm5, v7;
	_ =	sdelay $0x5  }
0xa5: {  	vm7 =	veq.s32 v8, v5;
	vm5 =	veq.s32 v8, v3  }
0xa6: {  	vm8 =	vgt.u32 v8, $0xFFFFFFFD;
	vm4 =	vmor vm4, vm5;
	vm7 =	vmor vm7, vm5  }
0xa7: {  	vm7 =	vmor vm7, vm8  }
0xa8: {  	v8 =	vsel vm7, $0xFFFFFFFF, v8  }
.Ltmp5:
0xa9: {  	v7 =	vsel vm5, $0x0, v10;
	v9, _, _ =	vpop (xrf2);
	(pc) =	sbr.rel @p2 .LBB2_7-.Ltmp5, $4  }
0xaa: {  	v6 =	vsel vm5, v9, v6;
	v10 =	vadd.f32 v9, v7;
	v7 =	vsel vm6, $0x0, v9  }
0xab: {  	s0 =	sadd.s32 $0x10, s0;
	v7 =	vshift.insert v7, v0, s21  }
0xac: {  	s22 =	sadd.s32 $0x10, s22;
	[tilespmem:s0+$0x0] =	vst v10;
	(ifvalue) =	ssetifvalue $0xFFFFFFFF  }
0xad: {  	[hbm4b:s1+s16] =	stream.indirect_vreg.scatter [tilespmem:s0], [sflag:$0x2], $0x1, v8, vm0, $0x4038;
	[tilespmem:$0xD410] =	vst v63  }
0xae: {  	v3 =	vld [tilespmem:s28+$0xBC70];
	_ =	sdelay $0x4  }
0xaf: {  	v3 =	vshift.insert v3, v0, s21  }
0xb0: {  	s0 =	simm.s32 $0x30  }
0xb1: {  	[tilespmem:s0+$0x0] =	vst.msk $0x1, v3  }
0xb2: {  	v3 =	vsel vm4, $0x1, v1;
	[tilespmem:$0x90] =	vst v6  }
0xb3: {  	s0 =	sadd.s32 @!p1 $0xBC7F, s28;
	[tilespmem:$0xA0] =	vst v3  }
0xb4: {  	[spmem:s14] =	stream.linear.scatter @!p1 [tilespmem:s0], [sflag:$0x1], $0x1, $0x38;
	[tilespmem:$0xD410] =	vst v63  }
0xb5: {  	s0 =	simm.s32 @!p1 $0x1  }
0xb6: {  	v3 =	vmctz.xlane @!p1 vm4;
	_ =	swait.ge @!p1 [sflag:s0], $0x1  }
0xb7: {  	(v2sf) =	vpush @!p1 v4, $0x0  }
0xb8: {  	(v2sf) =	vpush @!p1 v3, $0x0;
	_ =	sdelay $0xd  }
0xb9: {  	s2 =	spop @!p1 (v2sf)  }
0xba: {  	s3 =	spop @!p1 (v2sf)  }
0xbb: {  	p2 =	sne.s32 @!p1 s26, s2;
	p3 =	slt.s32 @!p1 s3, $0xF  }
0xbc: {  	[sflag:s0] =	ssyncset.done @!p1 $0x0;
	p2 =	por p2, p1;
	p3 =	por !p3, p1  }
0xbd: {  	[sflag:s0] =	ssyncadd.s32 @!p1 $0xFFFFFFFF;
	v3 =	vimm.s32 @!p2 $0xFFFFFFFF;
	s3 =	simm.s32 @p3 $0xF  }
0xbe: {  	[tilespmem:$0x80] =	vst @!p2 v3;
	s2 =	sadd.s32 @!p1 $0x90, s3  }
0xbf: {  	[spmem:s10] =	stream.linear.scatter @!p1 [tilespmem:s2], [sflag:$0x1], $0x1, $0x38;
	[tilespmem:$0xD410] =	vst v63  }
0xc0: {  	_ =	swait.ge @!p1 [sflag:s0], $0x1  }
0xc1: {  	[sflag:s0] =	ssyncset.done @!p1 $0x0  }
0xc2: {  	s2 =	simm.s32 @!p1 $0x80;
	[sflag:s0] =	ssyncadd.s32 @!p1 $0xFFFFFFFF  }
0xc3: {  	[spmem:s15] =	stream.linear.scatter @!p1 [tilespmem:s2], [sflag:$0x1], $0x1, $0x38;
	[tilespmem:$0xD410] =	vst v63  }
0xc4: {  	_ =	swait.ge @!p1 [sflag:s0], $0x1  }
0xc5: {  	[sflag:s0] =	ssyncset.done @!p1 $0x0  }
0xc6: {  	[sflag:s0] =	ssyncadd.s32 @!p1 $0xFFFFFFFF;
	(ifvalue) =	ssetifvalue $0xFFFFFFFF;
	v3 =	vld [tilespmem:s25+$0x10];
	_ =	sdelay $0x3  }
.Ltmp6:
0xc7: {  	_ = 	snop;
	(pc) =	sbr.rel .LBB2_9-.Ltmp6, $3  }
0xc8: {  	_ =	sdelay $0x1  }
0xc9: {  	(ifvalue) =	ssetifvalue $0xFFFFFFFF  }
0xca: {  	[hbm4b:s1+s16] =	stream.indirect_vreg.scatter [tilespmem:s29], [sflag:$0x9], $0x1, v3, vm0, $0x4038;
	[tilespmem:$0xD410] =	vst v63  }
.LBB2_10:
0xcb: {  	_ =	sfence.sel $0x180000  }
0xcc: {  	s0 =	simm.s32 $0x7;
	[bflag:$0x0] =	sbarrier.arrive $0xFFFF  }
0xcd: {  	s26 =	simm.s32 $0x8;
	[sflag:s0] =	ssyncpa.u1 $0x1  }
0xce: {  	s28 =	simm.s32 $0x9;
	[sflag:s26] =	ssyncpa.u1 $0x1  }
0xcf: {  	[sflag:s28] =	ssyncpa.u1 $0x1  }
0xd0: {  	_ =	sfence.stream.spmem  }
0xd1: {  	s29 =	simm.s32 $0x3;
	[bflag:$0x0] =	sbarrier.arrive $0xFFFF  }
0xd2: {  	s30 =	simm.s32 $0x4;
	[sflag:s29] =	ssyncpa.u1 $0x1  }
0xd3: {  	s31 =	simm.s32 $0x3C;
	s2 =	stileid.u32;
	[sflag:s30] =	ssyncpa.u1 $0x1  }
0xd4: {  	p0 =	sne.s32 s2, $0x0;
	[sflag:s31] =	ssyncpa.u1 $0x1  }
0xd5: {  	s0 =	simm.s32 @p0 $0x1;
	_ =	sfence @p0  }
0xd6: {  	[sflag:s0] =	ssyncpa.u1 @p0 $0x1;
	s0 =	simm.s32 @p0 $0x2  }
0xd7: {  	[sflag:s0] =	ssyncpa.u1 @p0 $0x1  }
0xd8: {  	_ =	strace @p0 $0x9000004D  }
0xd9: {  	[bflag:$0x2] =	sbarrier.arrive @p0 $0xFFFF  }
0xda: {  	_ =	shalt @p0  }
.LBB2_11:
0xdb: {  	_ =	sfence.stream.spmem;
	s0 =	simm.s32 $0x5  }
0xdc: {  	s2 =	simm.s32 $0x80;
	s3 =	simm.s32 $0xC0;
	[sflag:s0] =	ssyncpa.u1 $0x0  }
0xdd: {  	[tilespmem:s3], [sflag:$0x5] =	stream.linear.gather [spmem:s2], $0x20, $0x38;
	[tilespmem:$0xD410] =	vst v63  }
0xde: {  	s2 =	simm.s32 $0x0;
	s3 =	simm.s32 $0xE0  }
0xdf: {  	[tilespmem:s3], [sflag:$0x5] =	stream.linear.gather [spmem:s2], $0x20, $0x38;
	[tilespmem:$0xD410] =	vst v63  }
.Ltmp7:
0xe0: {  	_ = 	snop;
	(pc) =	sbr.rel .LBB2_12-.Ltmp7, $4  }
0xe1: {  	_ =	swait.ge [sflag:s0], $0x40  }
0xe2: {  	[sflag:s0] =	ssyncset.done $0x0  }
0xe3: {  	s31 =	simm.s32 $0x6;
	[sflag:s0] =	ssyncadd.s32 $0xFFFFFFC0  }
0xe4: {  	s4 =	simm.s32 $0x0;
	[sflag:s31] =	ssyncpa.u1 $0x0  }
.LBB2_17:
0xe5: {  	p0 =	sgt.u32 s5, $0x63FFFFF  }
0xe6: {  	s0 =	sshrl.u32 @!p0 s5, $0x3  }
0xe7: {  	s5 =	sand.u32 @!p0 $0x7, s5;
	s6 =	simm.s32 @!p0 $0xB0;
	s0 =	sadd.s32 @!p0 s1, s0  }
0xe8: {  	[tilespmem:s6], [sflag:$0x6] =	stream.linear.gather @!p0 [hbm4b:s0+s5], $0x1, $0x38;
	[tilespmem:$0xD410] =	vst v63  }
0xe9: {  	s0 =	simm.s32 @!p0 $0x6  }
0xea: {  	_ =	swait.ge @!p0 [sflag:s0], $0x1  }
0xeb: {  	[sflag:s0] =	ssyncset.done @!p0 $0x0  }
0xec: {  	[sflag:s0] =	ssyncadd.s32 @!p0 $0xFFFFFFFF  }
0xed: {  	v2 =	vmov @!p0 s4;
	v1 =	vld.msk @!p0 [tilespmem:$0xB0], $0x1;
	_ =	sdelay $0x3  }
0xee: {  	s0 =	simm.s32 @!p0 $0xE0  }
0xef: {  	[tilespmem:v2+s0+$0x0], v1 =	vst.idx.ret.add.f32.msk @!p0 $0x1, v1  }
0xf0: {  	[tilespmem:s2+$0xC0] =	vst.msk $0x1, v0  }
0xf1: {  	v0 =	vld.msk [tilespmem:s4+$0xE0], $0x1;
	_ =	sdelay $0x4  }
0xf2: {  	[tilespmem:s2+$0xE0] =	vst.msk $0x1, v0;
	s2 =	sadd.s32 $0x1, s2  }
.LBB2_19:
0xf3: {  	s4 =	sadd.s32 $0x1, s4  }
0xf4: {  	p0 =	sne.s32 s4, $0x20  }
.Ltmp8:
0xf5: {  	_ = 	snop;
	(pc) =	sbr.rel @!p0 .LBB2_20-.Ltmp8, $1  }
0xf6: {  	_ =	sdelay $0x3  }
.LBB2_12:
0xf7: {  	v0 =	vld.msk [tilespmem:s4+$0xC0], $0x1;
	_ =	sdelay $0x4  }
0xf8: {  	(v2sf) =	vpush v0, $0x0;
	_ =	sdelay $0xe  }
0xf9: {  	s5 =	spop (v2sf)  }
0xfa: {  	p0 =	seq.s32 s5, $0xFFFFFFFF  }
.Ltmp9:
0xfb: {  	_ = 	snop;
	(pc) =	sbr.rel @p0 .LBB2_19-.Ltmp9, $1  }
0xfc: {  	_ =	sdelay $0x3  }
0xfd: {  	p0 =	slt.s32 s2, $0x1  }
.Ltmp10:
0xfe: {  	_ = 	snop;
	(pc) =	sbr.rel @p0 .LBB2_17-.Ltmp10, $1  }
0xff: {  	_ =	sdelay $0x3  }
0x100: {  	s0 =	simm.s32 $0xC0;
	p0 =	por $0x0, $0x0  }
0x101: {  	v1 =	vld.msk @!p0 [tilespmem:s0+$0x0], $0x1;
	_ =	sdelay $0x4  }
0x102: {  	(v2sf) =	vpush @!p0 v1, $0x0;
	_ =	sdelay $0xd  }
0x103: {  	p2 =	sne.s32 s2, $0x1  }
.Ltmp11:
0x104: {  	s6 =	spop @!p0 (v2sf);
	(pc) =	sbr.rel @!p2 .LBB2_16-.Ltmp11, $4  }
0x105: {  	p1 =	seq.s32 @!p0 s5, s6  }
0x106: {  	s6 =	simm.s32 $0x0;
	p1 =	por !p1, p0  }
0x107: {  	s8 =	simm.s32 $0xFFFFFFFF;
	s6 =	simm.s32 @p1 $0xFFFFFFFF  }
0x108: {  	s7 =	simm.s32 $0x1;
	s6 =	smov.u32 @p0 s8  }
.LBB2_15:
0x109: {  	s8 =	smov.u32 s6;
	p0 =	sne.s32 s6, $0xFFFFFFFF  }
0x10a: {  	s0 =	sadd.s32 $0x1, s0;
	s6 =	smov.u32 s7;
	s7 =	sadd.s32 $0x1, s7  }
0x10b: {  	p1 =	sne.s32 s2, s7;
	v1 =	vld.msk @!p0 [tilespmem:s0+$0x0], $0x1;
	_ =	sdelay $0x4  }
0x10c: {  	(v2sf) =	vpush @!p0 v1, $0x0;
	_ =	sdelay $0xe  }
.Ltmp12:
0x10d: {  	s9 =	spop @!p0 (v2sf);
	(pc) =	sbr.rel @p1 .LBB2_15-.Ltmp12, $4  }
0x10e: {  	p2 =	seq.s32 @!p0 s5, s9  }
0x10f: {  	p2 =	por !p2, p0  }
0x110: {  	s6 =	simm.s32 @p2 $0xFFFFFFFF  }
0x111: {  	s6 =	smov.u32 @p0 s8  }
.LBB2_16:
0x112: {  	p0 =	sne.s32 s6, $0xFFFFFFFF  }
.Ltmp13:
0x113: {  	_ = 	snop;
	(pc) =	sbr.rel @!p0 .LBB2_17-.Ltmp13, $1  }
0x114: {  	_ =	sdelay $0x3  }
0x115: {  	v0 =	vld.msk [tilespmem:s4+$0xE0], $0x1;
	v1 =	vmov s6  }
.Ltmp14:
0x116: {  	_ = 	snop;
	(pc) =	sbr.rel .LBB2_19-.Ltmp14, $2  }
0x117: {  	_ =	sdelay $0x2  }
0x118: {  	[tilespmem:v1+s3+$0x0], v0 =	vst.idx.ret.add.f32.msk $0x1, v0  }
.LBB2_20:
0x119: {  	p0 =	slt.s32 s2, $0x1  }
.Ltmp15:
0x11a: {  	_ = 	snop;
	(pc) =	sbr.rel @p0 .LBB2_24-.Ltmp15, $3  }
0x11b: {  	_ =	sdelay $0x1  }
0x11c: {  	s0 =	simm.s32 $0x6  }
0x11d: {  	s3 =	simm.s32 $0x0;
	[sflag:s0] =	ssyncpa.u1 $0x1  }
0x11e: {  	s0 =	simm.s32 $0xC0  }
0x11f: {  	v0 =	vld.msk [tilespmem:s0+$0x0], $0x1;
	_ =	sdelay $0x4  }
0x120: {  	(v2sf) =	vpush v0, $0x0;
	_ =	sdelay $0xe  }
0x121: {  	s2 =	sadd.s32 $0xFFFFFFFF, s2;
	s4 =	spop (v2sf)  }
0x122: {  	p1 =	sne.s32 s2, $0x0;
	p0 =	sgt.u32 s4, $0x63FFFFF  }
.Ltmp16:
0x123: {  	s5 =	sshrl.u32 @!p0 s4, $0x3;
	(pc) =	sbr.rel @!p1 .LBB2_23-.Ltmp16, $4  }
0x124: {  	s0 =	simm.s32 $0xE0;
	s4 =	sand.u32 @!p0 $0x7, s4;
	s5 =	sadd.s32 @!p0 s1, s5  }
0x125: {  	[hbm4b:s5+s4] =	stream.linear.scatter @!p0 [tilespmem:s0], [sflag:$0x5], $0x1, $0x38;
	[tilespmem:$0xD410] =	vst v63  }
0x126: {  	s5 =	simm.s32 $0x0  }
0x127: {  	s4 =	simm.s32 $0xC1;
	s5 =	simm.s32 @!p0 $0x4  }
.LBB2_22:
0x128: {  	v0 =	vld.msk [tilespmem:s4+$0x0], $0x1;
	s2 =	sadd.s32 $0xFFFFFFFF, s2;
	s3 =	sadd.s32 s3, s5  }
0x129: {  	p0 =	sne.s32 s2, $0x0;
	_ =	sdelay $0x3  }
0x12a: {  	(v2sf) =	vpush v0, $0x0;
	_ =	sdelay $0xe  }
.Ltmp17:
0x12b: {  	s6 =	spop (v2sf);
	(pc) =	sbr.rel @p0 .LBB2_22-.Ltmp17, $4  }
0x12c: {  	s5 =	simm.s32 $0x0;
	p1 =	sgt.u32 s6, $0x63FFFFF  }
0x12d: {  	s0 =	sadd.s32 $0x1, s0;
	s5 =	simm.s32 @!p1 $0x4;
	s7 =	sshrl.u32 @!p1 s6, $0x3  }
0x12e: {  	s4 =	sadd.s32 $0x1, s4;
	s6 =	sand.u32 @!p1 $0x7, s6;
	s7 =	sadd.s32 @!p1 s1, s7  }
0x12f: {  	[hbm4b:s7+s6] =	stream.linear.scatter @!p1 [tilespmem:s0], [sflag:$0x5], $0x1, $0x38;
	[tilespmem:$0xD410] =	vst v63  }
.LBB2_23:
0x130: {  	s0 =	sadd.s32 s3, s5  }
0x131: {  	s3 =	sshrl.u32 s0, $0x2  }
.LBB2_24:
0x132: {  	s0 =	simm.s32 $0x5  }
0x133: {  	_ =	swait.ge [sflag:s0], s3  }
0x134: {  	s1 =	ssub.s32 $0x0, s3;
	[sflag:s0] =	ssyncset.done $0x0  }
0x135: {  	[sflag:s0] =	ssyncadd.s32 s1  }
0x136: {  	[sflag:s0] =	ssyncpa.u1 $0x1  }
0x137: {  	s29 =	simm.s32 $0x1;
	_ =	sfence  }
0x138: {  	s30 =	simm.s32 $0x2;
	[sflag:s29] =	ssyncpa.u1 $0x1  }
0x139: {  	[sflag:s30] =	ssyncpa.u1 $0x1  }
0x13a: {  	_ =	strace $0x9000004D  }
0x13b: {  	[bflag:$0x2] =	sbarrier.arrive $0xFFFF  }
0x13c: {  	s31 =	rddreg [dreg:$0x1]  }
0x13d: {  	s0 =	sadd.s32 $0x100000, s31  }
0x13e: {  	[sflag:s0] =	ssyncadd.tile.s32 $0x1;
	_ =	shalt  }
.Lfunc_end2:
_tile_overlayer_lowered:
.L_overlay_start_2:
0x13f: {  	(tag) =	ssettag $0x2  }
0x140: {  	s0 =	rddreg [dreg:$0x0];
	s2 =	stileid.u32  }
0x141: {  	s1 =	rddreg [dreg:$0x1];
	p0 =	sne.s32 s2, $0x0  }
0x142: {  	s3 =	rddreg [dreg:$0x2];
	[bflag:$0x3] =	sbarrier.arrive $0xFFFF;
	s2 =	simm.s32 @!p0 $0x1C01  }
0x143: {  	[timem:s3], [sflag:s2] =	dma.local @!p0 [hbm:s0], s1  }
0x144: {  	s0 =	simm.s32 @!p0 $0x1  }
0x145: {  	_ =	swait.ge @!p0 [sflag:s0], s1  }
0x146: {  	s1 =	ssub.s32 @!p0 $0x0, s1;
	[sflag:s0] =	ssyncset.done @!p0 $0x0  }
0x147: {  	[sflag:s0] =	ssyncadd.s32 @!p0 s1  }
0x148: {  	[bflag:$0x3] =	sbarrier.arrive $0xFFFF  }
0x149: {  	_ =	shalt  }

// kernel: scatter_offload_async_start
scs
__scs_entry_jumppad:
0x0: {  	(pc) =	sbr.rel $0x88, $3  }
0x1: {  	(tag) =	ssettag $0x0;
	lr =	simm.s32 $0x1  }
0x2: {  	[smem:$0x3F93] =	sst lr;
	_ =	strace $0xD0000000  }
0x3: {  	_ = 	snop  }
0x4: {  	_ = 	snop  }
0x5: {  	_ = 	snop  }
0x6: {  	_ = 	snop  }
0x7: {  	_ = 	snop  }
__scs_overlays_trampoline_lowered:
0x8: {  	[smem:$0x3FA2] =	sst s0  }
0x9: {  	[smem:$0x3FA3] =	sst s1  }
0xa: {  	[smem:$0x3FA4] =	sst s2  }
0xb: {  	[smem:$0x3FA5] =	sst s3  }
0xc: {  	[smem:$0x3FA6] =	sst s4  }
0xd: {  	[smem:$0x3FA7] =	sst s5  }
0xe: {  	[smem:$0x3FA8] =	sst s6  }
0xf: {  	[smem:$0x3FA9] =	sst s7  }
0x10: {  	[smem:$0x3FAA] =	sst s8  }
0x11: {  	[smem:$0x3FAB] =	sst s9;
	s0 =	simm.s32 @!p0 $0x0  }
0x12: {  	s1 =	sld [smem:$0x3F91];
	s0 =	simm.s32 @p0 $0x1  }
0x13: {  	[smem:$0x3FAC] =	sst s0;
	s0 =	simm.s32 @!p1 $0x0  }
0x14: {  	s2 =	sld [smem:$0x3F90];
	s0 =	simm.s32 @p1 $0x1  }
0x15: {  	[smem:$0x3FAD] =	sst s0;
	s0 =	simm.s32 @!p2 $0x0  }
0x16: {  	s3 =	sld [smem:$0x3FDB];
	s0 =	simm.s32 @p2 $0x1  }
0x17: {  	s4 =	simm.s32 $0x1BF5;
	[smem:$0x3FAF] =	sst s0  }
0x18: {  	s0 =	sld [smem:$0x3F92];
	_ =	swait.ge [sflag:s4], $0x0  }
0x19: {  	s7 =	sld [smem:$0x3F93]  }
0x1a: {  	s8 =	sadd.s32 $0xFFFFE003, lr  }
0x1b: {  	s9 =	sadd.s32 $0xFFFFFEF7, lr;
	s5 =	simm.s32 $0xFFFFFFFF;
	p2 =	slt.u32 s8, $0xFFFFF086  }
0x1c: {  	p1 =	slt.u32 s9, $0xF7A;
	s5 =	simm.s32 @!p2 $0x0  }
0x1d: {  	s5 =	simm.s32 @p1 $0x1;
	p0 =	seq.s32 s7, s2  }
0x1e: {  	s7 =	smul.u32 @!p0 $0xF7A, s2;
	p2 =	seq.s32 @!p0 s5, $0x0  }
0x1f: {  	s9 =	smul.u32 $0xF7A, s1;
	s8 =	simm.s32 @!p0 $0x1BF5;
	p2 =	por !p2, p0  }
0x20: {  	[sflag:s8] =	ssyncset.s32 @!p0 $0xFFFFF086;
	s6 =	sadd.s32 @!p0 s3, s7;
	s7 =	simm.s32 @!p0 $0x108  }
0x21: {  	s3 =	sadd.s32 s3, s9;
	s6 =	sadd.s32 @!p0 $0x88, s6;
	s7 =	simm.s32 @p2 $0x1082  }
0x22: {  	[simem:s7], [sflag:s8] =	dma.local @!p0 [hbm:s6], $0xF7A  }
0x23: {  	s9 =	sor.u32 $0xD0000000, s2;
	s6 =	simm.s32 $0x108;
	_ =	swait.ge @!p0 [sflag:s8], $0x0  }
0x24: {  	s3 =	sadd.s32 $0x88, s3;
	s6 =	simm.s32 @!p1 $0x1082;
	[sflag:s4] =	ssyncset.s32 $0xFFFFF086  }
0x25: {  	[simem:s6], [sflag:s4] =	dma.local [hbm:s3], $0xF7A  }
0x26: {  	[smem:$0x3F93] =	sst s1;
	(tag) =	ssettag s2;
	_ =	strace s9  }
0x27: {  	s1 =	sld [smem:$0x3FA3]  }
0x28: {  	s2 =	sld [smem:$0x3FA4]  }
0x29: {  	s4 =	sld [smem:$0x3FA6]  }
0x2a: {  	p0 =	seq.s32 s5, $0x0;
	s5 =	sld [smem:$0x3FA7]  }
0x2b: {  	s6 =	sld [smem:$0x3FA8]  }
0x2c: {  	s7 =	sld [smem:$0x3FA9]  }
0x2d: {  	s3 =	simm.s32 $0x108;
	s8 =	sld [smem:$0x3FAA]  }
0x2e: {  	s3 =	simm.s32 @!p0 $0x1082;
	s9 =	sld [smem:$0x3FAB]  }
0x2f: {  	lr =	sadd.s32 s0, s3;
	s0 =	sld [smem:$0x3FA2]  }
0x30: {  	s3 =	sld [smem:$0x3FA5]  }
0x31: {  	[smem:$0x3FAE] =	sst s10  }
0x32: {  	s10 =	sld [smem:$0x3FAC];
	_ =	sdelay $0x3  }
0x33: {  	p0 =	seq.s32 s10, $0x1;
	s10 =	sld [smem:$0x3FAE];
	_ =	sdelay $0x3  }
0x34: {  	[smem:$0x3FAE] =	sst s10  }
0x35: {  	s10 =	sld [smem:$0x3FAD];
	_ =	sdelay $0x3  }
0x36: {  	p1 =	seq.s32 s10, $0x1;
	s10 =	sld [smem:$0x3FAE];
	_ =	sdelay $0x3  }
0x37: {  	[smem:$0x3FAE] =	sst s10  }
0x38: {  	s10 =	sld [smem:$0x3FAF]  }
0x39: {  	_ = 	snop;
	(pc) =	sbr.ind lr, $3  }
0x3a: {  	_ = 	snop  }
0x3b: {  	_ = 	snop  }
0x3c: {  	p2 =	seq.s32 s10, $0x1;
	s10 =	sld [smem:$0x3FAE]  }
0x3d: {  	_ =	shalt  }
0x3e: {  	_ =	shalt  }
0x3f: {  	_ =	shalt  }
0x40: {  	_ =	shalt  }
0x41: {  	_ =	shalt  }
0x42: {  	_ =	shalt  }
0x43: {  	_ =	shalt  }
0x44: {  	_ =	shalt  }
0x45: {  	_ =	shalt  }
0x46: {  	_ =	shalt  }
0x47: {  	_ =	shalt  }
0x48: {  	_ =	shalt  }
0x49: {  	_ =	shalt  }
0x4a: {  	_ =	shalt  }
0x4b: {  	_ =	shalt  }
0x4c: {  	_ =	shalt  }
0x4d: {  	_ =	shalt  }
0x4e: {  	_ =	shalt  }
0x4f: {  	_ =	shalt  }
0x50: {  	_ =	shalt  }
0x51: {  	_ =	shalt  }
0x52: {  	_ =	shalt  }
0x53: {  	_ =	shalt  }
0x54: {  	_ =	shalt  }
0x55: {  	_ =	shalt  }
0x56: {  	_ =	shalt  }
0x57: {  	_ =	shalt  }
0x58: {  	_ =	shalt  }
0x59: {  	_ =	shalt  }
0x5a: {  	_ =	shalt  }
0x5b: {  	_ =	shalt  }
0x5c: {  	_ =	shalt  }
0x5d: {  	_ =	shalt  }
0x5e: {  	_ =	shalt  }
0x5f: {  	_ =	shalt  }
0x60: {  	_ =	shalt  }
0x61: {  	_ =	shalt  }
0x62: {  	_ =	shalt  }
0x63: {  	_ =	shalt  }
0x64: {  	_ =	shalt  }
0x65: {  	_ =	shalt  }
0x66: {  	_ =	shalt  }
0x67: {  	_ =	shalt  }
0x68: {  	_ =	shalt  }
0x69: {  	_ =	shalt  }
0x6a: {  	_ =	shalt  }
0x6b: {  	_ =	shalt  }
0x6c: {  	_ =	shalt  }
0x6d: {  	_ =	shalt  }
0x6e: {  	_ =	shalt  }
0x6f: {  	_ =	shalt  }
0x70: {  	_ =	shalt  }
0x71: {  	_ =	shalt  }
0x72: {  	_ =	shalt  }
0x73: {  	_ =	shalt  }
0x74: {  	_ =	shalt  }
0x75: {  	_ =	shalt  }
0x76: {  	_ =	shalt  }
0x77: {  	_ =	shalt  }
0x78: {  	_ =	shalt  }
0x79: {  	_ =	shalt  }
0x7a: {  	_ =	shalt  }
0x7b: {  	_ =	shalt  }
0x7c: {  	_ =	shalt  }
0x7d: {  	_ =	shalt  }
0x7e: {  	_ =	shalt  }
0x7f: {  	_ =	shalt  }
0x80: {  	_ =	shalt  }
0x81: {  	_ =	shalt  }
0x82: {  	_ =	shalt  }
0x83: {  	_ =	shalt  }
0x84: {  	_ =	shalt  }
0x85: {  	_ =	shalt  }
0x86: {  	_ =	shalt  }
0x87: {  	_ =	shalt  }
.Lfunc_end0:
.L_simem_size_0:
called_computation_lowered:
.L_overlay_start_0:
0x88: {  	s0 =	sld [smem:$0x3FD9]  }
0x89: {  	s1 =	sld [smem:$0x3FFE];
	_ =	sdelay $0x3  }
0x8a: {  	s0 =	sadd.s32 s1, s0  }
0x8b: {  	[smem:$0x3FBA] =	sst s0  }
0x8c: {  	_ = 	snop  }
0x8d: {  	(tm) =	ssettm $0x1  }
0x8e: {  	s15 =	sld [smem:$0x3FFB];
	_ =	sdelay $0x3  }
0x8f: {  	_ =	strace s15  }
0x90: {  	s0 =	sld [smem:$0x3FFC];
	_ =	sdelay $0x3  }
0x91: {  	_ =	strace s0  }
0x92: {  	s0 =	sld [smem:$0x3FFD];
	_ =	sdelay $0x3  }
0x93: {  	_ =	strace s0  }
0x94: {  	_ =	strace $0x8FFFFFFF  }
0x95: {  	s16 =	sld [smem:$0x3FDB];
	_ =	sdelay $0x1  }
0x96: {  	s17 =	simm.s32 $_scs_section_size  }
0x97: {  	s2 =	simm.s32 $_size__tile_overlayer_lowered;
	s3 =	simm.s32 $_tile_overlayer_lowered  }
0x98: {  	s20 =	simm.s32 $0x1BFF;
	s19 =	sshll.u32 s3, $0x1;
	s0 =	sadd.s32 s17, s16  }
0x99: {  	s4 =	simm.s32 $0x0;
	s18 =	sshll.u32 s2, $0x1;
	s2 =	sadd.s32 s19, s0  }
0x9a: {  	[timem:s4], [sflag:s20] =	dma.local [hbm:s2], s18  }
0x9b: {  	_ =	swait.ge [sflag:s20], s18  }
0x9c: {  	s1 =	ssub.s32 $0x0, s18;
	[sflag:s20] =	ssyncset.done $0x0  }
0x9d: {  	[sflag:s20] =	ssyncadd.s32 s1;
	_ =	sdelay $0x1  }
0x9e: {  	s21 =	simm.s32 $0x1B8B  }
0x9f: {  	_ =	swait.ge [sflag:s21], $0x1  }
0xa0: {  	[sflag:s21] =	ssyncset.done $0x0  }
0xa1: {  	s23 =	simm.s32 $0x1B8E;
	s22 =	sld [smem:$0x3FFE];
	[sflag:s21] =	ssyncadd.s32 $0xFFFFFFFF  }
0xa2: {  	s24 =	simm.s32 $execute0_lowered;
	[smem:$0x3FD2] =	sst s23  }
0xa3: {  	s2 =	sshll.u32 s24, $0x1;
	_ =	strace $0x80000046;
	[dreg:$0x1] =	wrdreg $0xFFFFFFFF  }
0xa4: {  	s25 =	simm.s32 $_size_execute0_lowered;
	s0 =	sadd.s32 s0, s2;
	[dreg:$0x0] =	wrdreg $0x0  }
0xa5: {  	s2 =	sshll.u32 s25, $0x1;
	[dreg:$0x2] =	wrdreg s0  }
0xa6: {  	[dreg:$0x3] =	wrdreg s2  }
0xa7: {  	[dreg:$0x4] =	wrdreg $0xC0  }
0xa8: {  	_ =	task [dreg:s4], $0x5FFFF  }
0xa9: {  	[dreg:$0x1] =	wrdreg $0xFFFFFFFF  }
0xaa: {  	[dreg:$0x0] =	wrdreg $0x60  }
0xab: {  	[dreg:$0x2] =	wrdreg s22  }
0xac: {  	[dreg:$0x3] =	wrdreg $0x9  }
0xad: {  	_ =	task.clear_ibuf [dreg:s4], $0x4FFFF;
	_ =	strace $0x90000046  }
0xae: {  	s26 =	simm.s32 $0x9;
	_ =	strace $0x80000048  }
0xaf: {  	_ =	swait.ge [sflag:s26], $0x1  }
0xb0: {  	[sflag:s26] =	ssyncadd.s32 $0xFFFFFFFF  }
0xb1: {  	_ =	strace $0x90000048  }
0xb2: {  	_ =	sfence  }
0xb3: {  	s28 =	sld [smem:$0x0];
	_ =	sdelay $0x1  }
0xb4: {  	s29 =	srdreg.scid  }
0xb5: {  	s30 =	sshll.u32 s29, $0xD;
	s31 =	sshrl.u32 s29, $0x2  }
0xb6: {  	s1 =	sand.u32 $0x1, s29;
	s2 =	sand.u32 $0x4000, s30;
	s0 =	sadd.s32 s31, s28  }
0xb7: {  	s1 =	sor.u32 s2, s1;
	s0 =	sshll.u32 s0, $0x11  }
0xb8: {  	s0 =	sor.u32 s0, s1  }
0xb9: {  	s0 =	sadd.s32 $0x8F2B, s0  }
0xba: {  	[sflag:s0] =	ssyncadd.remote.s32 $0x1  }
0xbb: {  	_ =	sfence.sel $0xFFFF  }
0xbc: {  	[dreg:$0x0] =	wrdreg $0xFFFFFFFF;
	(pc) =	sbr.abs _section_cstart, $3  }
0xbd: {  	[dreg:$0x1] =	wrdreg $0xFFFFFFFF  }
0xbe: {  	_ =	task.clear_ibuf [dreg:s4], $0x2FFFF;
	_ =	strace $0x9FFFFFFF  }
0xbf: {  	(tm) =	ssettm $0x7FFFFFFF  }
tec
execute0_lowered:
.L_overlay_start_1:
0x0: {  	(tag) =	ssettag $0x1  }
0x1: {  	s0 =	rddreg [dreg:$0x0]  }
0x2: {  	s14 =	stileid.u32;
	_ =	strace $0x80000047;
	s2 =	simm.s32 $0x1  }
0x3: {  	v1 =	vimm.s32 $0xFFFFFFFF;
	s1 =	smin.u32 s14, $0x4;
	[sflag:s2] =	ssyncpa.u1 $0x0  }
0x4: {  	s1 =	sadd.s32 s14, s1;
	[tilespmem:$0x10] =	vst v1  }
0x5: {  	v0 =	vimm.f32 $0.0e+00;
	p0 =	slt.u32 s14, $0x4;
	[tilespmem:$0x20] =	vst v1;
	s3 =	smul.u32 $0x1F40, s1;
	s1 =	simm.s32 $0x3E80  }
0x6: {  	[tilespmem:$0x30] =	vst v0;
	s1 =	simm.s32 @!p0 $0x1F40  }
0x7: {  	[tilespmem:$0x40] =	vst v0;
	s1 =	sadd.s32 s1, s3  }
0x8: {  	[tilespmem:$0x50] =	vst v0;
	s4 =	smin.u32 s1, $0x27100  }
0x9: {  	[tilespmem:$0x60] =	vst v1;
	s9 =	ssub.s32 s4, s3  }
0xa: {  	s7 =	simm.s32 $0x2;
	s8 =	simm.s32 $0x8;
	[tilespmem:$0x70] =	vst v1;
	p0 =	sgt.s32 s9, $0x0  }
0xb: {  	s31 =	simm.s32 $0x9;
	s16 =	simm.s32 $0x0;
	[tilespmem:$0x80] =	vst v1;
	s9 =	simm.s32 @!p0 $0x0  }
0xc: {  	s17 =	simm.s32 $0xF0;
	s18 =	simm.s32 $0xFFFFFFFF;
	v1 =	vimm.s32 $0x0;
	[tilespmem:$0xB0] =	vst v0;
	s5 =	smulhi.u32 $0x10624DD3, s9  }
0xd: {  	s19 =	simm.s32 $0xFFFFC280;
	s20 =	simm.s32 $0xFFFFFFFE;
	s21 =	simm.s32 $0xF;
	[tilespmem:$0x90] =	vst v1  }
0xe: {  	[tilespmem:$0xA0] =	vst v1;
	[sflag:s7] =	ssyncpa.u1 $0x0;
	s7 =	simm.s32 $0x7;
	s10 =	sshrl.u32 s5, $0x9  }
0xf: {  	s25 =	simm.s32 $0x0;
	[sflag:s7] =	ssyncpa.u1 $0x0;
	s11 =	smul.u32 $0x1F40, s10  }
0x10: {  	s24 =	simm.s32 $0x0;
	s6 =	sadd.s32 $0x42800, s0;
	[sflag:s8] =	ssyncpa.u1 $0x0  }
.Ltmp0:
0x11: {  	s23 =	smov.u32 s3;
	p0 =	sne.s32 s9, s11;
	(pc) =	sbr.rel .LBB2_1-.Ltmp0, $4  }
0x12: {  	s1 =	sadd.s32 $0x4C800, s0;
	[sflag:s31] =	ssyncpa.u1 $0x0;
	s2 =	simm.s32 @!p0 $0x0  }
0x13: {  	s5 =	sadd.s32 $0x3D800, s0;
	p0 =	por $0x0, $0x0;
	s9 =	sadd.s32 s2, s10  }
0x14: {  	vm0 =	vmmov $0xffff;
	v2 =	vlaneseq.u32;
	s10 =	sshll.u32 s14, $0x1;
	s14 =	sshllo.u32 s14, $0x1;
	s11 =	sadd.s32 $0x1, s9  }
0x15: {  	vm1 =	vmxor vm1, vm1;
	vm2 =	vmmov $0x1;
	vm3 =	vcmask $0x3F3C;
	s12 =	sadd.s32 $0x2, s9;
	s13 =	sor.u32 $0x81, s10;
	s15 =	sor.u32 $0x80, s10  }
.LBB2_9:
0x16: {  	p1 =	slt.u32 s24, $0x3  }
0x17: {  	s0 =	simm.s32 @!p1 $0x2  }
0x18: {  	_ =	swait.ge @!p1 [sflag:s0], $0x1F40  }
0x19: {  	[sflag:s0] =	ssyncset.done @!p1 $0x0  }
0x1a: {  	[sflag:s0] =	ssyncadd.s32 @!p1 $0xFFFFE0C0;
	s0 =	simm.s32 @!p1 $0x9  }
0x1b: {  	_ =	swait.ge @!p1 [sflag:s0], $0x10  }
0x1c: {  	[sflag:s0] =	ssyncset.done @!p1 $0x0  }
0x1d: {  	[sflag:s0] =	ssyncadd.s32 @!p1 $0xFFFFFFF0;
	p1 =	sne.s32 s24, s12  }
.Ltmp1:
0x1e: {  	s2 =	sadd.s32 $0x1F40, s23;
	(pc) =	sbr.rel @!p1 .LBB2_10-.Ltmp1, $4  }
0x1f: {  	s22 =	smov.u32 s3;
	s31 =	sadd.s32 $0x1, s24;
	s17 =	sadd.s32 $0x1F40, s17  }
0x20: {  	s18 =	sadd.s32 $0x1, s18;
	s25 =	smov.u32 s23;
	p2 =	slt.s32 s2, s4  }
0x21: {  	p0 =	por !p0, !p0;
	s19 =	sadd.s32 $0x1F40, s19;
	s22 =	smov.u32 @p2 s2  }
0x22: {  	s20 =	sadd.s32 $0x1, s20;
	s23 =	smov.u32 s22;
	s24 =	smov.u32 s31  }
.LBB2_1:
0x23: {  	p1 =	sge.u32 s24, s9  }
0x24: {  	s0 =	smulhi.u32 @!p1 $0xAAAAAAAB, s24;
	_ =	sdelay $0x1  }
0x25: {  	s0 =	sshrl.u32 @!p1 s0, $0x1  }
0x26: {  	s0 =	smul.u32 @!p1 $0x3, s0;
	_ =	sdelay $0x1  }
0x27: {  	s0 =	ssub.s32 @!p1 s24, s0  }
0x28: {  	s0 =	smul.u32 @!p1 $0x7D00, s0;
	_ =	sdelay $0x1  }
0x29: {  	s2 =	sshrl.u32 @!p1 s23, $0x3;
	s0 =	sshrl.u32 @!p1 s0, $0x2  }
0x2a: {  	s22 =	sand.u32 @!p1 $0x7, s23;
	s2 =	sadd.s32 @!p1 s5, s2;
	s0 =	sadd.s32 @!p1 $0x100, s0  }
0x2b: {  	[tilespmem:s0], [sflag:$0x7] =	stream.linear.gather @!p1 [hbm4b:s2+s22], $0x1F40, $0x38;
	[tilespmem:$0x11A60] =	vst v63  }
0x2c: {  	s0 =	sadd.s32 $0xFFFFFFFF, s24  }
0x2d: {  	p1 =	sge.u32 s0, s9  }
.Ltmp2:
0x2e: {  	_ = 	snop;
	(pc) =	sbr.rel @p1 .LBB2_5-.Ltmp2, $1  }
0x2f: {  	_ =	sdelay $0x3  }
0x30: {  	s2 =	smulhi.u32 $0xAAAAAAAB, s0;
	_ =	sdelay $0x1  }
0x31: {  	s2 =	sshrl.u32 s2, $0x1  }
0x32: {  	s2 =	smul.u32 $0x3, s2;
	_ =	sdelay $0x1  }
0x33: {  	s2 =	ssub.s32 s0, s2  }
0x34: {  	s2 =	smul.u32 $0x7D00, s2  }
0x35: {  	_ =	swait.ge [sflag:s7], $0x1F40  }
0x36: {  	[sflag:s7] =	ssyncset.done $0x0;
	s2 =	sshrl.u32 s2, $0x2  }
0x37: {  	[sflag:s7] =	ssyncadd.s32 $0xFFFFE0C0;
	(ifvalue) =	ssetifvalue $0xFFFFFFFF;
	v3 =	vld.msk [tilespmem:s2+$0x100 ss:$0x1], $0xffff;
	_ =	sdelay $0x2  }
0x38: {  	s30 =	smulhi.u32 $0xAAAAAAAB, s18;
	p1 =	sne.s32 s24, $0x1  }
0x39: {  	v4 =	vimm.s32 @!p1 $0x0  }
0x3a: {  	s2 =	sshrl.u32 s30, $0x1;
	v4 =	vperm.xlane @!p1 v3, v4  }
0x3b: {  	s22 =	sshll.u32 s24, $0x4;
	s2 =	smul.u32 $0xFFFE8900, s2;
	vm4 =	vlt.u32 v3, $0x5000  }
0x3c: {  	s22 =	sand.u32 $0x10, s22;
	v3 =	vnsel vm4, $0xFFFFFFFE, v3;
	vm4 =	vlt.u32 @!p1 v4, $0x5000  }
0x3d: {  	s2 =	sshra.s32 s2, $0x2;
	[tilespmem:s22+$0x60] =	vst v3;
	v3 =	vnsel @!p1 vm4, $0xFFFFFFFE, v4  }
0x3e: {  	s28 =	sadd.s32 s2, s17;
	[tilespmem:$0x80] =	vst @!p1 v3  }
0x3f: {  	v3 =	vld.msk [tilespmem:s28+$0x0 ss:$0x1], $0xffff;
	_ =	sdelay $0x4  }
0x40: {  	(xrf1) =	vunique.msk.u32 $0xffff, v3;
	_ =	sdelay $0xd  }
0x41: {  	v4 =	vimm.s32 $0xFFFFFFFF;
	v5, _, _ =	vpop (xrf1)  }
0x42: {  	vm5 =	vne.s32 v3, v4;
	vm4 =	veq.s32 v5, v2  }
0x43: {  	vm6 =	vlt.u32 v3, $0x5000;
	vm4 =	vmand vm5, vm4  }
0x44: {  	vm4 =	vmand vm6, vm4  }
0x45: {  	v4 =	vnsel vm4, $0xFFFFFFFF, v3  }
0x46: {  	s31 =	sand.u32 $0x1, s0  }
0x47: {  	s0 =	simm.s32 $0x1F40;
	p1 =	seq.s32 s31, $0x1  }
0x48: {  	s0 =	simm.s32 @!p1 $0x0  }
0x49: {  	s26 =	sadd.s32 $0x7DF0, s0;
	(ifvalue) =	ssetifvalue $0xFFFFFFFF  }
0x4a: {  	v3 =	vperm.xlane v3, v1;
	[tilespmem:s26], [sflag:$0x8] =	stream.indirect_vreg.gather [hbm4b:s1+s16], $0x1, v4, vm0, $0x4038;
	v4 =	vnsel vm6, $0xFFFFFFFE, v4;
	[tilespmem:$0x11A60] =	vst v63  }
0x4b: {  	s2 =	simm.s32 $0x0;
	s22 =	sadd.s32 $0xFFFFFFF0, s28;
	[tilespmem:s28+$0x0] =	vst v4  }
.LBB2_3:
0x4c: {  	v4 =	vld.msk [tilespmem:s22+$0x0 ss:$0x1], $0xffff;
	s2 =	sadd.s32 $0x10, s2;
	v5 =	vmov v3;
	s28 =	smov.u32 s22  }
0x4d: {  	p1 =	slt.u32 s2, $0x1F30;
	_ =	sdelay $0x4  }
0x4e: {  	v3 =	vperm.xlane v4, v1;
	(xrf1) =	vunique.msk.u32 $0xffff, v4;
	_ =	sdelay $0xd  }
0x4f: {  	v6, _, _ =	vpop (xrf1)  }
0x50: {  	vm5 =	vne.s32 v4, v5;
	vm4 =	veq.s32 v6, v2  }
0x51: {  	vm6 =	vlt.u32 v4, $0x5000;
	vm4 =	vmand vm5, vm4  }
0x52: {  	vm4 =	vmand vm6, vm4  }
0x53: {  	v4 =	vnsel vm4, $0xFFFFFFFF, v4  }
.Ltmp3:
0x54: {  	v5 =	vnsel vm6, $0xFFFFFFFE, v4;
	(pc) =	sbr.rel @p1 .LBB2_3-.Ltmp3, $3  }
0x55: {  	_ =	sdelay $0x1  }
0x56: {  	s22 =	sadd.s32 $0xFFFFFFF0, s22;
	s26 =	sadd.s32 $0xFFFFFFF0, s26;
	(ifvalue) =	ssetifvalue $0xFFFFFFFF  }
0x57: {  	[tilespmem:s26], [sflag:$0x8] =	stream.indirect_vreg.gather [hbm4b:s1+s16], $0x1, v4, vm0, $0x4038;
	[tilespmem:s28+$0x0] =	vst v5  }
0x58: {  	s2 =	sshrl.u32 s25, $0x3  }
0x59: {  	s0 =	sadd.s32 $0x9D40, s0;
	s2 =	sadd.s32 s6, s2  }
0x5a: {  	[tilespmem:s0], [sflag:$0x8] =	stream.linear.gather [hbm:s2], $0x1F40, $0x38;
	[tilespmem:$0x11A60] =	vst v63  }
.LBB2_5:
0x5b: {  	p1 =	slt.u32 s24, $0x2  }
0x5c: {  	p2 =	sge.u32 @!p1 s24, s12  }
0x5d: {  	p1 =	por p1, p2  }
.Ltmp4:
0x5e: {  	_ = 	snop;
	(pc) =	sbr.rel @p1 .LBB2_9-.Ltmp4, $1  }
0x5f: {  	_ =	sdelay $0x3  }
0x60: {  	s0 =	sadd.s32 $0xFFFFFFFE, s24  }
0x61: {  	s2 =	smulhi.u32 $0xAAAAAAAB, s0;
	_ =	sdelay $0x1  }
0x62: {  	s2 =	sshrl.u32 s2, $0x1  }
0x63: {  	s2 =	smul.u32 $0x3, s2;
	_ =	sdelay $0x1  }
0x64: {  	s0 =	ssub.s32 s0, s2  }
0x65: {  	_ =	swait.ge [sflag:s8], $0x3E80;
	s0 =	smul.u32 $0x1F40, s0  }
0x66: {  	p1 =	sne.s32 s24, s11;
	[sflag:s8] =	ssyncset.done $0x0  }
0x67: {  	[sflag:s8] =	ssyncadd.s32 $0xFFFFC180;
	s2 =	sadd.s32 @!p1 $0x203F, s0  }
0x68: {  	[spmem:s13] =	stream.linear.scatter @!p1 [tilespmem:s2], [sflag:$0x1], $0x1, $0x38;
	[tilespmem:$0x11A60] =	vst v63  }
0x69: {  	s2 =	simm.s32 @!p1 $0x1  }
0x6a: {  	_ =	swait.ge @!p1 [sflag:s2], $0x1  }
0x6b: {  	s22 =	sshll.u32 s24, $0x4;
	[sflag:s2] =	ssyncset.done @!p1 $0x0  }
0x6c: {  	s25 =	sand.u32 $0x10, s22;
	[sflag:s2] =	ssyncadd.s32 @!p1 $0xFFFFFFFF  }
0x6d: {  	s2 =	sxor.u32 $0x10, s25;
	v4 =	vld [tilespmem:s25+$0x10]  }
0x6e: {  	v5 =	vld [tilespmem:s2+$0x60]  }
0x6f: {  	v3 =	vld [tilespmem:$0x80];
	_ =	sdelay $0x2  }
0x70: {  	(v2sf) =	vpush v4, $0x0  }
0x71: {  	(v2sf) =	vpush v5, $0x0  }
0x72: {  	(v2sf) =	vpush v3, $0x0;
	_ =	sdelay $0xc  }
0x73: {  	s22 =	spop (v2sf)  }
0x74: {  	s26 =	spop (v2sf)  }
0x75: {  	s28 =	spop (v2sf)  }
0x76: {  	p2 =	seq.s32 s22, s26;
	p3 =	seq.s32 s28, s22  }
0x77: {  	p3 =	por p2, p3  }
0x78: {  	s26 =	sand.u32 $0x1, s24;
	v4 =	vpsel p3, $0xFFFFFFFF, v4  }
0x79: {  	s29 =	smul.u32 $0x1F40, s26;
	[tilespmem:s25+$0x10] =	vst.msk $0x1, v4  }
0x7a: {  	v4 =	vld [tilespmem:$0x30]  }
0x7b: {  	v5 =	vld [tilespmem:s29+$0x9D40]  }
0x7c: {  	v6 =	vld [tilespmem:s25+$0x40];
	_ =	sdelay $0x3  }
0x7d: {  	vm4 =	vmmov vm1;
	v5 =	vadd.f32 v5, v4  }
0x7e: {  	vm5 =	vmmov vm2;
	vm4 =	vmmov @p2 vm2;
	s22 =	sshll.u32 s26, $0x4;
	v4 =	vadd.f32 v6, v4  }
0x7f: {  	s26 =	sor.u32 $0x11A40, s22;
	vm5 =	vmmov @p3 vm1;
	[tilespmem:s29+$0x9D40] =	vst.msk vm4, v5  }
0x80: {  	[tilespmem:s26+$0x0] =	vst.msk vm5, v4  }
0x81: {  	v4 =	vld [tilespmem:s29+$0x7DF0];
	_ =	sdelay $0x3  }
0x82: {  	v5 =	vimm.f32 $0.0e+00  }
0x83: {  	v4 =	vshift.insert v4, v5, s21  }
0x84: {  	s22 =	sor.u32 $0x40, s2  }
0x85: {  	[tilespmem:s22+$0x0] =	vst.msk $0x1, v4  }
0x86: {  	[tilespmem:s29+$0x7DFF] =	vst.msk $0x1, v5  }
0x87: {  	v4 =	vld [tilespmem:s0+$0x2030];
	_ =	sdelay $0x1  }
0x88: {  	s22 =	smulhi.u32 $0xAAAAAAAB, s20;
	s0 =	simm.s32 $0x1  }
0x89: {  	s0 =	simm.s32 @!p0 $0x0  }
0x8a: {  	s22 =	sshrl.u32 s22, $0x1;
	s0 =	smul.u32 $0x7D00, s0  }
0x8b: {  	s22 =	smul.u32 $0xFFFE8900, s22;
	v4 =	vshift.insert v4, v1, s21  }
0x8c: {  	s0 =	sshrl.u32 s0, $0x2  }
0x8d: {  	s22 =	sshra.s32 s22, $0x2;
	s30 =	sadd.s32 $0x9D40, s0;
	[tilespmem:s2+$0x10] =	vst.msk $0x1, v4  }
0x8e: {  	s22 =	sadd.s32 s22, s19;
	v6 =	vld [tilespmem:s30+$0x0]  }
0x8f: {  	v7 =	vld [tilespmem:s22+$0x0];
	_ =	sdelay $0x3  }
0x90: {  	v5 =	vadd.f32 v6, v5  }
0x91: {  	vm4 =	vne.s32 v7, $0xFFFFFFFF  }
0x92: {  	(xrf2) =	vadd.seg.scan.f32 vm4, v5;
	_ =	sdelay $0x3  }
0x93: {  	s31 =	sadd.s32 $0x5EC0, s0;
	v5 =	vperm.xlane v4, v1  }
0x94: {  	v6 =	vld [tilespmem:s31+$0x0]  }
0x95: {  	vm5 =	veq.s32 v7, v3;
	vm6 =	veq.s32 v7, v5  }
0x96: {  	vm7 =	vgt.u32 v7, $0xFFFFFFFD;
	vm6 =	vmor vm6, vm5  }
0x97: {  	vm6 =	vmor vm6, vm7  }
0x98: {  	v9 =	vld [tilespmem:$0xA0];
	v7 =	vsel vm6, $0xFFFFFFFF, v7  }
0x99: {  	v10 =	vld [tilespmem:$0x90];
	v6 =	vsel vm5, $0x0, v6;
	v8, _, _ =	vpop (xrf2)  }
0x9a: {  	v6 =	vadd.f32 v8, v6  }
0x9b: {  	s0 =	sadd.s32 $0xDBC0, s0  }
0x9c: {  	vm4 =	vmand vm4, vm3;
	[tilespmem:s0+$0x0] =	vst v6;
	(ifvalue) =	ssetifvalue $0xFFFFFFFF  }
0x9d: {  	vm6 =	veq.s32 v9, $0x1;
	[hbm4b:s1+s16] =	stream.indirect_vreg.scatter [tilespmem:s0], [sflag:$0x2], $0x1, v7, vm0, $0x4038;
	v7 =	vsel vm4, $0x0, v8;
	[tilespmem:$0x11A60] =	vst v63  }
0x9e: {  	s2 =	simm.s32 $0x0;
	s22 =	sadd.s32 $0x10, s22;
	vm4 =	vmor vm6, vm5;
	v6 =	vsel vm5, v8, v10;
	v7 =	vshift.insert v7, v0, s21  }
.LBB2_7:
0x9f: {  	v8 =	vld [tilespmem:s22+$0x0];
	s30 =	sadd.s32 $0x10, s30  }
0xa0: {  	s31 =	sadd.s32 $0x10, s31;
	v9 =	vld [tilespmem:s30+$0x0]  }
0xa1: {  	s2 =	sadd.s32 $0x10, s2;
	v10 =	vld [tilespmem:s31+$0x0]  }
0xa2: {  	p2 =	slt.u32 s2, $0x1F30;
	_ =	sdelay $0x2  }
0xa3: {  	v7 =	vadd.f32 v9, v7  }
0xa4: {  	vm5 =	vne.s32 v8, $0xFFFFFFFF  }
0xa5: {  	vm6 =	vmand vm5, vm3;
	(xrf2) =	vadd.seg.scan.f32 vm5, v7;
	_ =	sdelay $0x5  }
0xa6: {  	vm7 =	veq.s32 v8, v5;
	vm5 =	veq.s32 v8, v3  }
0xa7: {  	vm8 =	vgt.u32 v8, $0xFFFFFFFD;
	vm4 =	vmor vm4, vm5;
	vm7 =	vmor vm7, vm5  }
0xa8: {  	vm7 =	vmor vm7, vm8  }
0xa9: {  	v8 =	vsel vm7, $0xFFFFFFFF, v8  }
.Ltmp5:
0xaa: {  	v7 =	vsel vm5, $0x0, v10;
	v9, _, _ =	vpop (xrf2);
	(pc) =	sbr.rel @p2 .LBB2_7-.Ltmp5, $4  }
0xab: {  	v6 =	vsel vm5, v9, v6;
	v10 =	vadd.f32 v9, v7;
	v7 =	vsel vm6, $0x0, v9  }
0xac: {  	s0 =	sadd.s32 $0x10, s0;
	v7 =	vshift.insert v7, v0, s21  }
0xad: {  	s22 =	sadd.s32 $0x10, s22;
	[tilespmem:s0+$0x0] =	vst v10;
	(ifvalue) =	ssetifvalue $0xFFFFFFFF  }
0xae: {  	[hbm4b:s1+s16] =	stream.indirect_vreg.scatter [tilespmem:s0], [sflag:$0x2], $0x1, v8, vm0, $0x4038;
	[tilespmem:$0x11A60] =	vst v63  }
0xaf: {  	v3 =	vld [tilespmem:s29+$0xFAF0];
	_ =	sdelay $0x4  }
0xb0: {  	v3 =	vshift.insert v3, v0, s21  }
0xb1: {  	s0 =	simm.s32 $0x30  }
0xb2: {  	[tilespmem:s0+$0x0] =	vst.msk $0x1, v3  }
0xb3: {  	v3 =	vsel vm4, $0x1, v1;
	[tilespmem:$0x90] =	vst v6  }
0xb4: {  	s0 =	sadd.s32 @!p1 $0xFAFF, s29;
	[tilespmem:$0xA0] =	vst v3  }
0xb5: {  	[spmem:s14] =	stream.linear.scatter @!p1 [tilespmem:s0], [sflag:$0x1], $0x1, $0x38;
	[tilespmem:$0x11A60] =	vst v63  }
0xb6: {  	s0 =	simm.s32 @!p1 $0x1  }
0xb7: {  	v3 =	vmctz.xlane @!p1 vm4;
	_ =	swait.ge @!p1 [sflag:s0], $0x1  }
0xb8: {  	(v2sf) =	vpush @!p1 v4, $0x0  }
0xb9: {  	(v2sf) =	vpush @!p1 v3, $0x0;
	_ =	sdelay $0xd  }
0xba: {  	s2 =	spop @!p1 (v2sf)  }
0xbb: {  	s22 =	spop @!p1 (v2sf)  }
0xbc: {  	p2 =	sne.s32 @!p1 s28, s2;
	p3 =	slt.s32 @!p1 s22, $0xF  }
0xbd: {  	[sflag:s0] =	ssyncset.done @!p1 $0x0;
	p2 =	por p2, p1;
	p3 =	por !p3, p1  }
0xbe: {  	[sflag:s0] =	ssyncadd.s32 @!p1 $0xFFFFFFFF;
	v3 =	vimm.s32 @!p2 $0xFFFFFFFF;
	s22 =	simm.s32 @p3 $0xF  }
0xbf: {  	[tilespmem:$0x80] =	vst @!p2 v3;
	s2 =	sadd.s32 @!p1 $0x90, s22  }
0xc0: {  	[spmem:s10] =	stream.linear.scatter @!p1 [tilespmem:s2], [sflag:$0x1], $0x1, $0x38;
	[tilespmem:$0x11A60] =	vst v63  }
0xc1: {  	_ =	swait.ge @!p1 [sflag:s0], $0x1  }
0xc2: {  	[sflag:s0] =	ssyncset.done @!p1 $0x0  }
0xc3: {  	s2 =	simm.s32 @!p1 $0x80;
	[sflag:s0] =	ssyncadd.s32 @!p1 $0xFFFFFFFF  }
0xc4: {  	[spmem:s15] =	stream.linear.scatter @!p1 [tilespmem:s2], [sflag:$0x1], $0x1, $0x38;
	[tilespmem:$0x11A60] =	vst v63  }
0xc5: {  	_ =	swait.ge @!p1 [sflag:s0], $0x1  }
0xc6: {  	[sflag:s0] =	ssyncset.done @!p1 $0x0  }
0xc7: {  	[sflag:s0] =	ssyncadd.s32 @!p1 $0xFFFFFFFF;
	(ifvalue) =	ssetifvalue $0xFFFFFFFF;
	v3 =	vld [tilespmem:s25+$0x10];
	_ =	sdelay $0x3  }
.Ltmp6:
0xc8: {  	_ = 	snop;
	(pc) =	sbr.rel .LBB2_9-.Ltmp6, $3  }
0xc9: {  	_ =	sdelay $0x1  }
0xca: {  	(ifvalue) =	ssetifvalue $0xFFFFFFFF  }
0xcb: {  	[hbm4b:s1+s16] =	stream.indirect_vreg.scatter [tilespmem:s26], [sflag:$0x9], $0x1, v3, vm0, $0x4038;
	[tilespmem:$0x11A60] =	vst v63  }
.LBB2_10:
0xcc: {  	_ =	sfence.sel $0x180000  }
0xcd: {  	s0 =	simm.s32 $0x7;
	[bflag:$0x0] =	sbarrier.arrive $0xFFFF  }
0xce: {  	s26 =	simm.s32 $0x8;
	[sflag:s0] =	ssyncpa.u1 $0x1  }
0xcf: {  	s28 =	simm.s32 $0x9;
	[sflag:s26] =	ssyncpa.u1 $0x1  }
0xd0: {  	[sflag:s28] =	ssyncpa.u1 $0x1  }
0xd1: {  	_ =	sfence.stream.spmem  }
0xd2: {  	s29 =	simm.s32 $0x3;
	[bflag:$0x0] =	sbarrier.arrive $0xFFFF  }
0xd3: {  	s30 =	simm.s32 $0x4;
	[sflag:s29] =	ssyncpa.u1 $0x1  }
0xd4: {  	s31 =	simm.s32 $0x3C;
	s2 =	stileid.u32;
	[sflag:s30] =	ssyncpa.u1 $0x1  }
0xd5: {  	p0 =	sne.s32 s2, $0x0;
	[sflag:s31] =	ssyncpa.u1 $0x1  }
0xd6: {  	s0 =	simm.s32 @p0 $0x1;
	_ =	sfence @p0  }
0xd7: {  	[sflag:s0] =	ssyncpa.u1 @p0 $0x1;
	s0 =	simm.s32 @p0 $0x2  }
0xd8: {  	[sflag:s0] =	ssyncpa.u1 @p0 $0x1  }
0xd9: {  	_ =	strace @p0 $0x90000047  }
0xda: {  	[bflag:$0x2] =	sbarrier.arrive @p0 $0xFFFF  }
0xdb: {  	_ =	shalt @p0  }
.LBB2_11:
0xdc: {  	_ =	sfence.stream.spmem;
	s0 =	simm.s32 $0x5  }
0xdd: {  	s2 =	simm.s32 $0x80;
	s3 =	simm.s32 $0xC0;
	[sflag:s0] =	ssyncpa.u1 $0x0  }
0xde: {  	[tilespmem:s3], [sflag:$0x5] =	stream.linear.gather [spmem:s2], $0x20, $0x38;
	[tilespmem:$0x11A60] =	vst v63  }
0xdf: {  	s2 =	simm.s32 $0x0;
	s3 =	simm.s32 $0xE0  }
0xe0: {  	[tilespmem:s3], [sflag:$0x5] =	stream.linear.gather [spmem:s2], $0x20, $0x38;
	[tilespmem:$0x11A60] =	vst v63  }
.Ltmp7:
0xe1: {  	_ = 	snop;
	(pc) =	sbr.rel .LBB2_12-.Ltmp7, $4  }
0xe2: {  	_ =	swait.ge [sflag:s0], $0x40  }
0xe3: {  	[sflag:s0] =	ssyncset.done $0x0  }
0xe4: {  	s31 =	simm.s32 $0x6;
	[sflag:s0] =	ssyncadd.s32 $0xFFFFFFC0  }
0xe5: {  	s4 =	simm.s32 $0x0;
	[sflag:s31] =	ssyncpa.u1 $0x0  }
.LBB2_17:
0xe6: {  	p0 =	sgt.u32 s5, $0x4FFF  }
0xe7: {  	s0 =	sshrl.u32 @!p0 s5, $0x3  }
0xe8: {  	s5 =	sand.u32 @!p0 $0x7, s5;
	s6 =	simm.s32 @!p0 $0xB0;
	s0 =	sadd.s32 @!p0 s1, s0  }
0xe9: {  	[tilespmem:s6], [sflag:$0x6] =	stream.linear.gather @!p0 [hbm4b:s0+s5], $0x1, $0x38;
	[tilespmem:$0x11A60] =	vst v63  }
0xea: {  	s0 =	simm.s32 @!p0 $0x6  }
0xeb: {  	_ =	swait.ge @!p0 [sflag:s0], $0x1  }
0xec: {  	[sflag:s0] =	ssyncset.done @!p0 $0x0  }
0xed: {  	[sflag:s0] =	ssyncadd.s32 @!p0 $0xFFFFFFFF  }
0xee: {  	v2 =	vmov @!p0 s4;
	v1 =	vld.msk @!p0 [tilespmem:$0xB0], $0x1;
	_ =	sdelay $0x3  }
0xef: {  	s0 =	simm.s32 @!p0 $0xE0  }
0xf0: {  	[tilespmem:v2+s0+$0x0], v1 =	vst.idx.ret.add.f32.msk @!p0 $0x1, v1  }
0xf1: {  	[tilespmem:s2+$0xC0] =	vst.msk $0x1, v0  }
0xf2: {  	v0 =	vld.msk [tilespmem:s4+$0xE0], $0x1;
	_ =	sdelay $0x4  }
0xf3: {  	[tilespmem:s2+$0xE0] =	vst.msk $0x1, v0;
	s2 =	sadd.s32 $0x1, s2  }
.LBB2_19:
0xf4: {  	s4 =	sadd.s32 $0x1, s4  }
0xf5: {  	p0 =	sne.s32 s4, $0x20  }
.Ltmp8:
0xf6: {  	_ = 	snop;
	(pc) =	sbr.rel @!p0 .LBB2_20-.Ltmp8, $1  }
0xf7: {  	_ =	sdelay $0x3  }
.LBB2_12:
0xf8: {  	v0 =	vld.msk [tilespmem:s4+$0xC0], $0x1;
	_ =	sdelay $0x4  }
0xf9: {  	(v2sf) =	vpush v0, $0x0;
	_ =	sdelay $0xe  }
0xfa: {  	s5 =	spop (v2sf)  }
0xfb: {  	p0 =	seq.s32 s5, $0xFFFFFFFF  }
.Ltmp9:
0xfc: {  	_ = 	snop;
	(pc) =	sbr.rel @p0 .LBB2_19-.Ltmp9, $1  }
0xfd: {  	_ =	sdelay $0x3  }
0xfe: {  	p0 =	slt.s32 s2, $0x1  }
.Ltmp10:
0xff: {  	_ = 	snop;
	(pc) =	sbr.rel @p0 .LBB2_17-.Ltmp10, $1  }
0x100: {  	_ =	sdelay $0x3  }
0x101: {  	s0 =	simm.s32 $0xC0;
	p0 =	por $0x0, $0x0  }
0x102: {  	v1 =	vld.msk @!p0 [tilespmem:s0+$0x0], $0x1;
	_ =	sdelay $0x4  }
0x103: {  	(v2sf) =	vpush @!p0 v1, $0x0;
	_ =	sdelay $0xd  }
0x104: {  	p2 =	sne.s32 s2, $0x1  }
.Ltmp11:
0x105: {  	s6 =	spop @!p0 (v2sf);
	(pc) =	sbr.rel @!p2 .LBB2_16-.Ltmp11, $4  }
0x106: {  	p1 =	seq.s32 @!p0 s5, s6  }
0x107: {  	s6 =	simm.s32 $0x0;
	p1 =	por !p1, p0  }
0x108: {  	s8 =	simm.s32 $0xFFFFFFFF;
	s6 =	simm.s32 @p1 $0xFFFFFFFF  }
0x109: {  	s7 =	simm.s32 $0x1;
	s6 =	smov.u32 @p0 s8  }
.LBB2_15:
0x10a: {  	s8 =	smov.u32 s6;
	p0 =	sne.s32 s6, $0xFFFFFFFF  }
0x10b: {  	s0 =	sadd.s32 $0x1, s0;
	s6 =	smov.u32 s7;
	s7 =	sadd.s32 $0x1, s7  }
0x10c: {  	p1 =	sne.s32 s2, s7;
	v1 =	vld.msk @!p0 [tilespmem:s0+$0x0], $0x1;
	_ =	sdelay $0x4  }
0x10d: {  	(v2sf) =	vpush @!p0 v1, $0x0;
	_ =	sdelay $0xe  }
.Ltmp12:
0x10e: {  	s9 =	spop @!p0 (v2sf);
	(pc) =	sbr.rel @p1 .LBB2_15-.Ltmp12, $4  }
0x10f: {  	p2 =	seq.s32 @!p0 s5, s9  }
0x110: {  	p2 =	por !p2, p0  }
0x111: {  	s6 =	simm.s32 @p2 $0xFFFFFFFF  }
0x112: {  	s6 =	smov.u32 @p0 s8  }
.LBB2_16:
0x113: {  	p0 =	sne.s32 s6, $0xFFFFFFFF  }
.Ltmp13:
0x114: {  	_ = 	snop;
	(pc) =	sbr.rel @!p0 .LBB2_17-.Ltmp13, $1  }
0x115: {  	_ =	sdelay $0x3  }
0x116: {  	v0 =	vld.msk [tilespmem:s4+$0xE0], $0x1;
	v1 =	vmov s6  }
.Ltmp14:
0x117: {  	_ = 	snop;
	(pc) =	sbr.rel .LBB2_19-.Ltmp14, $2  }
0x118: {  	_ =	sdelay $0x2  }
0x119: {  	[tilespmem:v1+s3+$0x0], v0 =	vst.idx.ret.add.f32.msk $0x1, v0  }
.LBB2_20:
0x11a: {  	p0 =	slt.s32 s2, $0x1  }
.Ltmp15:
0x11b: {  	_ = 	snop;
	(pc) =	sbr.rel @p0 .LBB2_24-.Ltmp15, $3  }
0x11c: {  	_ =	sdelay $0x1  }
0x11d: {  	s0 =	simm.s32 $0x6  }
0x11e: {  	s3 =	simm.s32 $0x0;
	[sflag:s0] =	ssyncpa.u1 $0x1  }
0x11f: {  	s0 =	simm.s32 $0xC0  }
0x120: {  	v0 =	vld.msk [tilespmem:s0+$0x0], $0x1;
	_ =	sdelay $0x4  }
0x121: {  	(v2sf) =	vpush v0, $0x0;
	_ =	sdelay $0xe  }
0x122: {  	s2 =	sadd.s32 $0xFFFFFFFF, s2;
	s4 =	spop (v2sf)  }
0x123: {  	p1 =	sne.s32 s2, $0x0;
	p0 =	sgt.u32 s4, $0x4FFF  }
.Ltmp16:
0x124: {  	s5 =	sshrl.u32 @!p0 s4, $0x3;
	(pc) =	sbr.rel @!p1 .LBB2_23-.Ltmp16, $4  }
0x125: {  	s0 =	simm.s32 $0xE0;
	s4 =	sand.u32 @!p0 $0x7, s4;
	s5 =	sadd.s32 @!p0 s1, s5  }
0x126: {  	[hbm4b:s5+s4] =	stream.linear.scatter @!p0 [tilespmem:s0], [sflag:$0x5], $0x1, $0x38;
	[tilespmem:$0x11A60] =	vst v63  }
0x127: {  	s5 =	simm.s32 $0x0  }
0x128: {  	s4 =	simm.s32 $0xC1;
	s5 =	simm.s32 @!p0 $0x4  }
.LBB2_22:
0x129: {  	v0 =	vld.msk [tilespmem:s4+$0x0], $0x1;
	s2 =	sadd.s32 $0xFFFFFFFF, s2;
	s3 =	sadd.s32 s3, s5  }
0x12a: {  	p0 =	sne.s32 s2, $0x0;
	_ =	sdelay $0x3  }
0x12b: {  	(v2sf) =	vpush v0, $0x0;
	_ =	sdelay $0xe  }
.Ltmp17:
0x12c: {  	s6 =	spop (v2sf);
	(pc) =	sbr.rel @p0 .LBB2_22-.Ltmp17, $4  }
0x12d: {  	s5 =	simm.s32 $0x0;
	p1 =	sgt.u32 s6, $0x4FFF  }
0x12e: {  	s0 =	sadd.s32 $0x1, s0;
	s5 =	simm.s32 @!p1 $0x4;
	s7 =	sshrl.u32 @!p1 s6, $0x3  }
0x12f: {  	s4 =	sadd.s32 $0x1, s4;
	s6 =	sand.u32 @!p1 $0x7, s6;
	s7 =	sadd.s32 @!p1 s1, s7  }
0x130: {  	[hbm4b:s7+s6] =	stream.linear.scatter @!p1 [tilespmem:s0], [sflag:$0x5], $0x1, $0x38;
	[tilespmem:$0x11A60] =	vst v63  }
.LBB2_23:
0x131: {  	s0 =	sadd.s32 s3, s5  }
0x132: {  	s3 =	sshrl.u32 s0, $0x2  }
.LBB2_24:
0x133: {  	s0 =	simm.s32 $0x5  }
0x134: {  	_ =	swait.ge [sflag:s0], s3  }
0x135: {  	s1 =	ssub.s32 $0x0, s3;
	[sflag:s0] =	ssyncset.done $0x0  }
0x136: {  	[sflag:s0] =	ssyncadd.s32 s1  }
0x137: {  	[sflag:s0] =	ssyncpa.u1 $0x1  }
0x138: {  	s29 =	simm.s32 $0x1;
	_ =	sfence  }
0x139: {  	s30 =	simm.s32 $0x2;
	[sflag:s29] =	ssyncpa.u1 $0x1  }
0x13a: {  	[sflag:s30] =	ssyncpa.u1 $0x1  }
0x13b: {  	_ =	strace $0x90000047  }
0x13c: {  	[bflag:$0x2] =	sbarrier.arrive $0xFFFF  }
0x13d: {  	s31 =	rddreg [dreg:$0x1]  }
0x13e: {  	s0 =	sadd.s32 $0x100000, s31  }
0x13f: {  	[sflag:s0] =	ssyncadd.tile.s32 $0x1;
	_ =	shalt  }
.Lfunc_end2:
_tile_overlayer_lowered:
.L_overlay_start_2:
0x140: {  	(tag) =	ssettag $0x2  }
0x141: {  	s0 =	rddreg [dreg:$0x0];
	s2 =	stileid.u32  }
0x142: {  	s1 =	rddreg [dreg:$0x1];
	p0 =	sne.s32 s2, $0x0  }
0x143: {  	s3 =	rddreg [dreg:$0x2];
	[bflag:$0x3] =	sbarrier.arrive $0xFFFF;
	s2 =	simm.s32 @!p0 $0x1C01  }
0x144: {  	[timem:s3], [sflag:s2] =	dma.local @!p0 [hbm:s0], s1  }
0x145: {  	s0 =	simm.s32 @!p0 $0x1  }
0x146: {  	_ =	swait.ge @!p0 [sflag:s0], s1  }
0x147: {  	s1 =	ssub.s32 @!p0 $0x0, s1;
	[sflag:s0] =	ssyncset.done @!p0 $0x0  }
0x148: {  	[sflag:s0] =	ssyncadd.s32 @!p0 s1  }
0x149: {  	[bflag:$0x3] =	sbarrier.arrive $0xFFFF  }
0x14a: {  	_ =	shalt  }

</sc_bundles>
